<compile_context>
chip_gen: v7x
topology: tpu7x:2x2x1
jax: 0.10.2.dev20260603
libtpu: 0.0.44.dev20260713+nightly
codegen_flags: <defaults>
</compile_context>

<pallas_src>
import functools

import jax
import jax.numpy as jnp
from jax import lax
from jax.experimental import pallas as pl
from jax.experimental.pallas import tpu as pltpu
from jax.experimental.pallas import tpu_sc as plsc

BATCH = 16384
HIST = 200
HIDDEN = 64
TABLE_ROWS = 1000

NC, NS = 2, 16
NW = NC * NS
B = BATCH * HIST
IDX_PER_W = B // NW
CH = 512
NCHUNK = IDX_PER_W // CH
NROWS = B // CH
GATHER_SPLITS = [(0, 128), (128, 128), (256, 128), (384, 128)]

_mesh = plsc.VectorSubcoreMesh(core_axis_name="c", subcore_axis_name="s")


@functools.partial(
    pl.kernel,
    out_type=jax.ShapeDtypeStruct((B, HIDDEN), jnp.float32),
    mesh=_mesh,
    scratch_types=[
        pltpu.VMEM((4, 1, CH), jnp.int32),
        pltpu.VMEM((2, CH, HIDDEN), jnp.float32),
        pltpu.VMEM_SHARED((TABLE_ROWS, HIDDEN), jnp.float32),
        pltpu.SemaphoreType.DMA,
        pltpu.SemaphoreType.DMA,
        pltpu.SemaphoreType.DMA,
        pltpu.SemaphoreType.DMA,
        pltpu.SemaphoreType.DMA,
        pltpu.SemaphoreType.DMA,
        pltpu.SemaphoreType.DMA,
        pltpu.SemaphoreType.DMA,
    ],
    compiler_params=pltpu.CompilerParams(use_tc_tiling_on_sc=False),
)
def _emb_lookup(idx_hbm, table_hbm, out_hbm, idx_v, rows_v, table_s,
                is0, is1, is2, is3, gs0, gs1, os0, os1):
  isems = (is0, is1, is2, is3)
  gsems = (gs0, gs1)
  osems = (os0, os1)
  sid = lax.axis_index("s")
  wid = sid * NC + lax.axis_index("c")
  wbase = wid * IDX_PER_W
  wrow = wid * NCHUNK

  @pl.when(sid == 0)
  def _():
    pltpu.sync_copy(table_hbm, table_s)

  plsc.subcore_barrier()

  def idx_copy(i, q):
    return pltpu.make_async_copy(
        idx_hbm.at[pl.ds(wrow + i, 1)], idx_v.at[q], isems[q])

  def gather_copies(i, q, b):
    return [
        pltpu.make_async_copy(
            table_s.at[idx_v.at[q, 0, pl.ds(o, n)]],
            rows_v.at[b, pl.ds(o, n)], gsems[b])
        for o, n in GATHER_SPLITS
    ]

  def out_copy(i, b):
    return pltpu.make_async_copy(
        rows_v.at[b],
        out_hbm.at[pl.ds(wbase + i * CH, CH)], osems[b])

  idx_copy(0, 0).start()
  idx_copy(1, 1).start()

  idx_copy(0, 0).wait()
  for cp in gather_copies(0, 0, 0):
    cp.start()
  idx_copy(2, 2).start()

  idx_copy(1, 1).wait()
  for cp in gather_copies(1, 1, 1):
    cp.start()
  idx_copy(3, 3).start()
  for cp in gather_copies(0, 0, 0):
    cp.wait()
  out_copy(0, 0).start()

  def step(i, q, b, prefetch):
    idx_copy(i, q).wait()
    out_copy(i - 2, b).wait()
    for cp in gather_copies(i, q, b):
      cp.start()
    if prefetch:
      idx_copy(i + 2, (q + 2) % 4).start()
    pb = 1 - b
    for cp in gather_copies(i - 1, (q - 1) % 4, pb):
      cp.wait()
    out_copy(i - 1, pb).start()

  def body(t, carry):
    for j in range(4):
      step(2 + 4 * t + j, (2 + j) % 4, j % 2, True)
    return carry

  lax.fori_loop(0, (NCHUNK - 4) // 4, body, 0)

  step(NCHUNK - 2, (NCHUNK - 2) % 4, 0, False)
  step(NCHUNK - 1, (NCHUNK - 1) % 4, 1, False)
  for cp in gather_copies(NCHUNK - 1, (NCHUNK - 1) % 4, 1):
    cp.wait()
  out_copy(NCHUNK - 1, 1).start()
  out_copy(NCHUNK - 2, 0).wait()
  out_copy(NCHUNK - 1, 1).wait()


def kernel(week_numbers, week_embed):
  idx = week_numbers.astype(jnp.int32).reshape(NROWS, CH)
  out = _emb_lookup(idx, week_embed)
  return out.reshape(BATCH, HIST, HIDDEN)

# --- scband reference (transcript-rebuilt; emitter-appended) ---
"""Pipeline reference for scband-temporal-encoder-3478923510249 (READ-ONLY COPY).

The authoritative reference and input builder live on the scoring server;
editing this copy changes nothing except your own understanding.
"""

import jax, jax.numpy as jnp
import numpy as np

MAX_WEEKS = 999
HIDDEN_DIM = 64
BATCH = 16384
HIST = 200


def setup_inputs(seed: int = 0) -> dict:
    key = jax.random.key(seed)
    k_idx, k_tab = jax.random.split(key)
    week_numbers = jax.random.randint(k_idx, (BATCH, HIST), 0, 1000, dtype=jnp.int64 if jax.config.jax_enable_x64 else jnp.int32)
    week_embed = jax.random.normal(k_tab, (MAX_WEEKS + 1, HIDDEN_DIM), dtype=jnp.float32)
    return {"week_numbers": week_numbers, "week_embed": week_embed}


def reference(week_numbers, week_embed):
    # Equivalent of nn.Embedding lookup: week_embed(week_numbers.long())
    idx = week_numbers.astype(jnp.int32)
    return jnp.take(week_embed, idx, axis=0)

if __name__ == "__main__":
    import jax
    _d = setup_inputs()
    print(jax.jit(kernel)(*tuple(_d.values())))

</pallas_src>

<mosaic_0001>
#map = affine_map<(d0, d1) -> (0, 0)>
module attributes {stable_mosaic.version = 14 : i64} {
  func.func @_emb_lookup(%arg0: i32, %arg1: i32, %arg2: memref<6400x512xi32, #tpu.memory_space<hbm>>, %arg3: memref<1000x64xf32, #tpu.memory_space<hbm>>, %arg4: memref<3276800x64xf32, #tpu.memory_space<hbm>>, %arg5: memref<4x1x512xi32, #tpu.memory_space<vmem>>, %arg6: memref<2x512x64xf32, #tpu.memory_space<vmem>>, %arg7: memref<1000x64xf32, #tpu.memory_space<vmem_shared>>, %arg8: memref<!tpu.dma_semaphore, #tpu.memory_space<semaphore_mem>>, %arg9: memref<!tpu.dma_semaphore, #tpu.memory_space<semaphore_mem>>, %arg10: memref<!tpu.dma_semaphore, #tpu.memory_space<semaphore_mem>>, %arg11: memref<!tpu.dma_semaphore, #tpu.memory_space<semaphore_mem>>, %arg12: memref<!tpu.dma_semaphore, #tpu.memory_space<semaphore_mem>>, %arg13: memref<!tpu.dma_semaphore, #tpu.memory_space<semaphore_mem>>, %arg14: memref<!tpu.dma_semaphore, #tpu.memory_space<semaphore_mem>>, %arg15: memref<!tpu.dma_semaphore, #tpu.memory_space<semaphore_mem>>) attributes {dimension_semantics = [#tpu.dimension_semantics<core_parallel>, #tpu.dimension_semantics<subcore_parallel>], iteration_bounds = array<i64: 2, 16>, scalar_prefetch = 0 : i64, scratch_operands = 11 : i64, tpu.core_type = #tpu.core_type<sc_vector_subcore>, window_params = [{transform_indices = #map}, {transform_indices = #map}, {transform_indices = #map}]} {
    %mul3A = arith.constant 2 : i32
    %mul3A_0 = arith.muli %arg1, %mul3A : i32
    %add3A = arith.addi %mul3A_0, %arg0 : i32
    %mul3A_1 = arith.constant 102400 : i32
    %mul3A_2 = arith.muli %add3A, %mul3A_1 : i32
    %mul3A_3 = arith.constant 200 : i32
    %mul3A_4 = arith.muli %add3A, %mul3A_3 : i32
    %eq3A = arith.constant 0 : i32
    %eq3A_5 = arith.cmpi eq, %arg1, %eq3A : i32
    %convert_element_type3A = arith.extui %eq3A_5 : i1 to i32
    %cond3A = arith.constant 0 : i32
    %cond3A_6 = arith.cmpi ne, %convert_element_type3A, %cond3A : i32
    scf.if %cond3A_6 {
      "tpu.region"() ({
        %run_scoped3A = tpu.sem_alloc : memref<!tpu.dma_semaphore, #tpu.memory_space<semaphore_mem>>
        tpu.enqueue_dma source(%arg3 : memref<1000x64xf32, #tpu.memory_space<hbm>>) target(%arg7 : memref<1000x64xf32, #tpu.memory_space<vmem_shared>>) target_semaphore(%run_scoped3A : memref<!tpu.dma_semaphore, #tpu.memory_space<semaphore_mem>>)
        tpu.wait_dma2 semaphore(%run_scoped3A : memref<!tpu.dma_semaphore, #tpu.memory_space<semaphore_mem>>) src(%arg3 : memref<1000x64xf32, #tpu.memory_space<hbm>>) dst(%arg7 : memref<1000x64xf32, #tpu.memory_space<vmem_shared>>)
        tpu.yield
      }) : () -> ()
    } else {
    }
    %barrier3A = arith.constant 0 : index
    tpu.barrier barrier_id(%barrier3A)
    %add3A_7 = arith.constant 0 : i32
    %add3A_8 = arith.addi %mul3A_4, %add3A_7 : i32
    %dma_start3A = arith.constant 0 : i32
    %dma_start3A_9 = arith.constant 0 : i32
    %dma_start3A_10 = arith.constant 0 : i32
    %dma_start3A_11 = tpu.memref_slice %arg5[%dma_start3A, %dma_start3A_9, %dma_start3A_10] : memref<4x1x512xi32, #tpu.memory_space<vmem>> -> memref<1x1x512xi32, #tpu.memory_space<vmem>>
    %dma_start3A_12 = tpu.memref_squeeze %dma_start3A_11 : memref<1x1x512xi32, #tpu.memory_space<vmem>> -> memref<1x512xi32, #tpu.memory_space<vmem>>
    %dma_start3A_13 = arith.constant 0 : i32
    %dma_start3A_14 = tpu.memref_slice %arg2[%add3A_8, %dma_start3A_13] : memref<6400x512xi32, #tpu.memory_space<hbm>> -> memref<1x512xi32, #tpu.memory_space<hbm>>
    %dma_start3A_15 = arith.constant 0 : i32
    %dma_start3A_16 = arith.constant 0 : i32
    %dma_start3A_17 = tpu.memref_slice %arg5[%dma_start3A, %dma_start3A_15, %dma_start3A_16] : memref<4x1x512xi32, #tpu.memory_space<vmem>> -> memref<1x1x512xi32, #tpu.memory_space<vmem>>
    %dma_start3A_18 = tpu.memref_squeeze %dma_start3A_17 : memref<1x1x512xi32, #tpu.memory_space<vmem>> -> memref<1x512xi32, #tpu.memory_space<vmem>>
    %dma_start3A_19 = arith.constant 0 : i32
    %dma_start3A_20 = tpu.memref_slice %arg2[%add3A_8, %dma_start3A_19] : memref<6400x512xi32, #tpu.memory_space<hbm>> -> memref<1x512xi32, #tpu.memory_space<hbm>>
    tpu.enqueue_dma source(%dma_start3A_20 : memref<1x512xi32, #tpu.memory_space<hbm>>) target(%dma_start3A_18 : memref<1x512xi32, #tpu.memory_space<vmem>>) target_semaphore(%arg8 : memref<!tpu.dma_semaphore, #tpu.memory_space<semaphore_mem>>)
    %add3A_21 = arith.constant 1 : i32
    %add3A_22 = arith.addi %mul3A_4, %add3A_21 : i32
    %dma_start3A_23 = arith.constant 1 : i32
    %dma_start3A_24 = arith.constant 0 : i32
    %dma_start3A_25 = arith.constant 0 : i32
    %dma_start3A_26 = tpu.memref_slice %arg5[%dma_start3A_23, %dma_start3A_24, %dma_start3A_25] : memref<4x1x512xi32, #tpu.memory_space<vmem>> -> memref<1x1x512xi32, #tpu.memory_space<vmem>>
    %dma_start3A_27 = tpu.memref_squeeze %dma_start3A_26 : memref<1x1x512xi32, #tpu.memory_space<vmem>> -> memref<1x512xi32, #tpu.memory_space<vmem>>
    %dma_start3A_28 = arith.constant 0 : i32
    %dma_start3A_29 = tpu.memref_slice %arg2[%add3A_22, %dma_start3A_28] : memref<6400x512xi32, #tpu.memory_space<hbm>> -> memref<1x512xi32, #tpu.memory_space<hbm>>
    %dma_start3A_30 = arith.constant 0 : i32
    %dma_start3A_31 = arith.constant 0 : i32
    %dma_start3A_32 = tpu.memref_slice %arg5[%dma_start3A_23, %dma_start3A_30, %dma_start3A_31] : memref<4x1x512xi32, #tpu.memory_space<vmem>> -> memref<1x1x512xi32, #tpu.memory_space<vmem>>
    %dma_start3A_33 = tpu.memref_squeeze %dma_start3A_32 : memref<1x1x512xi32, #tpu.memory_space<vmem>> -> memref<1x512xi32, #tpu.memory_space<vmem>>
    %dma_start3A_34 = arith.constant 0 : i32
    %dma_start3A_35 = tpu.memref_slice %arg2[%add3A_22, %dma_start3A_34] : memref<6400x512xi32, #tpu.memory_space<hbm>> -> memref<1x512xi32, #tpu.memory_space<hbm>>
    tpu.enqueue_dma source(%dma_start3A_35 : memref<1x512xi32, #tpu.memory_space<hbm>>) target(%dma_start3A_33 : memref<1x512xi32, #tpu.memory_space<vmem>>) target_semaphore(%arg9 : memref<!tpu.dma_semaphore, #tpu.memory_space<semaphore_mem>>)
    %add3A_36 = arith.constant 0 : i32
    %add3A_37 = arith.addi %mul3A_4, %add3A_36 : i32
    %dma_wait3A = arith.constant 0 : i32
    %dma_wait3A_38 = arith.constant 0 : i32
    %dma_wait3A_39 = arith.constant 0 : i32
    %dma_wait3A_40 = tpu.memref_slice %arg5[%dma_wait3A, %dma_wait3A_38, %dma_wait3A_39] : memref<4x1x512xi32, #tpu.memory_space<vmem>> -> memref<1x1x512xi32, #tpu.memory_space<vmem>>
    %dma_wait3A_41 = tpu.memref_squeeze %dma_wait3A_40 : memref<1x1x512xi32, #tpu.memory_space<vmem>> -> memref<1x512xi32, #tpu.memory_space<vmem>>
    %dma_wait3A_42 = arith.constant 0 : i32
    %dma_wait3A_43 = tpu.memref_slice %arg2[%add3A_37, %dma_wait3A_42] : memref<6400x512xi32, #tpu.memory_space<hbm>> -> memref<1x512xi32, #tpu.memory_space<hbm>>
    %dma_wait3A_44 = arith.constant 0 : i32
    %dma_wait3A_45 = arith.constant 0 : i32
    %dma_wait3A_46 = tpu.memref_slice %arg5[%dma_wait3A, %dma_wait3A_44, %dma_wait3A_45] : memref<4x1x512xi32, #tpu.memory_space<vmem>> -> memref<1x1x512xi32, #tpu.memory_space<vmem>>
    %dma_wait3A_47 = tpu.memref_squeeze %dma_wait3A_46 : memref<1x1x512xi32, #tpu.memory_space<vmem>> -> memref<1x512xi32, #tpu.memory_space<vmem>>
    %dma_wait3A_48 = arith.constant 0 : i32
    %dma_wait3A_49 = tpu.memref_slice %arg2[%add3A_37, %dma_wait3A_48] : memref<6400x512xi32, #tpu.memory_space<hbm>> -> memref<1x512xi32, #tpu.memory_space<hbm>>
    tpu.wait_dma2 semaphore(%arg8 : memref<!tpu.dma_semaphore, #tpu.memory_space<semaphore_mem>>) src(%dma_wait3A_49 : memref<1x512xi32, #tpu.memory_space<hbm>>) dst(%dma_wait3A_47 : memref<1x512xi32, #tpu.memory_space<vmem>>)
    %dma_start3A_50 = arith.constant 0 : i32
    %dma_start3A_51 = arith.constant 0 : i32
    %dma_start3A_52 = arith.constant 0 : i32
    %dma_start3A_53 = arith.constant 0 : i32
    %dma_start3A_54 = arith.constant 0 : i32
    %dma_start3A_55 = tpu.memref_slice %arg6[%dma_start3A_52, %dma_start3A_53, %dma_start3A_54] : memref<2x512x64xf32, #tpu.memory_space<vmem>> -> memref<1x128x64xf32, #tpu.memory_space<vmem>>
    %dma_start3A_56 = tpu.memref_squeeze %dma_start3A_55 : memref<1x128x64xf32, #tpu.memory_space<vmem>> -> memref<128x64xf32, #tpu.memory_space<vmem>>
    %dma_start3A_57 = arith.constant 0 : i32
    %dma_start3A_58 = tpu.memref_slice %arg5[%dma_start3A_50, %dma_start3A_51, %dma_start3A_57] : memref<4x1x512xi32, #tpu.memory_space<vmem>> -> memref<1x1x128xi32, #tpu.memory_space<vmem>>
    %dma_start3A_59 = tpu.memref_squeeze %dma_start3A_58 : memref<1x1x128xi32, #tpu.memory_space<vmem>> -> memref<128xi32, #tpu.memory_space<vmem>>
    %dma_start3A_60 = arith.constant 0 : i32
    %dma_start3A_61 = arith.constant 0 : i32
    %dma_start3A_62 = tpu.memref_slice %arg7[%dma_start3A_60, %dma_start3A_61] : memref<1000x64xf32, #tpu.memory_space<vmem_shared>> -> memref<1000x64xf32, #tpu.memory_space<vmem_shared>>
    tpu.enqueue_indirect_dma source(%dma_start3A_62 : memref<1000x64xf32, #tpu.memory_space<vmem_shared>>) target(%dma_start3A_56 : memref<128x64xf32, #tpu.memory_space<vmem>>) offsets(%dma_start3A_59 : memref<128xi32, #tpu.memory_space<vmem>>) semaphore(%arg12 : memref<!tpu.dma_semaphore, #tpu.memory_space<semaphore_mem>>)
    %dma_start3A_63 = arith.constant 0 : i32
    %dma_start3A_64 = arith.constant 0 : i32
    %dma_start3A_65 = arith.constant 0 : i32
    %dma_start3A_66 = arith.constant 128 : i32
    %dma_start3A_67 = arith.constant 0 : i32
    %dma_start3A_68 = tpu.memref_slice %arg6[%dma_start3A_65, %dma_start3A_66, %dma_start3A_67] : memref<2x512x64xf32, #tpu.memory_space<vmem>> -> memref<1x128x64xf32, #tpu.memory_space<vmem>>
    %dma_start3A_69 = tpu.memref_squeeze %dma_start3A_68 : memref<1x128x64xf32, #tpu.memory_space<vmem>> -> memref<128x64xf32, #tpu.memory_space<vmem>>
    %dma_start3A_70 = arith.constant 128 : i32
    %dma_start3A_71 = tpu.memref_slice %arg5[%dma_start3A_63, %dma_start3A_64, %dma_start3A_70] : memref<4x1x512xi32, #tpu.memory_space<vmem>> -> memref<1x1x128xi32, #tpu.memory_space<vmem>>
    %dma_start3A_72 = tpu.memref_squeeze %dma_start3A_71 : memref<1x1x128xi32, #tpu.memory_space<vmem>> -> memref<128xi32, #tpu.memory_space<vmem>>
    %dma_start3A_73 = arith.constant 0 : i32
    %dma_start3A_74 = arith.constant 0 : i32
    %dma_start3A_75 = tpu.memref_slice %arg7[%dma_start3A_73, %dma_start3A_74] : memref<1000x64xf32, #tpu.memory_space<vmem_shared>> -> memref<1000x64xf32, #tpu.memory_space<vmem_shared>>
    tpu.enqueue_indirect_dma source(%dma_start3A_75 : memref<1000x64xf32, #tpu.memory_space<vmem_shared>>) target(%dma_start3A_69 : memref<128x64xf32, #tpu.memory_space<vmem>>) offsets(%dma_start3A_72 : memref<128xi32, #tpu.memory_space<vmem>>) semaphore(%arg12 : memref<!tpu.dma_semaphore, #tpu.memory_space<semaphore_mem>>)
    %dma_start3A_76 = arith.constant 0 : i32
    %dma_start3A_77 = arith.constant 0 : i32
    %dma_start3A_78 = arith.constant 0 : i32
    %dma_start3A_79 = arith.constant 256 : i32
    %dma_start3A_80 = arith.constant 0 : i32
    %dma_start3A_81 = tpu.memref_slice %arg6[%dma_start3A_78, %dma_start3A_79, %dma_start3A_80] : memref<2x512x64xf32, #tpu.memory_space<vmem>> -> memref<1x128x64xf32, #tpu.memory_space<vmem>>
    %dma_start3A_82 = tpu.memref_squeeze %dma_start3A_81 : memref<1x128x64xf32, #tpu.memory_space<vmem>> -> memref<128x64xf32, #tpu.memory_space<vmem>>
    %dma_start3A_83 = arith.constant 256 : i32
    %dma_start3A_84 = tpu.memref_slice %arg5[%dma_start3A_76, %dma_start3A_77, %dma_start3A_83] : memref<4x1x512xi32, #tpu.memory_space<vmem>> -> memref<1x1x128xi32, #tpu.memory_space<vmem>>
    %dma_start3A_85 = tpu.memref_squeeze %dma_start3A_84 : memref<1x1x128xi32, #tpu.memory_space<vmem>> -> memref<128xi32, #tpu.memory_space<vmem>>
    %dma_start3A_86 = arith.constant 0 : i32
    %dma_start3A_87 = arith.constant 0 : i32
    %dma_start3A_88 = tpu.memref_slice %arg7[%dma_start3A_86, %dma_start3A_87] : memref<1000x64xf32, #tpu.memory_space<vmem_shared>> -> memref<1000x64xf32, #tpu.memory_space<vmem_shared>>
    tpu.enqueue_indirect_dma source(%dma_start3A_88 : memref<1000x64xf32, #tpu.memory_space<vmem_shared>>) target(%dma_start3A_82 : memref<128x64xf32, #tpu.memory_space<vmem>>) offsets(%dma_start3A_85 : memref<128xi32, #tpu.memory_space<vmem>>) semaphore(%arg12 : memref<!tpu.dma_semaphore, #tpu.memory_space<semaphore_mem>>)
    %dma_start3A_89 = arith.constant 0 : i32
    %dma_start3A_90 = arith.constant 0 : i32
    %dma_start3A_91 = arith.constant 0 : i32
    %dma_start3A_92 = arith.constant 384 : i32
    %dma_start3A_93 = arith.constant 0 : i32
    %dma_start3A_94 = tpu.memref_slice %arg6[%dma_start3A_91, %dma_start3A_92, %dma_start3A_93] : memref<2x512x64xf32, #tpu.memory_space<vmem>> -> memref<1x128x64xf32, #tpu.memory_space<vmem>>
    %dma_start3A_95 = tpu.memref_squeeze %dma_start3A_94 : memref<1x128x64xf32, #tpu.memory_space<vmem>> -> memref<128x64xf32, #tpu.memory_space<vmem>>
    %dma_start3A_96 = arith.constant 384 : i32
    %dma_start3A_97 = tpu.memref_slice %arg5[%dma_start3A_89, %dma_start3A_90, %dma_start3A_96] : memref<4x1x512xi32, #tpu.memory_space<vmem>> -> memref<1x1x128xi32, #tpu.memory_space<vmem>>
    %dma_start3A_98 = tpu.memref_squeeze %dma_start3A_97 : memref<1x1x128xi32, #tpu.memory_space<vmem>> -> memref<128xi32, #tpu.memory_space<vmem>>
    %dma_start3A_99 = arith.constant 0 : i32
    %dma_start3A_100 = arith.constant 0 : i32
    %dma_start3A_101 = tpu.memref_slice %arg7[%dma_start3A_99, %dma_start3A_100] : memref<1000x64xf32, #tpu.memory_space<vmem_shared>> -> memref<1000x64xf32, #tpu.memory_space<vmem_shared>>
    tpu.enqueue_indirect_dma source(%dma_start3A_101 : memref<1000x64xf32, #tpu.memory_space<vmem_shared>>) target(%dma_start3A_95 : memref<128x64xf32, #tpu.memory_space<vmem>>) offsets(%dma_start3A_98 : memref<128xi32, #tpu.memory_space<vmem>>) semaphore(%arg12 : memref<!tpu.dma_semaphore, #tpu.memory_space<semaphore_mem>>)
    %add3A_102 = arith.constant 2 : i32
    %add3A_103 = arith.addi %mul3A_4, %add3A_102 : i32
    %dma_start3A_104 = arith.constant 2 : i32
    %dma_start3A_105 = arith.constant 0 : i32
    %dma_start3A_106 = arith.constant 0 : i32
    %dma_start3A_107 = tpu.memref_slice %arg5[%dma_start3A_104, %dma_start3A_105, %dma_start3A_106] : memref<4x1x512xi32, #tpu.memory_space<vmem>> -> memref<1x1x512xi32, #tpu.memory_space<vmem>>
    %dma_start3A_108 = tpu.memref_squeeze %dma_start3A_107 : memref<1x1x512xi32, #tpu.memory_space<vmem>> -> memref<1x512xi32, #tpu.memory_space<vmem>>
    %dma_start3A_109 = arith.constant 0 : i32
    %dma_start3A_110 = tpu.memref_slice %arg2[%add3A_103, %dma_start3A_109] : memref<6400x512xi32, #tpu.memory_space<hbm>> -> memref<1x512xi32, #tpu.memory_space<hbm>>
    %dma_start3A_111 = arith.constant 0 : i32
    %dma_start3A_112 = arith.constant 0 : i32
    %dma_start3A_113 = tpu.memref_slice %arg5[%dma_start3A_104, %dma_start3A_111, %dma_start3A_112] : memref<4x1x512xi32, #tpu.memory_space<vmem>> -> memref<1x1x512xi32, #tpu.memory_space<vmem>>
    %dma_start3A_114 = tpu.memref_squeeze %dma_start3A_113 : memref<1x1x512xi32, #tpu.memory_space<vmem>> -> memref<1x512xi32, #tpu.memory_space<vmem>>
    %dma_start3A_115 = arith.constant 0 : i32
    %dma_start3A_116 = tpu.memref_slice %arg2[%add3A_103, %dma_start3A_115] : memref<6400x512xi32, #tpu.memory_space<hbm>> -> memref<1x512xi32, #tpu.memory_space<hbm>>
    tpu.enqueue_dma source(%dma_start3A_116 : memref<1x512xi32, #tpu.memory_space<hbm>>) target(%dma_start3A_114 : memref<1x512xi32, #tpu.memory_space<vmem>>) target_semaphore(%arg10 : memref<!tpu.dma_semaphore, #tpu.memory_space<semaphore_mem>>)
    %add3A_117 = arith.constant 1 : i32
    %add3A_118 = arith.addi %mul3A_4, %add3A_117 : i32
    %dma_wait3A_119 = arith.constant 1 : i32
    %dma_wait3A_120 = arith.constant 0 : i32
    %dma_wait3A_121 = arith.constant 0 : i32
    %dma_wait3A_122 = tpu.memref_slice %arg5[%dma_wait3A_119, %dma_wait3A_120, %dma_wait3A_121] : memref<4x1x512xi32, #tpu.memory_space<vmem>> -> memref<1x1x512xi32, #tpu.memory_space<vmem>>
    %dma_wait3A_123 = tpu.memref_squeeze %dma_wait3A_122 : memref<1x1x512xi32, #tpu.memory_space<vmem>> -> memref<1x512xi32, #tpu.memory_space<vmem>>
    %dma_wait3A_124 = arith.constant 0 : i32
    %dma_wait3A_125 = tpu.memref_slice %arg2[%add3A_118, %dma_wait3A_124] : memref<6400x512xi32, #tpu.memory_space<hbm>> -> memref<1x512xi32, #tpu.memory_space<hbm>>
    %dma_wait3A_126 = arith.constant 0 : i32
    %dma_wait3A_127 = arith.constant 0 : i32
    %dma_wait3A_128 = tpu.memref_slice %arg5[%dma_wait3A_119, %dma_wait3A_126, %dma_wait3A_127] : memref<4x1x512xi32, #tpu.memory_space<vmem>> -> memref<1x1x512xi32, #tpu.memory_space<vmem>>
    %dma_wait3A_129 = tpu.memref_squeeze %dma_wait3A_128 : memref<1x1x512xi32, #tpu.memory_space<vmem>> -> memref<1x512xi32, #tpu.memory_space<vmem>>
    %dma_wait3A_130 = arith.constant 0 : i32
    %dma_wait3A_131 = tpu.memref_slice %arg2[%add3A_118, %dma_wait3A_130] : memref<6400x512xi32, #tpu.memory_space<hbm>> -> memref<1x512xi32, #tpu.memory_space<hbm>>
    tpu.wait_dma2 semaphore(%arg9 : memref<!tpu.dma_semaphore, #tpu.memory_space<semaphore_mem>>) src(%dma_wait3A_131 : memref<1x512xi32, #tpu.memory_space<hbm>>) dst(%dma_wait3A_129 : memref<1x512xi32, #tpu.memory_space<vmem>>)
    %dma_start3A_132 = arith.constant 1 : i32
    %dma_start3A_133 = arith.constant 0 : i32
    %dma_start3A_134 = arith.constant 1 : i32
    %dma_start3A_135 = arith.constant 0 : i32
    %dma_start3A_136 = arith.constant 0 : i32
    %dma_start3A_137 = tpu.memref_slice %arg6[%dma_start3A_134, %dma_start3A_135, %dma_start3A_136] : memref<2x512x64xf32, #tpu.memory_space<vmem>> -> memref<1x128x64xf32, #tpu.memory_space<vmem>>
    %dma_start3A_138 = tpu.memref_squeeze %dma_start3A_137 : memref<1x128x64xf32, #tpu.memory_space<vmem>> -> memref<128x64xf32, #tpu.memory_space<vmem>>
    %dma_start3A_139 = arith.constant 0 : i32
    %dma_start3A_140 = tpu.memref_slice %arg5[%dma_start3A_132, %dma_start3A_133, %dma_start3A_139] : memref<4x1x512xi32, #tpu.memory_space<vmem>> -> memref<1x1x128xi32, #tpu.memory_space<vmem>>
    %dma_start3A_141 = tpu.memref_squeeze %dma_start3A_140 : memref<1x1x128xi32, #tpu.memory_space<vmem>> -> memref<128xi32, #tpu.memory_space<vmem>>
    %dma_start3A_142 = arith.constant 0 : i32
    %dma_start3A_143 = arith.constant 0 : i32
    %dma_start3A_144 = tpu.memref_slice %arg7[%dma_start3A_142, %dma_start3A_143] : memref<1000x64xf32, #tpu.memory_space<vmem_shared>> -> memref<1000x64xf32, #tpu.memory_space<vmem_shared>>
    tpu.enqueue_indirect_dma source(%dma_start3A_144 : memref<1000x64xf32, #tpu.memory_space<vmem_shared>>) target(%dma_start3A_138 : memref<128x64xf32, #tpu.memory_space<vmem>>) offsets(%dma_start3A_141 : memref<128xi32, #tpu.memory_space<vmem>>) semaphore(%arg13 : memref<!tpu.dma_semaphore, #tpu.memory_space<semaphore_mem>>)
    %dma_start3A_145 = arith.constant 1 : i32
    %dma_start3A_146 = arith.constant 0 : i32
    %dma_start3A_147 = arith.constant 1 : i32
    %dma_start3A_148 = arith.constant 128 : i32
    %dma_start3A_149 = arith.constant 0 : i32
    %dma_start3A_150 = tpu.memref_slice %arg6[%dma_start3A_147, %dma_start3A_148, %dma_start3A_149] : memref<2x512x64xf32, #tpu.memory_space<vmem>> -> memref<1x128x64xf32, #tpu.memory_space<vmem>>
    %dma_start3A_151 = tpu.memref_squeeze %dma_start3A_150 : memref<1x128x64xf32, #tpu.memory_space<vmem>> -> memref<128x64xf32, #tpu.memory_space<vmem>>
    %dma_start3A_152 = arith.constant 128 : i32
    %dma_start3A_153 = tpu.memref_slice %arg5[%dma_start3A_145, %dma_start3A_146, %dma_start3A_152] : memref<4x1x512xi32, #tpu.memory_space<vmem>> -> memref<1x1x128xi32, #tpu.memory_space<vmem>>
    %dma_start3A_154 = tpu.memref_squeeze %dma_start3A_153 : memref<1x1x128xi32, #tpu.memory_space<vmem>> -> memref<128xi32, #tpu.memory_space<vmem>>
    %dma_start3A_155 = arith.constant 0 : i32
    %dma_start3A_156 = arith.constant 0 : i32
    %dma_start3A_157 = tpu.memref_slice %arg7[%dma_start3A_155, %dma_start3A_156] : memref<1000x64xf32, #tpu.memory_space<vmem_shared>> -> memref<1000x64xf32, #tpu.memory_space<vmem_shared>>
    tpu.enqueue_indirect_dma source(%dma_start3A_157 : memref<1000x64xf32, #tpu.memory_space<vmem_shared>>) target(%dma_start3A_151 : memref<128x64xf32, #tpu.memory_space<vmem>>) offsets(%dma_start3A_154 : memref<128xi32, #tpu.memory_space<vmem>>) semaphore(%arg13 : memref<!tpu.dma_semaphore, #tpu.memory_space<semaphore_mem>>)
    %dma_start3A_158 = arith.constant 1 : i32
    %dma_start3A_159 = arith.constant 0 : i32
    %dma_start3A_160 = arith.constant 1 : i32
    %dma_start3A_161 = arith.constant 256 : i32
    %dma_start3A_162 = arith.constant 0 : i32
    %dma_start3A_163 = tpu.memref_slice %arg6[%dma_start3A_160, %dma_start3A_161, %dma_start3A_162] : memref<2x512x64xf32, #tpu.memory_space<vmem>> -> memref<1x128x64xf32, #tpu.memory_space<vmem>>
    %dma_start3A_164 = tpu.memref_squeeze %dma_start3A_163 : memref<1x128x64xf32, #tpu.memory_space<vmem>> -> memref<128x64xf32, #tpu.memory_space<vmem>>
    %dma_start3A_165 = arith.constant 256 : i32
    %dma_start3A_166 = tpu.memref_slice %arg5[%dma_start3A_158, %dma_start3A_159, %dma_start3A_165] : memref<4x1x512xi32, #tpu.memory_space<vmem>> -> memref<1x1x128xi32, #tpu.memory_space<vmem>>
    %dma_start3A_167 = tpu.memref_squeeze %dma_start3A_166 : memref<1x1x128xi32, #tpu.memory_space<vmem>> -> memref<128xi32, #tpu.memory_space<vmem>>
    %dma_start3A_168 = arith.constant 0 : i32
    %dma_start3A_169 = arith.constant 0 : i32
    %dma_start3A_170 = tpu.memref_slice %arg7[%dma_start3A_168, %dma_start3A_169] : memref<1000x64xf32, #tpu.memory_space<vmem_shared>> -> memref<1000x64xf32, #tpu.memory_space<vmem_shared>>
    tpu.enqueue_indirect_dma source(%dma_start3A_170 : memref<1000x64xf32, #tpu.memory_space<vmem_shared>>) target(%dma_start3A_164 : memref<128x64xf32, #tpu.memory_space<vmem>>) offsets(%dma_start3A_167 : memref<128xi32, #tpu.memory_space<vmem>>) semaphore(%arg13 : memref<!tpu.dma_semaphore, #tpu.memory_space<semaphore_mem>>)
    %dma_start3A_171 = arith.constant 1 : i32
    %dma_start3A_172 = arith.constant 0 : i32
    %dma_start3A_173 = arith.constant 1 : i32
    %dma_start3A_174 = arith.constant 384 : i32
    %dma_start3A_175 = arith.constant 0 : i32
    %dma_start3A_176 = tpu.memref_slice %arg6[%dma_start3A_173, %dma_start3A_174, %dma_start3A_175] : memref<2x512x64xf32, #tpu.memory_space<vmem>> -> memref<1x128x64xf32, #tpu.memory_space<vmem>>
    %dma_start3A_177 = tpu.memref_squeeze %dma_start3A_176 : memref<1x128x64xf32, #tpu.memory_space<vmem>> -> memref<128x64xf32, #tpu.memory_space<vmem>>
    %dma_start3A_178 = arith.constant 384 : i32
    %dma_start3A_179 = tpu.memref_slice %arg5[%dma_start3A_171, %dma_start3A_172, %dma_start3A_178] : memref<4x1x512xi32, #tpu.memory_space<vmem>> -> memref<1x1x128xi32, #tpu.memory_space<vmem>>
    %dma_start3A_180 = tpu.memref_squeeze %dma_start3A_179 : memref<1x1x128xi32, #tpu.memory_space<vmem>> -> memref<128xi32, #tpu.memory_space<vmem>>
    %dma_start3A_181 = arith.constant 0 : i32
    %dma_start3A_182 = arith.constant 0 : i32
    %dma_start3A_183 = tpu.memref_slice %arg7[%dma_start3A_181, %dma_start3A_182] : memref<1000x64xf32, #tpu.memory_space<vmem_shared>> -> memref<1000x64xf32, #tpu.memory_space<vmem_shared>>
    tpu.enqueue_indirect_dma source(%dma_start3A_183 : memref<1000x64xf32, #tpu.memory_space<vmem_shared>>) target(%dma_start3A_177 : memref<128x64xf32, #tpu.memory_space<vmem>>) offsets(%dma_start3A_180 : memref<128xi32, #tpu.memory_space<vmem>>) semaphore(%arg13 : memref<!tpu.dma_semaphore, #tpu.memory_space<semaphore_mem>>)
    %add3A_184 = arith.constant 3 : i32
    %add3A_185 = arith.addi %mul3A_4, %add3A_184 : i32
    %dma_start3A_186 = arith.constant 3 : i32
    %dma_start3A_187 = arith.constant 0 : i32
    %dma_start3A_188 = arith.constant 0 : i32
    %dma_start3A_189 = tpu.memref_slice %arg5[%dma_start3A_186, %dma_start3A_187, %dma_start3A_188] : memref<4x1x512xi32, #tpu.memory_space<vmem>> -> memref<1x1x512xi32, #tpu.memory_space<vmem>>
    %dma_start3A_190 = tpu.memref_squeeze %dma_start3A_189 : memref<1x1x512xi32, #tpu.memory_space<vmem>> -> memref<1x512xi32, #tpu.memory_space<vmem>>
    %dma_start3A_191 = arith.constant 0 : i32
    %dma_start3A_192 = tpu.memref_slice %arg2[%add3A_185, %dma_start3A_191] : memref<6400x512xi32, #tpu.memory_space<hbm>> -> memref<1x512xi32, #tpu.memory_space<hbm>>
    %dma_start3A_193 = arith.constant 0 : i32
    %dma_start3A_194 = arith.constant 0 : i32
    %dma_start3A_195 = tpu.memref_slice %arg5[%dma_start3A_186, %dma_start3A_193, %dma_start3A_194] : memref<4x1x512xi32, #tpu.memory_space<vmem>> -> memref<1x1x512xi32, #tpu.memory_space<vmem>>
    %dma_start3A_196 = tpu.memref_squeeze %dma_start3A_195 : memref<1x1x512xi32, #tpu.memory_space<vmem>> -> memref<1x512xi32, #tpu.memory_space<vmem>>
    %dma_start3A_197 = arith.constant 0 : i32
    %dma_start3A_198 = tpu.memref_slice %arg2[%add3A_185, %dma_start3A_197] : memref<6400x512xi32, #tpu.memory_space<hbm>> -> memref<1x512xi32, #tpu.memory_space<hbm>>
    tpu.enqueue_dma source(%dma_start3A_198 : memref<1x512xi32, #tpu.memory_space<hbm>>) target(%dma_start3A_196 : memref<1x512xi32, #tpu.memory_space<vmem>>) target_semaphore(%arg11 : memref<!tpu.dma_semaphore, #tpu.memory_space<semaphore_mem>>)
    %dma_wait3A_199 = arith.constant 0 : i32
    %dma_wait3A_200 = arith.constant 0 : i32
    %dma_wait3A_201 = arith.constant 0 : i32
    %dma_wait3A_202 = arith.constant 0 : i32
    %dma_wait3A_203 = arith.constant 0 : i32
    %dma_wait3A_204 = tpu.memref_slice %arg6[%dma_wait3A_201, %dma_wait3A_202, %dma_wait3A_203] : memref<2x512x64xf32, #tpu.memory_space<vmem>> -> memref<1x128x64xf32, #tpu.memory_space<vmem>>
    %dma_wait3A_205 = tpu.memref_squeeze %dma_wait3A_204 : memref<1x128x64xf32, #tpu.memory_space<vmem>> -> memref<128x64xf32, #tpu.memory_space<vmem>>
    %dma_wait3A_206 = arith.constant 0 : i32
    %dma_wait3A_207 = tpu.memref_slice %arg5[%dma_wait3A_199, %dma_wait3A_200, %dma_wait3A_206] : memref<4x1x512xi32, #tpu.memory_space<vmem>> -> memref<1x1x128xi32, #tpu.memory_space<vmem>>
    %dma_wait3A_208 = tpu.memref_squeeze %dma_wait3A_207 : memref<1x1x128xi32, #tpu.memory_space<vmem>> -> memref<128xi32, #tpu.memory_space<vmem>>
    %dma_wait3A_209 = arith.constant 0 : i32
    %dma_wait3A_210 = arith.constant 0 : i32
    %dma_wait3A_211 = tpu.memref_slice %arg7[%dma_wait3A_209, %dma_wait3A_210] : memref<1000x64xf32, #tpu.memory_space<vmem_shared>> -> memref<1000x64xf32, #tpu.memory_space<vmem_shared>>
    tpu.wait_indirect_dma semaphore(%arg12 : memref<!tpu.dma_semaphore, #tpu.memory_space<semaphore_mem>>) src(%dma_wait3A_211 : memref<1000x64xf32, #tpu.memory_space<vmem_shared>>) dst(%dma_wait3A_205 : memref<128x64xf32, #tpu.memory_space<vmem>>)
    %dma_wait3A_212 = arith.constant 0 : i32
    %dma_wait3A_213 = arith.constant 0 : i32
    %dma_wait3A_214 = arith.constant 0 : i32
    %dma_wait3A_215 = arith.constant 128 : i32
    %dma_wait3A_216 = arith.constant 0 : i32
    %dma_wait3A_217 = tpu.memref_slice %arg6[%dma_wait3A_214, %dma_wait3A_215, %dma_wait3A_216] : memref<2x512x64xf32, #tpu.memory_space<vmem>> -> memref<1x128x64xf32, #tpu.memory_space<vmem>>
    %dma_wait3A_218 = tpu.memref_squeeze %dma_wait3A_217 : memref<1x128x64xf32, #tpu.memory_space<vmem>> -> memref<128x64xf32, #tpu.memory_space<vmem>>
    %dma_wait3A_219 = arith.constant 128 : i32
    %dma_wait3A_220 = tpu.memref_slice %arg5[%dma_wait3A_212, %dma_wait3A_213, %dma_wait3A_219] : memref<4x1x512xi32, #tpu.memory_space<vmem>> -> memref<1x1x128xi32, #tpu.memory_space<vmem>>
    %dma_wait3A_221 = tpu.memref_squeeze %dma_wait3A_220 : memref<1x1x128xi32, #tpu.memory_space<vmem>> -> memref<128xi32, #tpu.memory_space<vmem>>
    %dma_wait3A_222 = arith.constant 0 : i32
    %dma_wait3A_223 = arith.constant 0 : i32
    %dma_wait3A_224 = tpu.memref_slice %arg7[%dma_wait3A_222, %dma_wait3A_223] : memref<1000x64xf32, #tpu.memory_space<vmem_shared>> -> memref<1000x64xf32, #tpu.memory_space<vmem_shared>>
    tpu.wait_indirect_dma semaphore(%arg12 : memref<!tpu.dma_semaphore, #tpu.memory_space<semaphore_mem>>) src(%dma_wait3A_224 : memref<1000x64xf32, #tpu.memory_space<vmem_shared>>) dst(%dma_wait3A_218 : memref<128x64xf32, #tpu.memory_space<vmem>>)
    %dma_wait3A_225 = arith.constant 0 : i32
    %dma_wait3A_226 = arith.constant 0 : i32
    %dma_wait3A_227 = arith.constant 0 : i32
    %dma_wait3A_228 = arith.constant 256 : i32
    %dma_wait3A_229 = arith.constant 0 : i32
    %dma_wait3A_230 = tpu.memref_slice %arg6[%dma_wait3A_227, %dma_wait3A_228, %dma_wait3A_229] : memref<2x512x64xf32, #tpu.memory_space<vmem>> -> memref<1x128x64xf32, #tpu.memory_space<vmem>>
    %dma_wait3A_231 = tpu.memref_squeeze %dma_wait3A_230 : memref<1x128x64xf32, #tpu.memory_space<vmem>> -> memref<128x64xf32, #tpu.memory_space<vmem>>
    %dma_wait3A_232 = arith.constant 256 : i32
    %dma_wait3A_233 = tpu.memref_slice %arg5[%dma_wait3A_225, %dma_wait3A_226, %dma_wait3A_232] : memref<4x1x512xi32, #tpu.memory_space<vmem>> -> memref<1x1x128xi32, #tpu.memory_space<vmem>>
    %dma_wait3A_234 = tpu.memref_squeeze %dma_wait3A_233 : memref<1x1x128xi32, #tpu.memory_space<vmem>> -> memref<128xi32, #tpu.memory_space<vmem>>
    %dma_wait3A_235 = arith.constant 0 : i32
    %dma_wait3A_236 = arith.constant 0 : i32
    %dma_wait3A_237 = tpu.memref_slice %arg7[%dma_wait3A_235, %dma_wait3A_236] : memref<1000x64xf32, #tpu.memory_space<vmem_shared>> -> memref<1000x64xf32, #tpu.memory_space<vmem_shared>>
    tpu.wait_indirect_dma semaphore(%arg12 : memref<!tpu.dma_semaphore, #tpu.memory_space<semaphore_mem>>) src(%dma_wait3A_237 : memref<1000x64xf32, #tpu.memory_space<vmem_shared>>) dst(%dma_wait3A_231 : memref<128x64xf32, #tpu.memory_space<vmem>>)
    %dma_wait3A_238 = arith.constant 0 : i32
    %dma_wait3A_239 = arith.constant 0 : i32
    %dma_wait3A_240 = arith.constant 0 : i32
    %dma_wait3A_241 = arith.constant 384 : i32
    %dma_wait3A_242 = arith.constant 0 : i32
    %dma_wait3A_243 = tpu.memref_slice %arg6[%dma_wait3A_240, %dma_wait3A_241, %dma_wait3A_242] : memref<2x512x64xf32, #tpu.memory_space<vmem>> -> memref<1x128x64xf32, #tpu.memory_space<vmem>>
    %dma_wait3A_244 = tpu.memref_squeeze %dma_wait3A_243 : memref<1x128x64xf32, #tpu.memory_space<vmem>> -> memref<128x64xf32, #tpu.memory_space<vmem>>
    %dma_wait3A_245 = arith.constant 384 : i32
    %dma_wait3A_246 = tpu.memref_slice %arg5[%dma_wait3A_238, %dma_wait3A_239, %dma_wait3A_245] : memref<4x1x512xi32, #tpu.memory_space<vmem>> -> memref<1x1x128xi32, #tpu.memory_space<vmem>>
    %dma_wait3A_247 = tpu.memref_squeeze %dma_wait3A_246 : memref<1x1x128xi32, #tpu.memory_space<vmem>> -> memref<128xi32, #tpu.memory_space<vmem>>
    %dma_wait3A_248 = arith.constant 0 : i32
    %dma_wait3A_249 = arith.constant 0 : i32
    %dma_wait3A_250 = tpu.memref_slice %arg7[%dma_wait3A_248, %dma_wait3A_249] : memref<1000x64xf32, #tpu.memory_space<vmem_shared>> -> memref<1000x64xf32, #tpu.memory_space<vmem_shared>>
    tpu.wait_indirect_dma semaphore(%arg12 : memref<!tpu.dma_semaphore, #tpu.memory_space<semaphore_mem>>) src(%dma_wait3A_250 : memref<1000x64xf32, #tpu.memory_space<vmem_shared>>) dst(%dma_wait3A_244 : memref<128x64xf32, #tpu.memory_space<vmem>>)
    %add3A_251 = arith.constant 0 : i32
    %add3A_252 = arith.addi %mul3A_2, %add3A_251 : i32
    %dma_start3A_253 = arith.constant 0 : i32
    %dma_start3A_254 = arith.constant 0 : i32
    %dma_start3A_255 = arith.constant 0 : i32
    %dma_start3A_256 = tpu.memref_slice %arg6[%dma_start3A_253, %dma_start3A_254, %dma_start3A_255] : memref<2x512x64xf32, #tpu.memory_space<vmem>> -> memref<1x512x64xf32, #tpu.memory_space<vmem>>
    %dma_start3A_257 = tpu.memref_squeeze %dma_start3A_256 : memref<1x512x64xf32, #tpu.memory_space<vmem>> -> memref<512x64xf32, #tpu.memory_space<vmem>>
    %dma_start3A_258 = arith.constant 0 : i32
    %dma_start3A_259 = tpu.memref_slice %arg4[%add3A_252, %dma_start3A_258] : memref<3276800x64xf32, #tpu.memory_space<hbm>> -> memref<512x64xf32, #tpu.memory_space<hbm>>
    %dma_start3A_260 = arith.constant 0 : i32
    %dma_start3A_261 = tpu.memref_slice %arg4[%add3A_252, %dma_start3A_260] : memref<3276800x64xf32, #tpu.memory_space<hbm>> -> memref<512x64xf32, #tpu.memory_space<hbm>>
    %dma_start3A_262 = arith.constant 0 : i32
    %dma_start3A_263 = arith.constant 0 : i32
    %dma_start3A_264 = tpu.memref_slice %arg6[%dma_start3A_253, %dma_start3A_262, %dma_start3A_263] : memref<2x512x64xf32, #tpu.memory_space<vmem>> -> memref<1x512x64xf32, #tpu.memory_space<vmem>>
    %dma_start3A_265 = tpu.memref_squeeze %dma_start3A_264 : memref<1x512x64xf32, #tpu.memory_space<vmem>> -> memref<512x64xf32, #tpu.memory_space<vmem>>
    tpu.enqueue_dma source(%dma_start3A_265 : memref<512x64xf32, #tpu.memory_space<vmem>>) target(%dma_start3A_261 : memref<512x64xf32, #tpu.memory_space<hbm>>) target_semaphore(%arg14 : memref<!tpu.dma_semaphore, #tpu.memory_space<semaphore_mem>>)
    %scan3A = arith.constant 0 : i32
    %scan3A_266 = arith.constant 0 : i32
    %scan3A_267 = arith.constant 49 : i32
    %scan3A_268 = arith.addi %scan3A_266, %scan3A_267 : i32
    %scan3A_269 = arith.constant 1 : i32
    scf.for %scan3A_666 = %scan3A_266 to %scan3A_268 step %scan3A_269  : i32 {
      %mul3A_667 = arith.constant 4 : i32
      %mul3A_668 = arith.muli %mul3A_667, %scan3A_666 : i32
      %add3A_669 = arith.constant 2 : i32
      %add3A_670 = arith.addi %add3A_669, %mul3A_668 : i32
      %add3A_671 = arith.constant 0 : i32
      %add3A_672 = arith.addi %add3A_670, %add3A_671 : i32
      %add3A_673 = arith.addi %mul3A_4, %add3A_672 : i32
      %dma_wait3A_674 = arith.constant 2 : i32
      %dma_wait3A_675 = arith.constant 0 : i32
      %dma_wait3A_676 = arith.constant 0 : i32
      %dma_wait3A_677 = tpu.memref_slice %arg5[%dma_wait3A_674, %dma_wait3A_675, %dma_wait3A_676] : memref<4x1x512xi32, #tpu.memory_space<vmem>> -> memref<1x1x512xi32, #tpu.memory_space<vmem>>
      %dma_wait3A_678 = tpu.memref_squeeze %dma_wait3A_677 : memref<1x1x512xi32, #tpu.memory_space<vmem>> -> memref<1x512xi32, #tpu.memory_space<vmem>>
      %dma_wait3A_679 = arith.constant 0 : i32
      %dma_wait3A_680 = tpu.memref_slice %arg2[%add3A_673, %dma_wait3A_679] : memref<6400x512xi32, #tpu.memory_space<hbm>> -> memref<1x512xi32, #tpu.memory_space<hbm>>
      %dma_wait3A_681 = arith.constant 0 : i32
      %dma_wait3A_682 = arith.constant 0 : i32
      %dma_wait3A_683 = tpu.memref_slice %arg5[%dma_wait3A_674, %dma_wait3A_681, %dma_wait3A_682] : memref<4x1x512xi32, #tpu.memory_space<vmem>> -> memref<1x1x512xi32, #tpu.memory_space<vmem>>
      %dma_wait3A_684 = tpu.memref_squeeze %dma_wait3A_683 : memref<1x1x512xi32, #tpu.memory_space<vmem>> -> memref<1x512xi32, #tpu.memory_space<vmem>>
      %dma_wait3A_685 = arith.constant 0 : i32
      %dma_wait3A_686 = tpu.memref_slice %arg2[%add3A_673, %dma_wait3A_685] : memref<6400x512xi32, #tpu.memory_space<hbm>> -> memref<1x512xi32, #tpu.memory_space<hbm>>
      tpu.wait_dma2 semaphore(%arg10 : memref<!tpu.dma_semaphore, #tpu.memory_space<semaphore_mem>>) src(%dma_wait3A_686 : memref<1x512xi32, #tpu.memory_space<hbm>>) dst(%dma_wait3A_684 : memref<1x512xi32, #tpu.memory_space<vmem>>)
      %sub3A = arith.constant 2 : i32
      %sub3A_687 = arith.subi %add3A_672, %sub3A : i32
      %mul3A_688 = arith.constant 512 : i32
      %mul3A_689 = arith.muli %sub3A_687, %mul3A_688 : i32
      %add3A_690 = arith.addi %mul3A_2, %mul3A_689 : i32
      %dma_wait3A_691 = arith.constant 0 : i32
      %dma_wait3A_692 = arith.constant 0 : i32
      %dma_wait3A_693 = arith.constant 0 : i32
      %dma_wait3A_694 = tpu.memref_slice %arg6[%dma_wait3A_691, %dma_wait3A_692, %dma_wait3A_693] : memref<2x512x64xf32, #tpu.memory_space<vmem>> -> memref<1x512x64xf32, #tpu.memory_space<vmem>>
      %dma_wait3A_695 = tpu.memref_squeeze %dma_wait3A_694 : memref<1x512x64xf32, #tpu.memory_space<vmem>> -> memref<512x64xf32, #tpu.memory_space<vmem>>
      %dma_wait3A_696 = arith.constant 0 : i32
      %dma_wait3A_697 = tpu.memref_slice %arg4[%add3A_690, %dma_wait3A_696] : memref<3276800x64xf32, #tpu.memory_space<hbm>> -> memref<512x64xf32, #tpu.memory_space<hbm>>
      %dma_wait3A_698 = arith.constant 0 : i32
      %dma_wait3A_699 = tpu.memref_slice %arg4[%add3A_690, %dma_wait3A_698] : memref<3276800x64xf32, #tpu.memory_space<hbm>> -> memref<512x64xf32, #tpu.memory_space<hbm>>
      %dma_wait3A_700 = arith.constant 0 : i32
      %dma_wait3A_701 = arith.constant 0 : i32
      %dma_wait3A_702 = tpu.memref_slice %arg6[%dma_wait3A_691, %dma_wait3A_700, %dma_wait3A_701] : memref<2x512x64xf32, #tpu.memory_space<vmem>> -> memref<1x512x64xf32, #tpu.memory_space<vmem>>
      %dma_wait3A_703 = tpu.memref_squeeze %dma_wait3A_702 : memref<1x512x64xf32, #tpu.memory_space<vmem>> -> memref<512x64xf32, #tpu.memory_space<vmem>>
      tpu.wait_dma2 semaphore(%arg14 : memref<!tpu.dma_semaphore, #tpu.memory_space<semaphore_mem>>) src(%dma_wait3A_703 : memref<512x64xf32, #tpu.memory_space<vmem>>) dst(%dma_wait3A_699 : memref<512x64xf32, #tpu.memory_space<hbm>>)
      %dma_start3A_704 = arith.constant 2 : i32
      %dma_start3A_705 = arith.constant 0 : i32
      %dma_start3A_706 = arith.constant 0 : i32
      %dma_start3A_707 = arith.constant 0 : i32
      %dma_start3A_708 = arith.constant 0 : i32
      %dma_start3A_709 = tpu.memref_slice %arg6[%dma_start3A_706, %dma_start3A_707, %dma_start3A_708] : memref<2x512x64xf32, #tpu.memory_space<vmem>> -> memref<1x128x64xf32, #tpu.memory_space<vmem>>
      %dma_start3A_710 = tpu.memref_squeeze %dma_start3A_709 : memref<1x128x64xf32, #tpu.memory_space<vmem>> -> memref<128x64xf32, #tpu.memory_space<vmem>>
      %dma_start3A_711 = arith.constant 0 : i32
      %dma_start3A_712 = tpu.memref_slice %arg5[%dma_start3A_704, %dma_start3A_705, %dma_start3A_711] : memref<4x1x512xi32, #tpu.memory_space<vmem>> -> memref<1x1x128xi32, #tpu.memory_space<vmem>>
      %dma_start3A_713 = tpu.memref_squeeze %dma_start3A_712 : memref<1x1x128xi32, #tpu.memory_space<vmem>> -> memref<128xi32, #tpu.memory_space<vmem>>
      %dma_start3A_714 = arith.constant 0 : i32
      %dma_start3A_715 = arith.constant 0 : i32
      %dma_start3A_716 = tpu.memref_slice %arg7[%dma_start3A_714, %dma_start3A_715] : memref<1000x64xf32, #tpu.memory_space<vmem_shared>> -> memref<1000x64xf32, #tpu.memory_space<vmem_shared>>
      tpu.enqueue_indirect_dma source(%dma_start3A_716 : memref<1000x64xf32, #tpu.memory_space<vmem_shared>>) target(%dma_start3A_710 : memref<128x64xf32, #tpu.memory_space<vmem>>) offsets(%dma_start3A_713 : memref<128xi32, #tpu.memory_space<vmem>>) semaphore(%arg12 : memref<!tpu.dma_semaphore, #tpu.memory_space<semaphore_mem>>)
      %dma_start3A_717 = arith.constant 2 : i32
      %dma_start3A_718 = arith.constant 0 : i32
      %dma_start3A_719 = arith.constant 0 : i32
      %dma_start3A_720 = arith.constant 128 : i32
      %dma_start3A_721 = arith.constant 0 : i32
      %dma_start3A_722 = tpu.memref_slice %arg6[%dma_start3A_719, %dma_start3A_720, %dma_start3A_721] : memref<2x512x64xf32, #tpu.memory_space<vmem>> -> memref<1x128x64xf32, #tpu.memory_space<vmem>>
      %dma_start3A_723 = tpu.memref_squeeze %dma_start3A_722 : memref<1x128x64xf32, #tpu.memory_space<vmem>> -> memref<128x64xf32, #tpu.memory_space<vmem>>
      %dma_start3A_724 = arith.constant 128 : i32
      %dma_start3A_725 = tpu.memref_slice %arg5[%dma_start3A_717, %dma_start3A_718, %dma_start3A_724] : memref<4x1x512xi32, #tpu.memory_space<vmem>> -> memref<1x1x128xi32, #tpu.memory_space<vmem>>
      %dma_start3A_726 = tpu.memref_squeeze %dma_start3A_725 : memref<1x1x128xi32, #tpu.memory_space<vmem>> -> memref<128xi32, #tpu.memory_space<vmem>>
      %dma_start3A_727 = arith.constant 0 : i32
      %dma_start3A_728 = arith.constant 0 : i32
      %dma_start3A_729 = tpu.memref_slice %arg7[%dma_start3A_727, %dma_start3A_728] : memref<1000x64xf32, #tpu.memory_space<vmem_shared>> -> memref<1000x64xf32, #tpu.memory_space<vmem_shared>>
      tpu.enqueue_indirect_dma source(%dma_start3A_729 : memref<1000x64xf32, #tpu.memory_space<vmem_shared>>) target(%dma_start3A_723 : memref<128x64xf32, #tpu.memory_space<vmem>>) offsets(%dma_start3A_726 : memref<128xi32, #tpu.memory_space<vmem>>) semaphore(%arg12 : memref<!tpu.dma_semaphore, #tpu.memory_space<semaphore_mem>>)
      %dma_start3A_730 = arith.constant 2 : i32
      %dma_start3A_731 = arith.constant 0 : i32
      %dma_start3A_732 = arith.constant 0 : i32
      %dma_start3A_733 = arith.constant 256 : i32
      %dma_start3A_734 = arith.constant 0 : i32
      %dma_start3A_735 = tpu.memref_slice %arg6[%dma_start3A_732, %dma_start3A_733, %dma_start3A_734] : memref<2x512x64xf32, #tpu.memory_space<vmem>> -> memref<1x128x64xf32, #tpu.memory_space<vmem>>
      %dma_start3A_736 = tpu.memref_squeeze %dma_start3A_735 : memref<1x128x64xf32, #tpu.memory_space<vmem>> -> memref<128x64xf32, #tpu.memory_space<vmem>>
      %dma_start3A_737 = arith.constant 256 : i32
      %dma_start3A_738 = tpu.memref_slice %arg5[%dma_start3A_730, %dma_start3A_731, %dma_start3A_737] : memref<4x1x512xi32, #tpu.memory_space<vmem>> -> memref<1x1x128xi32, #tpu.memory_space<vmem>>
      %dma_start3A_739 = tpu.memref_squeeze %dma_start3A_738 : memref<1x1x128xi32, #tpu.memory_space<vmem>> -> memref<128xi32, #tpu.memory_space<vmem>>
      %dma_start3A_740 = arith.constant 0 : i32
      %dma_start3A_741 = arith.constant 0 : i32
      %dma_start3A_742 = tpu.memref_slice %arg7[%dma_start3A_740, %dma_start3A_741] : memref<1000x64xf32, #tpu.memory_space<vmem_shared>> -> memref<1000x64xf32, #tpu.memory_space<vmem_shared>>
      tpu.enqueue_indirect_dma source(%dma_start3A_742 : memref<1000x64xf32, #tpu.memory_space<vmem_shared>>) target(%dma_start3A_736 : memref<128x64xf32, #tpu.memory_space<vmem>>) offsets(%dma_start3A_739 : memref<128xi32, #tpu.memory_space<vmem>>) semaphore(%arg12 : memref<!tpu.dma_semaphore, #tpu.memory_space<semaphore_mem>>)
      %dma_start3A_743 = arith.constant 2 : i32
      %dma_start3A_744 = arith.constant 0 : i32
      %dma_start3A_745 = arith.constant 0 : i32
      %dma_start3A_746 = arith.constant 384 : i32
      %dma_start3A_747 = arith.constant 0 : i32
      %dma_start3A_748 = tpu.memref_slice %arg6[%dma_start3A_745, %dma_start3A_746, %dma_start3A_747] : memref<2x512x64xf32, #tpu.memory_space<vmem>> -> memref<1x128x64xf32, #tpu.memory_space<vmem>>
      %dma_start3A_749 = tpu.memref_squeeze %dma_start3A_748 : memref<1x128x64xf32, #tpu.memory_space<vmem>> -> memref<128x64xf32, #tpu.memory_space<vmem>>
      %dma_start3A_750 = arith.constant 384 : i32
      %dma_start3A_751 = tpu.memref_slice %arg5[%dma_start3A_743, %dma_start3A_744, %dma_start3A_750] : memref<4x1x512xi32, #tpu.memory_space<vmem>> -> memref<1x1x128xi32, #tpu.memory_space<vmem>>
      %dma_start3A_752 = tpu.memref_squeeze %dma_start3A_751 : memref<1x1x128xi32, #tpu.memory_space<vmem>> -> memref<128xi32, #tpu.memory_space<vmem>>
      %dma_start3A_753 = arith.constant 0 : i32
      %dma_start3A_754 = arith.constant 0 : i32
      %dma_start3A_755 = tpu.memref_slice %arg7[%dma_start3A_753, %dma_start3A_754] : memref<1000x64xf32, #tpu.memory_space<vmem_shared>> -> memref<1000x64xf32, #tpu.memory_space<vmem_shared>>
      tpu.enqueue_indirect_dma source(%dma_start3A_755 : memref<1000x64xf32, #tpu.memory_space<vmem_shared>>) target(%dma_start3A_749 : memref<128x64xf32, #tpu.memory_space<vmem>>) offsets(%dma_start3A_752 : memref<128xi32, #tpu.memory_space<vmem>>) semaphore(%arg12 : memref<!tpu.dma_semaphore, #tpu.memory_space<semaphore_mem>>)
      %add3A_756 = arith.constant 2 : i32
      %add3A_757 = arith.addi %add3A_672, %add3A_756 : i32
      %add3A_758 = arith.addi %mul3A_4, %add3A_757 : i32
      %dma_start3A_759 = arith.constant 0 : i32
      %dma_start3A_760 = arith.constant 0 : i32
      %dma_start3A_761 = arith.constant 0 : i32
      %dma_start3A_762 = tpu.memref_slice %arg5[%dma_start3A_759, %dma_start3A_760, %dma_start3A_761] : memref<4x1x512xi32, #tpu.memory_space<vmem>> -> memref<1x1x512xi32, #tpu.memory_space<vmem>>
      %dma_start3A_763 = tpu.memref_squeeze %dma_start3A_762 : memref<1x1x512xi32, #tpu.memory_space<vmem>> -> memref<1x512xi32, #tpu.memory_space<vmem>>
      %dma_start3A_764 = arith.constant 0 : i32
      %dma_start3A_765 = tpu.memref_slice %arg2[%add3A_758, %dma_start3A_764] : memref<6400x512xi32, #tpu.memory_space<hbm>> -> memref<1x512xi32, #tpu.memory_space<hbm>>
      %dma_start3A_766 = arith.constant 0 : i32
      %dma_start3A_767 = arith.constant 0 : i32
      %dma_start3A_768 = tpu.memref_slice %arg5[%dma_start3A_759, %dma_start3A_766, %dma_start3A_767] : memref<4x1x512xi32, #tpu.memory_space<vmem>> -> memref<1x1x512xi32, #tpu.memory_space<vmem>>
      %dma_start3A_769 = tpu.memref_squeeze %dma_start3A_768 : memref<1x1x512xi32, #tpu.memory_space<vmem>> -> memref<1x512xi32, #tpu.memory_space<vmem>>
      %dma_start3A_770 = arith.constant 0 : i32
      %dma_start3A_771 = tpu.memref_slice %arg2[%add3A_758, %dma_start3A_770] : memref<6400x512xi32, #tpu.memory_space<hbm>> -> memref<1x512xi32, #tpu.memory_space<hbm>>
      tpu.enqueue_dma source(%dma_start3A_771 : memref<1x512xi32, #tpu.memory_space<hbm>>) target(%dma_start3A_769 : memref<1x512xi32, #tpu.memory_space<vmem>>) target_semaphore(%arg8 : memref<!tpu.dma_semaphore, #tpu.memory_space<semaphore_mem>>)
      %sub3A_772 = arith.constant 1 : i32
      %sub3A_773 = arith.subi %add3A_672, %sub3A_772 : i32
      %dma_wait3A_774 = arith.constant 1 : i32
      %dma_wait3A_775 = arith.constant 0 : i32
      %dma_wait3A_776 = arith.constant 1 : i32
      %dma_wait3A_777 = arith.constant 0 : i32
      %dma_wait3A_778 = arith.constant 0 : i32
      %dma_wait3A_779 = tpu.memref_slice %arg6[%dma_wait3A_776, %dma_wait3A_777, %dma_wait3A_778] : memref<2x512x64xf32, #tpu.memory_space<vmem>> -> memref<1x128x64xf32, #tpu.memory_space<vmem>>
      %dma_wait3A_780 = tpu.memref_squeeze %dma_wait3A_779 : memref<1x128x64xf32, #tpu.memory_space<vmem>> -> memref<128x64xf32, #tpu.memory_space<vmem>>
      %dma_wait3A_781 = arith.constant 0 : i32
      %dma_wait3A_782 = tpu.memref_slice %arg5[%dma_wait3A_774, %dma_wait3A_775, %dma_wait3A_781] : memref<4x1x512xi32, #tpu.memory_space<vmem>> -> memref<1x1x128xi32, #tpu.memory_space<vmem>>
      %dma_wait3A_783 = tpu.memref_squeeze %dma_wait3A_782 : memref<1x1x128xi32, #tpu.memory_space<vmem>> -> memref<128xi32, #tpu.memory_space<vmem>>
      %dma_wait3A_784 = arith.constant 0 : i32
      %dma_wait3A_785 = arith.constant 0 : i32
      %dma_wait3A_786 = tpu.memref_slice %arg7[%dma_wait3A_784, %dma_wait3A_785] : memref<1000x64xf32, #tpu.memory_space<vmem_shared>> -> memref<1000x64xf32, #tpu.memory_space<vmem_shared>>
      tpu.wait_indirect_dma semaphore(%arg13 : memref<!tpu.dma_semaphore, #tpu.memory_space<semaphore_mem>>) src(%dma_wait3A_786 : memref<1000x64xf32, #tpu.memory_space<vmem_shared>>) dst(%dma_wait3A_780 : memref<128x64xf32, #tpu.memory_space<vmem>>)
      %dma_wait3A_787 = arith.constant 1 : i32
      %dma_wait3A_788 = arith.constant 0 : i32
      %dma_wait3A_789 = arith.constant 1 : i32
      %dma_wait3A_790 = arith.constant 128 : i32
      %dma_wait3A_791 = arith.constant 0 : i32
      %dma_wait3A_792 = tpu.memref_slice %arg6[%dma_wait3A_789, %dma_wait3A_790, %dma_wait3A_791] : memref<2x512x64xf32, #tpu.memory_space<vmem>> -> memref<1x128x64xf32, #tpu.memory_space<vmem>>
      %dma_wait3A_793 = tpu.memref_squeeze %dma_wait3A_792 : memref<1x128x64xf32, #tpu.memory_space<vmem>> -> memref<128x64xf32, #tpu.memory_space<vmem>>
      %dma_wait3A_794 = arith.constant 128 : i32
      %dma_wait3A_795 = tpu.memref_slice %arg5[%dma_wait3A_787, %dma_wait3A_788, %dma_wait3A_794] : memref<4x1x512xi32, #tpu.memory_space<vmem>> -> memref<1x1x128xi32, #tpu.memory_space<vmem>>
      %dma_wait3A_796 = tpu.memref_squeeze %dma_wait3A_795 : memref<1x1x128xi32, #tpu.memory_space<vmem>> -> memref<128xi32, #tpu.memory_space<vmem>>
      %dma_wait3A_797 = arith.constant 0 : i32
      %dma_wait3A_798 = arith.constant 0 : i32
      %dma_wait3A_799 = tpu.memref_slice %arg7[%dma_wait3A_797, %dma_wait3A_798] : memref<1000x64xf32, #tpu.memory_space<vmem_shared>> -> memref<1000x64xf32, #tpu.memory_space<vmem_shared>>
      tpu.wait_indirect_dma semaphore(%arg13 : memref<!tpu.dma_semaphore, #tpu.memory_space<semaphore_mem>>) src(%dma_wait3A_799 : memref<1000x64xf32, #tpu.memory_space<vmem_shared>>) dst(%dma_wait3A_793 : memref<128x64xf32, #tpu.memory_space<vmem>>)
      %dma_wait3A_800 = arith.constant 1 : i32
      %dma_wait3A_801 = arith.constant 0 : i32
      %dma_wait3A_802 = arith.constant 1 : i32
      %dma_wait3A_803 = arith.constant 256 : i32
      %dma_wait3A_804 = arith.constant 0 : i32
      %dma_wait3A_805 = tpu.memref_slice %arg6[%dma_wait3A_802, %dma_wait3A_803, %dma_wait3A_804] : memref<2x512x64xf32, #tpu.memory_space<vmem>> -> memref<1x128x64xf32, #tpu.memory_space<vmem>>
      %dma_wait3A_806 = tpu.memref_squeeze %dma_wait3A_805 : memref<1x128x64xf32, #tpu.memory_space<vmem>> -> memref<128x64xf32, #tpu.memory_space<vmem>>
      %dma_wait3A_807 = arith.constant 256 : i32
      %dma_wait3A_808 = tpu.memref_slice %arg5[%dma_wait3A_800, %dma_wait3A_801, %dma_wait3A_807] : memref<4x1x512xi32, #tpu.memory_space<vmem>> -> memref<1x1x128xi32, #tpu.memory_space<vmem>>
      %dma_wait3A_809 = tpu.memref_squeeze %dma_wait3A_808 : memref<1x1x128xi32, #tpu.memory_space<vmem>> -> memref<128xi32, #tpu.memory_space<vmem>>
      %dma_wait3A_810 = arith.constant 0 : i32
      %dma_wait3A_811 = arith.constant 0 : i32
      %dma_wait3A_812 = tpu.memref_slice %arg7[%dma_wait3A_810, %dma_wait3A_811] : memref<1000x64xf32, #tpu.memory_space<vmem_shared>> -> memref<1000x64xf32, #tpu.memory_space<vmem_shared>>
      tpu.wait_indirect_dma semaphore(%arg13 : memref<!tpu.dma_semaphore, #tpu.memory_space<semaphore_mem>>) src(%dma_wait3A_812 : memref<1000x64xf32, #tpu.memory_space<vmem_shared>>) dst(%dma_wait3A_806 : memref<128x64xf32, #tpu.memory_space<vmem>>)
      %dma_wait3A_813 = arith.constant 1 : i32
      %dma_wait3A_814 = arith.constant 0 : i32
      %dma_wait3A_815 = arith.constant 1 : i32
      %dma_wait3A_816 = arith.constant 384 : i32
      %dma_wait3A_817 = arith.constant 0 : i32
      %dma_wait3A_818 = tpu.memref_slice %arg6[%dma_wait3A_815, %dma_wait3A_816, %dma_wait3A_817] : memref<2x512x64xf32, #tpu.memory_space<vmem>> -> memref<1x128x64xf32, #tpu.memory_space<vmem>>
      %dma_wait3A_819 = tpu.memref_squeeze %dma_wait3A_818 : memref<1x128x64xf32, #tpu.memory_space<vmem>> -> memref<128x64xf32, #tpu.memory_space<vmem>>
      %dma_wait3A_820 = arith.constant 384 : i32
      %dma_wait3A_821 = tpu.memref_slice %arg5[%dma_wait3A_813, %dma_wait3A_814, %dma_wait3A_820] : memref<4x1x512xi32, #tpu.memory_space<vmem>> -> memref<1x1x128xi32, #tpu.memory_space<vmem>>
      %dma_wait3A_822 = tpu.memref_squeeze %dma_wait3A_821 : memref<1x1x128xi32, #tpu.memory_space<vmem>> -> memref<128xi32, #tpu.memory_space<vmem>>
      %dma_wait3A_823 = arith.constant 0 : i32
      %dma_wait3A_824 = arith.constant 0 : i32
      %dma_wait3A_825 = tpu.memref_slice %arg7[%dma_wait3A_823, %dma_wait3A_824] : memref<1000x64xf32, #tpu.memory_space<vmem_shared>> -> memref<1000x64xf32, #tpu.memory_space<vmem_shared>>
      tpu.wait_indirect_dma semaphore(%arg13 : memref<!tpu.dma_semaphore, #tpu.memory_space<semaphore_mem>>) src(%dma_wait3A_825 : memref<1000x64xf32, #tpu.memory_space<vmem_shared>>) dst(%dma_wait3A_819 : memref<128x64xf32, #tpu.memory_space<vmem>>)
      %sub3A_826 = arith.constant 1 : i32
      %sub3A_827 = arith.subi %add3A_672, %sub3A_826 : i32
      %mul3A_828 = arith.constant 512 : i32
      %mul3A_829 = arith.muli %sub3A_827, %mul3A_828 : i32
      %add3A_830 = arith.addi %mul3A_2, %mul3A_829 : i32
      %dma_start3A_831 = arith.constant 1 : i32
      %dma_start3A_832 = arith.constant 0 : i32
      %dma_start3A_833 = arith.constant 0 : i32
      %dma_start3A_834 = tpu.memref_slice %arg6[%dma_start3A_831, %dma_start3A_832, %dma_start3A_833] : memref<2x512x64xf32, #tpu.memory_space<vmem>> -> memref<1x512x64xf32, #tpu.memory_space<vmem>>
      %dma_start3A_835 = tpu.memref_squeeze %dma_start3A_834 : memref<1x512x64xf32, #tpu.memory_space<vmem>> -> memref<512x64xf32, #tpu.memory_space<vmem>>
      %dma_start3A_836 = arith.constant 0 : i32
      %dma_start3A_837 = tpu.memref_slice %arg4[%add3A_830, %dma_start3A_836] : memref<3276800x64xf32, #tpu.memory_space<hbm>> -> memref<512x64xf32, #tpu.memory_space<hbm>>
      %dma_start3A_838 = arith.constant 0 : i32
      %dma_start3A_839 = tpu.memref_slice %arg4[%add3A_830, %dma_start3A_838] : memref<3276800x64xf32, #tpu.memory_space<hbm>> -> memref<512x64xf32, #tpu.memory_space<hbm>>
      %dma_start3A_840 = arith.constant 0 : i32
      %dma_start3A_841 = arith.constant 0 : i32
      %dma_start3A_842 = tpu.memref_slice %arg6[%dma_start3A_831, %dma_start3A_840, %dma_start3A_841] : memref<2x512x64xf32, #tpu.memory_space<vmem>> -> memref<1x512x64xf32, #tpu.memory_space<vmem>>
      %dma_start3A_843 = tpu.memref_squeeze %dma_start3A_842 : memref<1x512x64xf32, #tpu.memory_space<vmem>> -> memref<512x64xf32, #tpu.memory_space<vmem>>
      tpu.enqueue_dma source(%dma_start3A_843 : memref<512x64xf32, #tpu.memory_space<vmem>>) target(%dma_start3A_839 : memref<512x64xf32, #tpu.memory_space<hbm>>) target_semaphore(%arg15 : memref<!tpu.dma_semaphore, #tpu.memory_space<semaphore_mem>>)
      %mul3A_844 = arith.constant 4 : i32
      %mul3A_845 = arith.muli %mul3A_844, %scan3A_666 : i32
      %add3A_846 = arith.constant 2 : i32
      %add3A_847 = arith.addi %add3A_846, %mul3A_845 : i32
      %add3A_848 = arith.constant 1 : i32
      %add3A_849 = arith.addi %add3A_847, %add3A_848 : i32
      %add3A_850 = arith.addi %mul3A_4, %add3A_849 : i32
      %dma_wait3A_851 = arith.constant 3 : i32
      %dma_wait3A_852 = arith.constant 0 : i32
      %dma_wait3A_853 = arith.constant 0 : i32
      %dma_wait3A_854 = tpu.memref_slice %arg5[%dma_wait3A_851, %dma_wait3A_852, %dma_wait3A_853] : memref<4x1x512xi32, #tpu.memory_space<vmem>> -> memref<1x1x512xi32, #tpu.memory_space<vmem>>
      %dma_wait3A_855 = tpu.memref_squeeze %dma_wait3A_854 : memref<1x1x512xi32, #tpu.memory_space<vmem>> -> memref<1x512xi32, #tpu.memory_space<vmem>>
      %dma_wait3A_856 = arith.constant 0 : i32
      %dma_wait3A_857 = tpu.memref_slice %arg2[%add3A_850, %dma_wait3A_856] : memref<6400x512xi32, #tpu.memory_space<hbm>> -> memref<1x512xi32, #tpu.memory_space<hbm>>
      %dma_wait3A_858 = arith.constant 0 : i32
      %dma_wait3A_859 = arith.constant 0 : i32
      %dma_wait3A_860 = tpu.memref_slice %arg5[%dma_wait3A_851, %dma_wait3A_858, %dma_wait3A_859] : memref<4x1x512xi32, #tpu.memory_space<vmem>> -> memref<1x1x512xi32, #tpu.memory_space<vmem>>
      %dma_wait3A_861 = tpu.memref_squeeze %dma_wait3A_860 : memref<1x1x512xi32, #tpu.memory_space<vmem>> -> memref<1x512xi32, #tpu.memory_space<vmem>>
      %dma_wait3A_862 = arith.constant 0 : i32
      %dma_wait3A_863 = tpu.memref_slice %arg2[%add3A_850, %dma_wait3A_862] : memref<6400x512xi32, #tpu.memory_space<hbm>> -> memref<1x512xi32, #tpu.memory_space<hbm>>
      tpu.wait_dma2 semaphore(%arg11 : memref<!tpu.dma_semaphore, #tpu.memory_space<semaphore_mem>>) src(%dma_wait3A_863 : memref<1x512xi32, #tpu.memory_space<hbm>>) dst(%dma_wait3A_861 : memref<1x512xi32, #tpu.memory_space<vmem>>)
      %sub3A_864 = arith.constant 2 : i32
      %sub3A_865 = arith.subi %add3A_849, %sub3A_864 : i32
      %mul3A_866 = arith.constant 512 : i32
      %mul3A_867 = arith.muli %sub3A_865, %mul3A_866 : i32
      %add3A_868 = arith.addi %mul3A_2, %mul3A_867 : i32
      %dma_wait3A_869 = arith.constant 1 : i32
      %dma_wait3A_870 = arith.constant 0 : i32
      %dma_wait3A_871 = arith.constant 0 : i32
      %dma_wait3A_872 = tpu.memref_slice %arg6[%dma_wait3A_869, %dma_wait3A_870, %dma_wait3A_871] : memref<2x512x64xf32, #tpu.memory_space<vmem>> -> memref<1x512x64xf32, #tpu.memory_space<vmem>>
      %dma_wait3A_873 = tpu.memref_squeeze %dma_wait3A_872 : memref<1x512x64xf32, #tpu.memory_space<vmem>> -> memref<512x64xf32, #tpu.memory_space<vmem>>
      %dma_wait3A_874 = arith.constant 0 : i32
      %dma_wait3A_875 = tpu.memref_slice %arg4[%add3A_868, %dma_wait3A_874] : memref<3276800x64xf32, #tpu.memory_space<hbm>> -> memref<512x64xf32, #tpu.memory_space<hbm>>
      %dma_wait3A_876 = arith.constant 0 : i32
      %dma_wait3A_877 = tpu.memref_slice %arg4[%add3A_868, %dma_wait3A_876] : memref<3276800x64xf32, #tpu.memory_space<hbm>> -> memref<512x64xf32, #tpu.memory_space<hbm>>
      %dma_wait3A_878 = arith.constant 0 : i32
      %dma_wait3A_879 = arith.constant 0 : i32
      %dma_wait3A_880 = tpu.memref_slice %arg6[%dma_wait3A_869, %dma_wait3A_878, %dma_wait3A_879] : memref<2x512x64xf32, #tpu.memory_space<vmem>> -> memref<1x512x64xf32, #tpu.memory_space<vmem>>
      %dma_wait3A_881 = tpu.memref_squeeze %dma_wait3A_880 : memref<1x512x64xf32, #tpu.memory_space<vmem>> -> memref<512x64xf32, #tpu.memory_space<vmem>>
      tpu.wait_dma2 semaphore(%arg15 : memref<!tpu.dma_semaphore, #tpu.memory_space<semaphore_mem>>) src(%dma_wait3A_881 : memref<512x64xf32, #tpu.memory_space<vmem>>) dst(%dma_wait3A_877 : memref<512x64xf32, #tpu.memory_space<hbm>>)
      %dma_start3A_882 = arith.constant 3 : i32
      %dma_start3A_883 = arith.constant 0 : i32
      %dma_start3A_884 = arith.constant 1 : i32
      %dma_start3A_885 = arith.constant 0 : i32
      %dma_start3A_886 = arith.constant 0 : i32
      %dma_start3A_887 = tpu.memref_slice %arg6[%dma_start3A_884, %dma_start3A_885, %dma_start3A_886] : memref<2x512x64xf32, #tpu.memory_space<vmem>> -> memref<1x128x64xf32, #tpu.memory_space<vmem>>
      %dma_start3A_888 = tpu.memref_squeeze %dma_start3A_887 : memref<1x128x64xf32, #tpu.memory_space<vmem>> -> memref<128x64xf32, #tpu.memory_space<vmem>>
      %dma_start3A_889 = arith.constant 0 : i32
      %dma_start3A_890 = tpu.memref_slice %arg5[%dma_start3A_882, %dma_start3A_883, %dma_start3A_889] : memref<4x1x512xi32, #tpu.memory_space<vmem>> -> memref<1x1x128xi32, #tpu.memory_space<vmem>>
      %dma_start3A_891 = tpu.memref_squeeze %dma_start3A_890 : memref<1x1x128xi32, #tpu.memory_space<vmem>> -> memref<128xi32, #tpu.memory_space<vmem>>
      %dma_start3A_892 = arith.constant 0 : i32
      %dma_start3A_893 = arith.constant 0 : i32
      %dma_start3A_894 = tpu.memref_slice %arg7[%dma_start3A_892, %dma_start3A_893] : memref<1000x64xf32, #tpu.memory_space<vmem_shared>> -> memref<1000x64xf32, #tpu.memory_space<vmem_shared>>
      tpu.enqueue_indirect_dma source(%dma_start3A_894 : memref<1000x64xf32, #tpu.memory_space<vmem_shared>>) target(%dma_start3A_888 : memref<128x64xf32, #tpu.memory_space<vmem>>) offsets(%dma_start3A_891 : memref<128xi32, #tpu.memory_space<vmem>>) semaphore(%arg13 : memref<!tpu.dma_semaphore, #tpu.memory_space<semaphore_mem>>)
      %dma_start3A_895 = arith.constant 3 : i32
      %dma_start3A_896 = arith.constant 0 : i32
      %dma_start3A_897 = arith.constant 1 : i32
      %dma_start3A_898 = arith.constant 128 : i32
      %dma_start3A_899 = arith.constant 0 : i32
      %dma_start3A_900 = tpu.memref_slice %arg6[%dma_start3A_897, %dma_start3A_898, %dma_start3A_899] : memref<2x512x64xf32, #tpu.memory_space<vmem>> -> memref<1x128x64xf32, #tpu.memory_space<vmem>>
      %dma_start3A_901 = tpu.memref_squeeze %dma_start3A_900 : memref<1x128x64xf32, #tpu.memory_space<vmem>> -> memref<128x64xf32, #tpu.memory_space<vmem>>
      %dma_start3A_902 = arith.constant 128 : i32
      %dma_start3A_903 = tpu.memref_slice %arg5[%dma_start3A_895, %dma_start3A_896, %dma_start3A_902] : memref<4x1x512xi32, #tpu.memory_space<vmem>> -> memref<1x1x128xi32, #tpu.memory_space<vmem>>
      %dma_start3A_904 = tpu.memref_squeeze %dma_start3A_903 : memref<1x1x128xi32, #tpu.memory_space<vmem>> -> memref<128xi32, #tpu.memory_space<vmem>>
      %dma_start3A_905 = arith.constant 0 : i32
      %dma_start3A_906 = arith.constant 0 : i32
      %dma_start3A_907 = tpu.memref_slice %arg7[%dma_start3A_905, %dma_start3A_906] : memref<1000x64xf32, #tpu.memory_space<vmem_shared>> -> memref<1000x64xf32, #tpu.memory_space<vmem_shared>>
      tpu.enqueue_indirect_dma source(%dma_start3A_907 : memref<1000x64xf32, #tpu.memory_space<vmem_shared>>) target(%dma_start3A_901 : memref<128x64xf32, #tpu.memory_space<vmem>>) offsets(%dma_start3A_904 : memref<128xi32, #tpu.memory_space<vmem>>) semaphore(%arg13 : memref<!tpu.dma_semaphore, #tpu.memory_space<semaphore_mem>>)
      %dma_start3A_908 = arith.constant 3 : i32
      %dma_start3A_909 = arith.constant 0 : i32
      %dma_start3A_910 = arith.constant 1 : i32
      %dma_start3A_911 = arith.constant 256 : i32
      %dma_start3A_912 = arith.constant 0 : i32
      %dma_start3A_913 = tpu.memref_slice %arg6[%dma_start3A_910, %dma_start3A_911, %dma_start3A_912] : memref<2x512x64xf32, #tpu.memory_space<vmem>> -> memref<1x128x64xf32, #tpu.memory_space<vmem>>
      %dma_start3A_914 = tpu.memref_squeeze %dma_start3A_913 : memref<1x128x64xf32, #tpu.memory_space<vmem>> -> memref<128x64xf32, #tpu.memory_space<vmem>>
      %dma_start3A_915 = arith.constant 256 : i32
      %dma_start3A_916 = tpu.memref_slice %arg5[%dma_start3A_908, %dma_start3A_909, %dma_start3A_915] : memref<4x1x512xi32, #tpu.memory_space<vmem>> -> memref<1x1x128xi32, #tpu.memory_space<vmem>>
      %dma_start3A_917 = tpu.memref_squeeze %dma_start3A_916 : memref<1x1x128xi32, #tpu.memory_space<vmem>> -> memref<128xi32, #tpu.memory_space<vmem>>
      %dma_start3A_918 = arith.constant 0 : i32
      %dma_start3A_919 = arith.constant 0 : i32
      %dma_start3A_920 = tpu.memref_slice %arg7[%dma_start3A_918, %dma_start3A_919] : memref<1000x64xf32, #tpu.memory_space<vmem_shared>> -> memref<1000x64xf32, #tpu.memory_space<vmem_shared>>
      tpu.enqueue_indirect_dma source(%dma_start3A_920 : memref<1000x64xf32, #tpu.memory_space<vmem_shared>>) target(%dma_start3A_914 : memref<128x64xf32, #tpu.memory_space<vmem>>) offsets(%dma_start3A_917 : memref<128xi32, #tpu.memory_space<vmem>>) semaphore(%arg13 : memref<!tpu.dma_semaphore, #tpu.memory_space<semaphore_mem>>)
      %dma_start3A_921 = arith.constant 3 : i32
      %dma_start3A_922 = arith.constant 0 : i32
      %dma_start3A_923 = arith.constant 1 : i32
      %dma_start3A_924 = arith.constant 384 : i32
      %dma_start3A_925 = arith.constant 0 : i32
      %dma_start3A_926 = tpu.memref_slice %arg6[%dma_start3A_923, %dma_start3A_924, %dma_start3A_925] : memref<2x512x64xf32, #tpu.memory_space<vmem>> -> memref<1x128x64xf32, #tpu.memory_space<vmem>>
      %dma_start3A_927 = tpu.memref_squeeze %dma_start3A_926 : memref<1x128x64xf32, #tpu.memory_space<vmem>> -> memref<128x64xf32, #tpu.memory_space<vmem>>
      %dma_start3A_928 = arith.constant 384 : i32
      %dma_start3A_929 = tpu.memref_slice %arg5[%dma_start3A_921, %dma_start3A_922, %dma_start3A_928] : memref<4x1x512xi32, #tpu.memory_space<vmem>> -> memref<1x1x128xi32, #tpu.memory_space<vmem>>
      %dma_start3A_930 = tpu.memref_squeeze %dma_start3A_929 : memref<1x1x128xi32, #tpu.memory_space<vmem>> -> memref<128xi32, #tpu.memory_space<vmem>>
      %dma_start3A_931 = arith.constant 0 : i32
      %dma_start3A_932 = arith.constant 0 : i32
      %dma_start3A_933 = tpu.memref_slice %arg7[%dma_start3A_931, %dma_start3A_932] : memref<1000x64xf32, #tpu.memory_space<vmem_shared>> -> memref<1000x64xf32, #tpu.memory_space<vmem_shared>>
      tpu.enqueue_indirect_dma source(%dma_start3A_933 : memref<1000x64xf32, #tpu.memory_space<vmem_shared>>) target(%dma_start3A_927 : memref<128x64xf32, #tpu.memory_space<vmem>>) offsets(%dma_start3A_930 : memref<128xi32, #tpu.memory_space<vmem>>) semaphore(%arg13 : memref<!tpu.dma_semaphore, #tpu.memory_space<semaphore_mem>>)
      %add3A_934 = arith.constant 2 : i32
      %add3A_935 = arith.addi %add3A_849, %add3A_934 : i32
      %add3A_936 = arith.addi %mul3A_4, %add3A_935 : i32
      %dma_start3A_937 = arith.constant 1 : i32
      %dma_start3A_938 = arith.constant 0 : i32
      %dma_start3A_939 = arith.constant 0 : i32
      %dma_start3A_940 = tpu.memref_slice %arg5[%dma_start3A_937, %dma_start3A_938, %dma_start3A_939] : memref<4x1x512xi32, #tpu.memory_space<vmem>> -> memref<1x1x512xi32, #tpu.memory_space<vmem>>
      %dma_start3A_941 = tpu.memref_squeeze %dma_start3A_940 : memref<1x1x512xi32, #tpu.memory_space<vmem>> -> memref<1x512xi32, #tpu.memory_space<vmem>>
      %dma_start3A_942 = arith.constant 0 : i32
      %dma_start3A_943 = tpu.memref_slice %arg2[%add3A_936, %dma_start3A_942] : memref<6400x512xi32, #tpu.memory_space<hbm>> -> memref<1x512xi32, #tpu.memory_space<hbm>>
      %dma_start3A_944 = arith.constant 0 : i32
      %dma_start3A_945 = arith.constant 0 : i32
      %dma_start3A_946 = tpu.memref_slice %arg5[%dma_start3A_937, %dma_start3A_944, %dma_start3A_945] : memref<4x1x512xi32, #tpu.memory_space<vmem>> -> memref<1x1x512xi32, #tpu.memory_space<vmem>>
      %dma_start3A_947 = tpu.memref_squeeze %dma_start3A_946 : memref<1x1x512xi32, #tpu.memory_space<vmem>> -> memref<1x512xi32, #tpu.memory_space<vmem>>
      %dma_start3A_948 = arith.constant 0 : i32
      %dma_start3A_949 = tpu.memref_slice %arg2[%add3A_936, %dma_start3A_948] : memref<6400x512xi32, #tpu.memory_space<hbm>> -> memref<1x512xi32, #tpu.memory_space<hbm>>
      tpu.enqueue_dma source(%dma_start3A_949 : memref<1x512xi32, #tpu.memory_space<hbm>>) target(%dma_start3A_947 : memref<1x512xi32, #tpu.memory_space<vmem>>) target_semaphore(%arg9 : memref<!tpu.dma_semaphore, #tpu.memory_space<semaphore_mem>>)
      %sub3A_950 = arith.constant 1 : i32
      %sub3A_951 = arith.subi %add3A_849, %sub3A_950 : i32
      %dma_wait3A_952 = arith.constant 2 : i32
      %dma_wait3A_953 = arith.constant 0 : i32
      %dma_wait3A_954 = arith.constant 0 : i32
      %dma_wait3A_955 = arith.constant 0 : i32
      %dma_wait3A_956 = arith.constant 0 : i32
      %dma_wait3A_957 = tpu.memref_slice %arg6[%dma_wait3A_954, %dma_wait3A_955, %dma_wait3A_956] : memref<2x512x64xf32, #tpu.memory_space<vmem>> -> memref<1x128x64xf32, #tpu.memory_space<vmem>>
      %dma_wait3A_958 = tpu.memref_squeeze %dma_wait3A_957 : memref<1x128x64xf32, #tpu.memory_space<vmem>> -> memref<128x64xf32, #tpu.memory_space<vmem>>
      %dma_wait3A_959 = arith.constant 0 : i32
      %dma_wait3A_960 = tpu.memref_slice %arg5[%dma_wait3A_952, %dma_wait3A_953, %dma_wait3A_959] : memref<4x1x512xi32, #tpu.memory_space<vmem>> -> memref<1x1x128xi32, #tpu.memory_space<vmem>>
      %dma_wait3A_961 = tpu.memref_squeeze %dma_wait3A_960 : memref<1x1x128xi32, #tpu.memory_space<vmem>> -> memref<128xi32, #tpu.memory_space<vmem>>
      %dma_wait3A_962 = arith.constant 0 : i32
      %dma_wait3A_963 = arith.constant 0 : i32
      %dma_wait3A_964 = tpu.memref_slice %arg7[%dma_wait3A_962, %dma_wait3A_963] : memref<1000x64xf32, #tpu.memory_space<vmem_shared>> -> memref<1000x64xf32, #tpu.memory_space<vmem_shared>>
      tpu.wait_indirect_dma semaphore(%arg12 : memref<!tpu.dma_semaphore, #tpu.memory_space<semaphore_mem>>) src(%dma_wait3A_964 : memref<1000x64xf32, #tpu.memory_space<vmem_shared>>) dst(%dma_wait3A_958 : memref<128x64xf32, #tpu.memory_space<vmem>>)
      %dma_wait3A_965 = arith.constant 2 : i32
      %dma_wait3A_966 = arith.constant 0 : i32
      %dma_wait3A_967 = arith.constant 0 : i32
      %dma_wait3A_968 = arith.constant 128 : i32
      %dma_wait3A_969 = arith.constant 0 : i32
      %dma_wait3A_970 = tpu.memref_slice %arg6[%dma_wait3A_967, %dma_wait3A_968, %dma_wait3A_969] : memref<2x512x64xf32, #tpu.memory_space<vmem>> -> memref<1x128x64xf32, #tpu.memory_space<vmem>>
      %dma_wait3A_971 = tpu.memref_squeeze %dma_wait3A_970 : memref<1x128x64xf32, #tpu.memory_space<vmem>> -> memref<128x64xf32, #tpu.memory_space<vmem>>
      %dma_wait3A_972 = arith.constant 128 : i32
      %dma_wait3A_973 = tpu.memref_slice %arg5[%dma_wait3A_965, %dma_wait3A_966, %dma_wait3A_972] : memref<4x1x512xi32, #tpu.memory_space<vmem>> -> memref<1x1x128xi32, #tpu.memory_space<vmem>>
      %dma_wait3A_974 = tpu.memref_squeeze %dma_wait3A_973 : memref<1x1x128xi32, #tpu.memory_space<vmem>> -> memref<128xi32, #tpu.memory_space<vmem>>
      %dma_wait3A_975 = arith.constant 0 : i32
      %dma_wait3A_976 = arith.constant 0 : i32
      %dma_wait3A_977 = tpu.memref_slice %arg7[%dma_wait3A_975, %dma_wait3A_976] : memref<1000x64xf32, #tpu.memory_space<vmem_shared>> -> memref<1000x64xf32, #tpu.memory_space<vmem_shared>>
      tpu.wait_indirect_dma semaphore(%arg12 : memref<!tpu.dma_semaphore, #tpu.memory_space<semaphore_mem>>) src(%dma_wait3A_977 : memref<1000x64xf32, #tpu.memory_space<vmem_shared>>) dst(%dma_wait3A_971 : memref<128x64xf32, #tpu.memory_space<vmem>>)
      %dma_wait3A_978 = arith.constant 2 : i32
      %dma_wait3A_979 = arith.constant 0 : i32
      %dma_wait3A_980 = arith.constant 0 : i32
      %dma_wait3A_981 = arith.constant 256 : i32
      %dma_wait3A_982 = arith.constant 0 : i32
      %dma_wait3A_983 = tpu.memref_slice %arg6[%dma_wait3A_980, %dma_wait3A_981, %dma_wait3A_982] : memref<2x512x64xf32, #tpu.memory_space<vmem>> -> memref<1x128x64xf32, #tpu.memory_space<vmem>>
      %dma_wait3A_984 = tpu.memref_squeeze %dma_wait3A_983 : memref<1x128x64xf32, #tpu.memory_space<vmem>> -> memref<128x64xf32, #tpu.memory_space<vmem>>
      %dma_wait3A_985 = arith.constant 256 : i32
      %dma_wait3A_986 = tpu.memref_slice %arg5[%dma_wait3A_978, %dma_wait3A_979, %dma_wait3A_985] : memref<4x1x512xi32, #tpu.memory_space<vmem>> -> memref<1x1x128xi32, #tpu.memory_space<vmem>>
      %dma_wait3A_987 = tpu.memref_squeeze %dma_wait3A_986 : memref<1x1x128xi32, #tpu.memory_space<vmem>> -> memref<128xi32, #tpu.memory_space<vmem>>
      %dma_wait3A_988 = arith.constant 0 : i32
      %dma_wait3A_989 = arith.constant 0 : i32
      %dma_wait3A_990 = tpu.memref_slice %arg7[%dma_wait3A_988, %dma_wait3A_989] : memref<1000x64xf32, #tpu.memory_space<vmem_shared>> -> memref<1000x64xf32, #tpu.memory_space<vmem_shared>>
      tpu.wait_indirect_dma semaphore(%arg12 : memref<!tpu.dma_semaphore, #tpu.memory_space<semaphore_mem>>) src(%dma_wait3A_990 : memref<1000x64xf32, #tpu.memory_space<vmem_shared>>) dst(%dma_wait3A_984 : memref<128x64xf32, #tpu.memory_space<vmem>>)
      %dma_wait3A_991 = arith.constant 2 : i32
      %dma_wait3A_992 = arith.constant 0 : i32
      %dma_wait3A_993 = arith.constant 0 : i32
      %dma_wait3A_994 = arith.constant 384 : i32
      %dma_wait3A_995 = arith.constant 0 : i32
      %dma_wait3A_996 = tpu.memref_slice %arg6[%dma_wait3A_993, %dma_wait3A_994, %dma_wait3A_995] : memref<2x512x64xf32, #tpu.memory_space<vmem>> -> memref<1x128x64xf32, #tpu.memory_space<vmem>>
      %dma_wait3A_997 = tpu.memref_squeeze %dma_wait3A_996 : memref<1x128x64xf32, #tpu.memory_space<vmem>> -> memref<128x64xf32, #tpu.memory_space<vmem>>
      %dma_wait3A_998 = arith.constant 384 : i32
      %dma_wait3A_999 = tpu.memref_slice %arg5[%dma_wait3A_991, %dma_wait3A_992, %dma_wait3A_998] : memref<4x1x512xi32, #tpu.memory_space<vmem>> -> memref<1x1x128xi32, #tpu.memory_space<vmem>>
      %dma_wait3A_1000 = tpu.memref_squeeze %dma_wait3A_999 : memref<1x1x128xi32, #tpu.memory_space<vmem>> -> memref<128xi32, #tpu.memory_space<vmem>>
      %dma_wait3A_1001 = arith.constant 0 : i32
      %dma_wait3A_1002 = arith.constant 0 : i32
      %dma_wait3A_1003 = tpu.memref_slice %arg7[%dma_wait3A_1001, %dma_wait3A_1002] : memref<1000x64xf32, #tpu.memory_space<vmem_shared>> -> memref<1000x64xf32, #tpu.memory_space<vmem_shared>>
      tpu.wait_indirect_dma semaphore(%arg12 : memref<!tpu.dma_semaphore, #tpu.memory_space<semaphore_mem>>) src(%dma_wait3A_1003 : memref<1000x64xf32, #tpu.memory_space<vmem_shared>>) dst(%dma_wait3A_997 : memref<128x64xf32, #tpu.memory_space<vmem>>)
      %sub3A_1004 = arith.constant 1 : i32
      %sub3A_1005 = arith.subi %add3A_849, %sub3A_1004 : i32
      %mul3A_1006 = arith.constant 512 : i32
      %mul3A_1007 = arith.muli %sub3A_1005, %mul3A_1006 : i32
      %add3A_1008 = arith.addi %mul3A_2, %mul3A_1007 : i32
      %dma_start3A_1009 = arith.constant 0 : i32
      %dma_start3A_1010 = arith.constant 0 : i32
      %dma_start3A_1011 = arith.constant 0 : i32
      %dma_start3A_1012 = tpu.memref_slice %arg6[%dma_start3A_1009, %dma_start3A_1010, %dma_start3A_1011] : memref<2x512x64xf32, #tpu.memory_space<vmem>> -> memref<1x512x64xf32, #tpu.memory_space<vmem>>
      %dma_start3A_1013 = tpu.memref_squeeze %dma_start3A_1012 : memref<1x512x64xf32, #tpu.memory_space<vmem>> -> memref<512x64xf32, #tpu.memory_space<vmem>>
      %dma_start3A_1014 = arith.constant 0 : i32
      %dma_start3A_1015 = tpu.memref_slice %arg4[%add3A_1008, %dma_start3A_1014] : memref<3276800x64xf32, #tpu.memory_space<hbm>> -> memref<512x64xf32, #tpu.memory_space<hbm>>
      %dma_start3A_1016 = arith.constant 0 : i32
      %dma_start3A_1017 = tpu.memref_slice %arg4[%add3A_1008, %dma_start3A_1016] : memref<3276800x64xf32, #tpu.memory_space<hbm>> -> memref<512x64xf32, #tpu.memory_space<hbm>>
      %dma_start3A_1018 = arith.constant 0 : i32
      %dma_start3A_1019 = arith.constant 0 : i32
      %dma_start3A_1020 = tpu.memref_slice %arg6[%dma_start3A_1009, %dma_start3A_1018, %dma_start3A_1019] : memref<2x512x64xf32, #tpu.memory_space<vmem>> -> memref<1x512x64xf32, #tpu.memory_space<vmem>>
      %dma_start3A_1021 = tpu.memref_squeeze %dma_start3A_1020 : memref<1x512x64xf32, #tpu.memory_space<vmem>> -> memref<512x64xf32, #tpu.memory_space<vmem>>
      tpu.enqueue_dma source(%dma_start3A_1021 : memref<512x64xf32, #tpu.memory_space<vmem>>) target(%dma_start3A_1017 : memref<512x64xf32, #tpu.memory_space<hbm>>) target_semaphore(%arg14 : memref<!tpu.dma_semaphore, #tpu.memory_space<semaphore_mem>>)
      %mul3A_1022 = arith.constant 4 : i32
      %mul3A_1023 = arith.muli %mul3A_1022, %scan3A_666 : i32
      %add3A_1024 = arith.constant 2 : i32
      %add3A_1025 = arith.addi %add3A_1024, %mul3A_1023 : i32
      %add3A_1026 = arith.constant 2 : i32
      %add3A_1027 = arith.addi %add3A_1025, %add3A_1026 : i32
      %add3A_1028 = arith.addi %mul3A_4, %add3A_1027 : i32
      %dma_wait3A_1029 = arith.constant 0 : i32
      %dma_wait3A_1030 = arith.constant 0 : i32
      %dma_wait3A_1031 = arith.constant 0 : i32
      %dma_wait3A_1032 = tpu.memref_slice %arg5[%dma_wait3A_1029, %dma_wait3A_1030, %dma_wait3A_1031] : memref<4x1x512xi32, #tpu.memory_space<vmem>> -> memref<1x1x512xi32, #tpu.memory_space<vmem>>
      %dma_wait3A_1033 = tpu.memref_squeeze %dma_wait3A_1032 : memref<1x1x512xi32, #tpu.memory_space<vmem>> -> memref<1x512xi32, #tpu.memory_space<vmem>>
      %dma_wait3A_1034 = arith.constant 0 : i32
      %dma_wait3A_1035 = tpu.memref_slice %arg2[%add3A_1028, %dma_wait3A_1034] : memref<6400x512xi32, #tpu.memory_space<hbm>> -> memref<1x512xi32, #tpu.memory_space<hbm>>
      %dma_wait3A_1036 = arith.constant 0 : i32
      %dma_wait3A_1037 = arith.constant 0 : i32
      %dma_wait3A_1038 = tpu.memref_slice %arg5[%dma_wait3A_1029, %dma_wait3A_1036, %dma_wait3A_1037] : memref<4x1x512xi32, #tpu.memory_space<vmem>> -> memref<1x1x512xi32, #tpu.memory_space<vmem>>
      %dma_wait3A_1039 = tpu.memref_squeeze %dma_wait3A_1038 : memref<1x1x512xi32, #tpu.memory_space<vmem>> -> memref<1x512xi32, #tpu.memory_space<vmem>>
      %dma_wait3A_1040 = arith.constant 0 : i32
      %dma_wait3A_1041 = tpu.memref_slice %arg2[%add3A_1028, %dma_wait3A_1040] : memref<6400x512xi32, #tpu.memory_space<hbm>> -> memref<1x512xi32, #tpu.memory_space<hbm>>
      tpu.wait_dma2 semaphore(%arg8 : memref<!tpu.dma_semaphore, #tpu.memory_space<semaphore_mem>>) src(%dma_wait3A_1041 : memref<1x512xi32, #tpu.memory_space<hbm>>) dst(%dma_wait3A_1039 : memref<1x512xi32, #tpu.memory_space<vmem>>)
      %sub3A_1042 = arith.constant 2 : i32
      %sub3A_1043 = arith.subi %add3A_1027, %sub3A_1042 : i32
      %mul3A_1044 = arith.constant 512 : i32
      %mul3A_1045 = arith.muli %sub3A_1043, %mul3A_1044 : i32
      %add3A_1046 = arith.addi %mul3A_2, %mul3A_1045 : i32
      %dma_wait3A_1047 = arith.constant 0 : i32
      %dma_wait3A_1048 = arith.constant 0 : i32
      %dma_wait3A_1049 = arith.constant 0 : i32
      %dma_wait3A_1050 = tpu.memref_slice %arg6[%dma_wait3A_1047, %dma_wait3A_1048, %dma_wait3A_1049] : memref<2x512x64xf32, #tpu.memory_space<vmem>> -> memref<1x512x64xf32, #tpu.memory_space<vmem>>
      %dma_wait3A_1051 = tpu.memref_squeeze %dma_wait3A_1050 : memref<1x512x64xf32, #tpu.memory_space<vmem>> -> memref<512x64xf32, #tpu.memory_space<vmem>>
      %dma_wait3A_1052 = arith.constant 0 : i32
      %dma_wait3A_1053 = tpu.memref_slice %arg4[%add3A_1046, %dma_wait3A_1052] : memref<3276800x64xf32, #tpu.memory_space<hbm>> -> memref<512x64xf32, #tpu.memory_space<hbm>>
      %dma_wait3A_1054 = arith.constant 0 : i32
      %dma_wait3A_1055 = tpu.memref_slice %arg4[%add3A_1046, %dma_wait3A_1054] : memref<3276800x64xf32, #tpu.memory_space<hbm>> -> memref<512x64xf32, #tpu.memory_space<hbm>>
      %dma_wait3A_1056 = arith.constant 0 : i32
      %dma_wait3A_1057 = arith.constant 0 : i32
      %dma_wait3A_1058 = tpu.memref_slice %arg6[%dma_wait3A_1047, %dma_wait3A_1056, %dma_wait3A_1057] : memref<2x512x64xf32, #tpu.memory_space<vmem>> -> memref<1x512x64xf32, #tpu.memory_space<vmem>>
      %dma_wait3A_1059 = tpu.memref_squeeze %dma_wait3A_1058 : memref<1x512x64xf32, #tpu.memory_space<vmem>> -> memref<512x64xf32, #tpu.memory_space<vmem>>
      tpu.wait_dma2 semaphore(%arg14 : memref<!tpu.dma_semaphore, #tpu.memory_space<semaphore_mem>>) src(%dma_wait3A_1059 : memref<512x64xf32, #tpu.memory_space<vmem>>) dst(%dma_wait3A_1055 : memref<512x64xf32, #tpu.memory_space<hbm>>)
      %dma_start3A_1060 = arith.constant 0 : i32
      %dma_start3A_1061 = arith.constant 0 : i32
      %dma_start3A_1062 = arith.constant 0 : i32
      %dma_start3A_1063 = arith.constant 0 : i32
      %dma_start3A_1064 = arith.constant 0 : i32
      %dma_start3A_1065 = tpu.memref_slice %arg6[%dma_start3A_1062, %dma_start3A_1063, %dma_start3A_1064] : memref<2x512x64xf32, #tpu.memory_space<vmem>> -> memref<1x128x64xf32, #tpu.memory_space<vmem>>
      %dma_start3A_1066 = tpu.memref_squeeze %dma_start3A_1065 : memref<1x128x64xf32, #tpu.memory_space<vmem>> -> memref<128x64xf32, #tpu.memory_space<vmem>>
      %dma_start3A_1067 = arith.constant 0 : i32
      %dma_start3A_1068 = tpu.memref_slice %arg5[%dma_start3A_1060, %dma_start3A_1061, %dma_start3A_1067] : memref<4x1x512xi32, #tpu.memory_space<vmem>> -> memref<1x1x128xi32, #tpu.memory_space<vmem>>
      %dma_start3A_1069 = tpu.memref_squeeze %dma_start3A_1068 : memref<1x1x128xi32, #tpu.memory_space<vmem>> -> memref<128xi32, #tpu.memory_space<vmem>>
      %dma_start3A_1070 = arith.constant 0 : i32
      %dma_start3A_1071 = arith.constant 0 : i32
      %dma_start3A_1072 = tpu.memref_slice %arg7[%dma_start3A_1070, %dma_start3A_1071] : memref<1000x64xf32, #tpu.memory_space<vmem_shared>> -> memref<1000x64xf32, #tpu.memory_space<vmem_shared>>
      tpu.enqueue_indirect_dma source(%dma_start3A_1072 : memref<1000x64xf32, #tpu.memory_space<vmem_shared>>) target(%dma_start3A_1066 : memref<128x64xf32, #tpu.memory_space<vmem>>) offsets(%dma_start3A_1069 : memref<128xi32, #tpu.memory_space<vmem>>) semaphore(%arg12 : memref<!tpu.dma_semaphore, #tpu.memory_space<semaphore_mem>>)
      %dma_start3A_1073 = arith.constant 0 : i32
      %dma_start3A_1074 = arith.constant 0 : i32
      %dma_start3A_1075 = arith.constant 0 : i32
      %dma_start3A_1076 = arith.constant 128 : i32
      %dma_start3A_1077 = arith.constant 0 : i32
      %dma_start3A_1078 = tpu.memref_slice %arg6[%dma_start3A_1075, %dma_start3A_1076, %dma_start3A_1077] : memref<2x512x64xf32, #tpu.memory_space<vmem>> -> memref<1x128x64xf32, #tpu.memory_space<vmem>>
      %dma_start3A_1079 = tpu.memref_squeeze %dma_start3A_1078 : memref<1x128x64xf32, #tpu.memory_space<vmem>> -> memref<128x64xf32, #tpu.memory_space<vmem>>
      %dma_start3A_1080 = arith.constant 128 : i32
      %dma_start3A_1081 = tpu.memref_slice %arg5[%dma_start3A_1073, %dma_start3A_1074, %dma_start3A_1080] : memref<4x1x512xi32, #tpu.memory_space<vmem>> -> memref<1x1x128xi32, #tpu.memory_space<vmem>>
      %dma_start3A_1082 = tpu.memref_squeeze %dma_start3A_1081 : memref<1x1x128xi32, #tpu.memory_space<vmem>> -> memref<128xi32, #tpu.memory_space<vmem>>
      %dma_start3A_1083 = arith.constant 0 : i32
      %dma_start3A_1084 = arith.constant 0 : i32
      %dma_start3A_1085 = tpu.memref_slice %arg7[%dma_start3A_1083, %dma_start3A_1084] : memref<1000x64xf32, #tpu.memory_space<vmem_shared>> -> memref<1000x64xf32, #tpu.memory_space<vmem_shared>>
      tpu.enqueue_indirect_dma source(%dma_start3A_1085 : memref<1000x64xf32, #tpu.memory_space<vmem_shared>>) target(%dma_start3A_1079 : memref<128x64xf32, #tpu.memory_space<vmem>>) offsets(%dma_start3A_1082 : memref<128xi32, #tpu.memory_space<vmem>>) semaphore(%arg12 : memref<!tpu.dma_semaphore, #tpu.memory_space<semaphore_mem>>)
      %dma_start3A_1086 = arith.constant 0 : i32
      %dma_start3A_1087 = arith.constant 0 : i32
      %dma_start3A_1088 = arith.constant 0 : i32
      %dma_start3A_1089 = arith.constant 256 : i32
      %dma_start3A_1090 = arith.constant 0 : i32
      %dma_start3A_1091 = tpu.memref_slice %arg6[%dma_start3A_1088, %dma_start3A_1089, %dma_start3A_1090] : memref<2x512x64xf32, #tpu.memory_space<vmem>> -> memref<1x128x64xf32, #tpu.memory_space<vmem>>
      %dma_start3A_1092 = tpu.memref_squeeze %dma_start3A_1091 : memref<1x128x64xf32, #tpu.memory_space<vmem>> -> memref<128x64xf32, #tpu.memory_space<vmem>>
      %dma_start3A_1093 = arith.constant 256 : i32
      %dma_start3A_1094 = tpu.memref_slice %arg5[%dma_start3A_1086, %dma_start3A_1087, %dma_start3A_1093] : memref<4x1x512xi32, #tpu.memory_space<vmem>> -> memref<1x1x128xi32, #tpu.memory_space<vmem>>
      %dma_start3A_1095 = tpu.memref_squeeze %dma_start3A_1094 : memref<1x1x128xi32, #tpu.memory_space<vmem>> -> memref<128xi32, #tpu.memory_space<vmem>>
      %dma_start3A_1096 = arith.constant 0 : i32
      %dma_start3A_1097 = arith.constant 0 : i32
      %dma_start3A_1098 = tpu.memref_slice %arg7[%dma_start3A_1096, %dma_start3A_1097] : memref<1000x64xf32, #tpu.memory_space<vmem_shared>> -> memref<1000x64xf32, #tpu.memory_space<vmem_shared>>
      tpu.enqueue_indirect_dma source(%dma_start3A_1098 : memref<1000x64xf32, #tpu.memory_space<vmem_shared>>) target(%dma_start3A_1092 : memref<128x64xf32, #tpu.memory_space<vmem>>) offsets(%dma_start3A_1095 : memref<128xi32, #tpu.memory_space<vmem>>) semaphore(%arg12 : memref<!tpu.dma_semaphore, #tpu.memory_space<semaphore_mem>>)
      %dma_start3A_1099 = arith.constant 0 : i32
      %dma_start3A_1100 = arith.constant 0 : i32
      %dma_start3A_1101 = arith.constant 0 : i32
      %dma_start3A_1102 = arith.constant 384 : i32
      %dma_start3A_1103 = arith.constant 0 : i32
      %dma_start3A_1104 = tpu.memref_slice %arg6[%dma_start3A_1101, %dma_start3A_1102, %dma_start3A_1103] : memref<2x512x64xf32, #tpu.memory_space<vmem>> -> memref<1x128x64xf32, #tpu.memory_space<vmem>>
      %dma_start3A_1105 = tpu.memref_squeeze %dma_start3A_1104 : memref<1x128x64xf32, #tpu.memory_space<vmem>> -> memref<128x64xf32, #tpu.memory_space<vmem>>
      %dma_start3A_1106 = arith.constant 384 : i32
      %dma_start3A_1107 = tpu.memref_slice %arg5[%dma_start3A_1099, %dma_start3A_1100, %dma_start3A_1106] : memref<4x1x512xi32, #tpu.memory_space<vmem>> -> memref<1x1x128xi32, #tpu.memory_space<vmem>>
      %dma_start3A_1108 = tpu.memref_squeeze %dma_start3A_1107 : memref<1x1x128xi32, #tpu.memory_space<vmem>> -> memref<128xi32, #tpu.memory_space<vmem>>
      %dma_start3A_1109 = arith.constant 0 : i32
      %dma_start3A_1110 = arith.constant 0 : i32
      %dma_start3A_1111 = tpu.memref_slice %arg7[%dma_start3A_1109, %dma_start3A_1110] : memref<1000x64xf32, #tpu.memory_space<vmem_shared>> -> memref<1000x64xf32, #tpu.memory_space<vmem_shared>>
      tpu.enqueue_indirect_dma source(%dma_start3A_1111 : memref<1000x64xf32, #tpu.memory_space<vmem_shared>>) target(%dma_start3A_1105 : memref<128x64xf32, #tpu.memory_space<vmem>>) offsets(%dma_start3A_1108 : memref<128xi32, #tpu.memory_space<vmem>>) semaphore(%arg12 : memref<!tpu.dma_semaphore, #tpu.memory_space<semaphore_mem>>)
      %add3A_1112 = arith.constant 2 : i32
      %add3A_1113 = arith.addi %add3A_1027, %add3A_1112 : i32
      %add3A_1114 = arith.addi %mul3A_4, %add3A_1113 : i32
      %dma_start3A_1115 = arith.constant 2 : i32
      %dma_start3A_1116 = arith.constant 0 : i32
      %dma_start3A_1117 = arith.constant 0 : i32
      %dma_start3A_1118 = tpu.memref_slice %arg5[%dma_start3A_1115, %dma_start3A_1116, %dma_start3A_1117] : memref<4x1x512xi32, #tpu.memory_space<vmem>> -> memref<1x1x512xi32, #tpu.memory_space<vmem>>
      %dma_start3A_1119 = tpu.memref_squeeze %dma_start3A_1118 : memref<1x1x512xi32, #tpu.memory_space<vmem>> -> memref<1x512xi32, #tpu.memory_space<vmem>>
      %dma_start3A_1120 = arith.constant 0 : i32
      %dma_start3A_1121 = tpu.memref_slice %arg2[%add3A_1114, %dma_start3A_1120] : memref<6400x512xi32, #tpu.memory_space<hbm>> -> memref<1x512xi32, #tpu.memory_space<hbm>>
      %dma_start3A_1122 = arith.constant 0 : i32
      %dma_start3A_1123 = arith.constant 0 : i32
      %dma_start3A_1124 = tpu.memref_slice %arg5[%dma_start3A_1115, %dma_start3A_1122, %dma_start3A_1123] : memref<4x1x512xi32, #tpu.memory_space<vmem>> -> memref<1x1x512xi32, #tpu.memory_space<vmem>>
      %dma_start3A_1125 = tpu.memref_squeeze %dma_start3A_1124 : memref<1x1x512xi32, #tpu.memory_space<vmem>> -> memref<1x512xi32, #tpu.memory_space<vmem>>
      %dma_start3A_1126 = arith.constant 0 : i32
      %dma_start3A_1127 = tpu.memref_slice %arg2[%add3A_1114, %dma_start3A_1126] : memref<6400x512xi32, #tpu.memory_space<hbm>> -> memref<1x512xi32, #tpu.memory_space<hbm>>
      tpu.enqueue_dma source(%dma_start3A_1127 : memref<1x512xi32, #tpu.memory_space<hbm>>) target(%dma_start3A_1125 : memref<1x512xi32, #tpu.memory_space<vmem>>) target_semaphore(%arg10 : memref<!tpu.dma_semaphore, #tpu.memory_space<semaphore_mem>>)
      %sub3A_1128 = arith.constant 1 : i32
      %sub3A_1129 = arith.subi %add3A_1027, %sub3A_1128 : i32
      %dma_wait3A_1130 = arith.constant 3 : i32
      %dma_wait3A_1131 = arith.constant 0 : i32
      %dma_wait3A_1132 = arith.constant 1 : i32
      %dma_wait3A_1133 = arith.constant 0 : i32
      %dma_wait3A_1134 = arith.constant 0 : i32
      %dma_wait3A_1135 = tpu.memref_slice %arg6[%dma_wait3A_1132, %dma_wait3A_1133, %dma_wait3A_1134] : memref<2x512x64xf32, #tpu.memory_space<vmem>> -> memref<1x128x64xf32, #tpu.memory_space<vmem>>
      %dma_wait3A_1136 = tpu.memref_squeeze %dma_wait3A_1135 : memref<1x128x64xf32, #tpu.memory_space<vmem>> -> memref<128x64xf32, #tpu.memory_space<vmem>>
      %dma_wait3A_1137 = arith.constant 0 : i32
      %dma_wait3A_1138 = tpu.memref_slice %arg5[%dma_wait3A_1130, %dma_wait3A_1131, %dma_wait3A_1137] : memref<4x1x512xi32, #tpu.memory_space<vmem>> -> memref<1x1x128xi32, #tpu.memory_space<vmem>>
      %dma_wait3A_1139 = tpu.memref_squeeze %dma_wait3A_1138 : memref<1x1x128xi32, #tpu.memory_space<vmem>> -> memref<128xi32, #tpu.memory_space<vmem>>
      %dma_wait3A_1140 = arith.constant 0 : i32
      %dma_wait3A_1141 = arith.constant 0 : i32
      %dma_wait3A_1142 = tpu.memref_slice %arg7[%dma_wait3A_1140, %dma_wait3A_1141] : memref<1000x64xf32, #tpu.memory_space<vmem_shared>> -> memref<1000x64xf32, #tpu.memory_space<vmem_shared>>
      tpu.wait_indirect_dma semaphore(%arg13 : memref<!tpu.dma_semaphore, #tpu.memory_space<semaphore_mem>>) src(%dma_wait3A_1142 : memref<1000x64xf32, #tpu.memory_space<vmem_shared>>) dst(%dma_wait3A_1136 : memref<128x64xf32, #tpu.memory_space<vmem>>)
      %dma_wait3A_1143 = arith.constant 3 : i32
      %dma_wait3A_1144 = arith.constant 0 : i32
      %dma_wait3A_1145 = arith.constant 1 : i32
      %dma_wait3A_1146 = arith.constant 128 : i32
      %dma_wait3A_1147 = arith.constant 0 : i32
      %dma_wait3A_1148 = tpu.memref_slice %arg6[%dma_wait3A_1145, %dma_wait3A_1146, %dma_wait3A_1147] : memref<2x512x64xf32, #tpu.memory_space<vmem>> -> memref<1x128x64xf32, #tpu.memory_space<vmem>>
      %dma_wait3A_1149 = tpu.memref_squeeze %dma_wait3A_1148 : memref<1x128x64xf32, #tpu.memory_space<vmem>> -> memref<128x64xf32, #tpu.memory_space<vmem>>
      %dma_wait3A_1150 = arith.constant 128 : i32
      %dma_wait3A_1151 = tpu.memref_slice %arg5[%dma_wait3A_1143, %dma_wait3A_1144, %dma_wait3A_1150] : memref<4x1x512xi32, #tpu.memory_space<vmem>> -> memref<1x1x128xi32, #tpu.memory_space<vmem>>
      %dma_wait3A_1152 = tpu.memref_squeeze %dma_wait3A_1151 : memref<1x1x128xi32, #tpu.memory_space<vmem>> -> memref<128xi32, #tpu.memory_space<vmem>>
      %dma_wait3A_1153 = arith.constant 0 : i32
      %dma_wait3A_1154 = arith.constant 0 : i32
      %dma_wait3A_1155 = tpu.memref_slice %arg7[%dma_wait3A_1153, %dma_wait3A_1154] : memref<1000x64xf32, #tpu.memory_space<vmem_shared>> -> memref<1000x64xf32, #tpu.memory_space<vmem_shared>>
      tpu.wait_indirect_dma semaphore(%arg13 : memref<!tpu.dma_semaphore, #tpu.memory_space<semaphore_mem>>) src(%dma_wait3A_1155 : memref<1000x64xf32, #tpu.memory_space<vmem_shared>>) dst(%dma_wait3A_1149 : memref<128x64xf32, #tpu.memory_space<vmem>>)
      %dma_wait3A_1156 = arith.constant 3 : i32
      %dma_wait3A_1157 = arith.constant 0 : i32
      %dma_wait3A_1158 = arith.constant 1 : i32
      %dma_wait3A_1159 = arith.constant 256 : i32
      %dma_wait3A_1160 = arith.constant 0 : i32
      %dma_wait3A_1161 = tpu.memref_slice %arg6[%dma_wait3A_1158, %dma_wait3A_1159, %dma_wait3A_1160] : memref<2x512x64xf32, #tpu.memory_space<vmem>> -> memref<1x128x64xf32, #tpu.memory_space<vmem>>
      %dma_wait3A_1162 = tpu.memref_squeeze %dma_wait3A_1161 : memref<1x128x64xf32, #tpu.memory_space<vmem>> -> memref<128x64xf32, #tpu.memory_space<vmem>>
      %dma_wait3A_1163 = arith.constant 256 : i32
      %dma_wait3A_1164 = tpu.memref_slice %arg5[%dma_wait3A_1156, %dma_wait3A_1157, %dma_wait3A_1163] : memref<4x1x512xi32, #tpu.memory_space<vmem>> -> memref<1x1x128xi32, #tpu.memory_space<vmem>>
      %dma_wait3A_1165 = tpu.memref_squeeze %dma_wait3A_1164 : memref<1x1x128xi32, #tpu.memory_space<vmem>> -> memref<128xi32, #tpu.memory_space<vmem>>
      %dma_wait3A_1166 = arith.constant 0 : i32
      %dma_wait3A_1167 = arith.constant 0 : i32
      %dma_wait3A_1168 = tpu.memref_slice %arg7[%dma_wait3A_1166, %dma_wait3A_1167] : memref<1000x64xf32, #tpu.memory_space<vmem_shared>> -> memref<1000x64xf32, #tpu.memory_space<vmem_shared>>
      tpu.wait_indirect_dma semaphore(%arg13 : memref<!tpu.dma_semaphore, #tpu.memory_space<semaphore_mem>>) src(%dma_wait3A_1168 : memref<1000x64xf32, #tpu.memory_space<vmem_shared>>) dst(%dma_wait3A_1162 : memref<128x64xf32, #tpu.memory_space<vmem>>)
      %dma_wait3A_1169 = arith.constant 3 : i32
      %dma_wait3A_1170 = arith.constant 0 : i32
      %dma_wait3A_1171 = arith.constant 1 : i32
      %dma_wait3A_1172 = arith.constant 384 : i32
      %dma_wait3A_1173 = arith.constant 0 : i32
      %dma_wait3A_1174 = tpu.memref_slice %arg6[%dma_wait3A_1171, %dma_wait3A_1172, %dma_wait3A_1173] : memref<2x512x64xf32, #tpu.memory_space<vmem>> -> memref<1x128x64xf32, #tpu.memory_space<vmem>>
      %dma_wait3A_1175 = tpu.memref_squeeze %dma_wait3A_1174 : memref<1x128x64xf32, #tpu.memory_space<vmem>> -> memref<128x64xf32, #tpu.memory_space<vmem>>
      %dma_wait3A_1176 = arith.constant 384 : i32
      %dma_wait3A_1177 = tpu.memref_slice %arg5[%dma_wait3A_1169, %dma_wait3A_1170, %dma_wait3A_1176] : memref<4x1x512xi32, #tpu.memory_space<vmem>> -> memref<1x1x128xi32, #tpu.memory_space<vmem>>
      %dma_wait3A_1178 = tpu.memref_squeeze %dma_wait3A_1177 : memref<1x1x128xi32, #tpu.memory_space<vmem>> -> memref<128xi32, #tpu.memory_space<vmem>>
      %dma_wait3A_1179 = arith.constant 0 : i32
      %dma_wait3A_1180 = arith.constant 0 : i32
      %dma_wait3A_1181 = tpu.memref_slice %arg7[%dma_wait3A_1179, %dma_wait3A_1180] : memref<1000x64xf32, #tpu.memory_space<vmem_shared>> -> memref<1000x64xf32, #tpu.memory_space<vmem_shared>>
      tpu.wait_indirect_dma semaphore(%arg13 : memref<!tpu.dma_semaphore, #tpu.memory_space<semaphore_mem>>) src(%dma_wait3A_1181 : memref<1000x64xf32, #tpu.memory_space<vmem_shared>>) dst(%dma_wait3A_1175 : memref<128x64xf32, #tpu.memory_space<vmem>>)
      %sub3A_1182 = arith.constant 1 : i32
      %sub3A_1183 = arith.subi %add3A_1027, %sub3A_1182 : i32
      %mul3A_1184 = arith.constant 512 : i32
      %mul3A_1185 = arith.muli %sub3A_1183, %mul3A_1184 : i32
      %add3A_1186 = arith.addi %mul3A_2, %mul3A_1185 : i32
      %dma_start3A_1187 = arith.constant 1 : i32
      %dma_start3A_1188 = arith.constant 0 : i32
      %dma_start3A_1189 = arith.constant 0 : i32
      %dma_start3A_1190 = tpu.memref_slice %arg6[%dma_start3A_1187, %dma_start3A_1188, %dma_start3A_1189] : memref<2x512x64xf32, #tpu.memory_space<vmem>> -> memref<1x512x64xf32, #tpu.memory_space<vmem>>
      %dma_start3A_1191 = tpu.memref_squeeze %dma_start3A_1190 : memref<1x512x64xf32, #tpu.memory_space<vmem>> -> memref<512x64xf32, #tpu.memory_space<vmem>>
      %dma_start3A_1192 = arith.constant 0 : i32
      %dma_start3A_1193 = tpu.memref_slice %arg4[%add3A_1186, %dma_start3A_1192] : memref<3276800x64xf32, #tpu.memory_space<hbm>> -> memref<512x64xf32, #tpu.memory_space<hbm>>
      %dma_start3A_1194 = arith.constant 0 : i32
      %dma_start3A_1195 = tpu.memref_slice %arg4[%add3A_1186, %dma_start3A_1194] : memref<3276800x64xf32, #tpu.memory_space<hbm>> -> memref<512x64xf32, #tpu.memory_space<hbm>>
      %dma_start3A_1196 = arith.constant 0 : i32
      %dma_start3A_1197 = arith.constant 0 : i32
      %dma_start3A_1198 = tpu.memref_slice %arg6[%dma_start3A_1187, %dma_start3A_1196, %dma_start3A_1197] : memref<2x512x64xf32, #tpu.memory_space<vmem>> -> memref<1x512x64xf32, #tpu.memory_space<vmem>>
      %dma_start3A_1199 = tpu.memref_squeeze %dma_start3A_1198 : memref<1x512x64xf32, #tpu.memory_space<vmem>> -> memref<512x64xf32, #tpu.memory_space<vmem>>
      tpu.enqueue_dma source(%dma_start3A_1199 : memref<512x64xf32, #tpu.memory_space<vmem>>) target(%dma_start3A_1195 : memref<512x64xf32, #tpu.memory_space<hbm>>) target_semaphore(%arg15 : memref<!tpu.dma_semaphore, #tpu.memory_space<semaphore_mem>>)
      %mul3A_1200 = arith.constant 4 : i32
      %mul3A_1201 = arith.muli %mul3A_1200, %scan3A_666 : i32
      %add3A_1202 = arith.constant 2 : i32
      %add3A_1203 = arith.addi %add3A_1202, %mul3A_1201 : i32
      %add3A_1204 = arith.constant 3 : i32
      %add3A_1205 = arith.addi %add3A_1203, %add3A_1204 : i32
      %add3A_1206 = arith.addi %mul3A_4, %add3A_1205 : i32
      %dma_wait3A_1207 = arith.constant 1 : i32
      %dma_wait3A_1208 = arith.constant 0 : i32
      %dma_wait3A_1209 = arith.constant 0 : i32
      %dma_wait3A_1210 = tpu.memref_slice %arg5[%dma_wait3A_1207, %dma_wait3A_1208, %dma_wait3A_1209] : memref<4x1x512xi32, #tpu.memory_space<vmem>> -> memref<1x1x512xi32, #tpu.memory_space<vmem>>
      %dma_wait3A_1211 = tpu.memref_squeeze %dma_wait3A_1210 : memref<1x1x512xi32, #tpu.memory_space<vmem>> -> memref<1x512xi32, #tpu.memory_space<vmem>>
      %dma_wait3A_1212 = arith.constant 0 : i32
      %dma_wait3A_1213 = tpu.memref_slice %arg2[%add3A_1206, %dma_wait3A_1212] : memref<6400x512xi32, #tpu.memory_space<hbm>> -> memref<1x512xi32, #tpu.memory_space<hbm>>
      %dma_wait3A_1214 = arith.constant 0 : i32
      %dma_wait3A_1215 = arith.constant 0 : i32
      %dma_wait3A_1216 = tpu.memref_slice %arg5[%dma_wait3A_1207, %dma_wait3A_1214, %dma_wait3A_1215] : memref<4x1x512xi32, #tpu.memory_space<vmem>> -> memref<1x1x512xi32, #tpu.memory_space<vmem>>
      %dma_wait3A_1217 = tpu.memref_squeeze %dma_wait3A_1216 : memref<1x1x512xi32, #tpu.memory_space<vmem>> -> memref<1x512xi32, #tpu.memory_space<vmem>>
      %dma_wait3A_1218 = arith.constant 0 : i32
      %dma_wait3A_1219 = tpu.memref_slice %arg2[%add3A_1206, %dma_wait3A_1218] : memref<6400x512xi32, #tpu.memory_space<hbm>> -> memref<1x512xi32, #tpu.memory_space<hbm>>
      tpu.wait_dma2 semaphore(%arg9 : memref<!tpu.dma_semaphore, #tpu.memory_space<semaphore_mem>>) src(%dma_wait3A_1219 : memref<1x512xi32, #tpu.memory_space<hbm>>) dst(%dma_wait3A_1217 : memref<1x512xi32, #tpu.memory_space<vmem>>)
      %sub3A_1220 = arith.constant 2 : i32
      %sub3A_1221 = arith.subi %add3A_1205, %sub3A_1220 : i32
      %mul3A_1222 = arith.constant 512 : i32
      %mul3A_1223 = arith.muli %sub3A_1221, %mul3A_1222 : i32
      %add3A_1224 = arith.addi %mul3A_2, %mul3A_1223 : i32
      %dma_wait3A_1225 = arith.constant 1 : i32
      %dma_wait3A_1226 = arith.constant 0 : i32
      %dma_wait3A_1227 = arith.constant 0 : i32
      %dma_wait3A_1228 = tpu.memref_slice %arg6[%dma_wait3A_1225, %dma_wait3A_1226, %dma_wait3A_1227] : memref<2x512x64xf32, #tpu.memory_space<vmem>> -> memref<1x512x64xf32, #tpu.memory_space<vmem>>
      %dma_wait3A_1229 = tpu.memref_squeeze %dma_wait3A_1228 : memref<1x512x64xf32, #tpu.memory_space<vmem>> -> memref<512x64xf32, #tpu.memory_space<vmem>>
      %dma_wait3A_1230 = arith.constant 0 : i32
      %dma_wait3A_1231 = tpu.memref_slice %arg4[%add3A_1224, %dma_wait3A_1230] : memref<3276800x64xf32, #tpu.memory_space<hbm>> -> memref<512x64xf32, #tpu.memory_space<hbm>>
      %dma_wait3A_1232 = arith.constant 0 : i32
      %dma_wait3A_1233 = tpu.memref_slice %arg4[%add3A_1224, %dma_wait3A_1232] : memref<3276800x64xf32, #tpu.memory_space<hbm>> -> memref<512x64xf32, #tpu.memory_space<hbm>>
      %dma_wait3A_1234 = arith.constant 0 : i32
      %dma_wait3A_1235 = arith.constant 0 : i32
      %dma_wait3A_1236 = tpu.memref_slice %arg6[%dma_wait3A_1225, %dma_wait3A_1234, %dma_wait3A_1235] : memref<2x512x64xf32, #tpu.memory_space<vmem>> -> memref<1x512x64xf32, #tpu.memory_space<vmem>>
      %dma_wait3A_1237 = tpu.memref_squeeze %dma_wait3A_1236 : memref<1x512x64xf32, #tpu.memory_space<vmem>> -> memref<512x64xf32, #tpu.memory_space<vmem>>
      tpu.wait_dma2 semaphore(%arg15 : memref<!tpu.dma_semaphore, #tpu.memory_space<semaphore_mem>>) src(%dma_wait3A_1237 : memref<512x64xf32, #tpu.memory_space<vmem>>) dst(%dma_wait3A_1233 : memref<512x64xf32, #tpu.memory_space<hbm>>)
      %dma_start3A_1238 = arith.constant 1 : i32
      %dma_start3A_1239 = arith.constant 0 : i32
      %dma_start3A_1240 = arith.constant 1 : i32
      %dma_start3A_1241 = arith.constant 0 : i32
      %dma_start3A_1242 = arith.constant 0 : i32
      %dma_start3A_1243 = tpu.memref_slice %arg6[%dma_start3A_1240, %dma_start3A_1241, %dma_start3A_1242] : memref<2x512x64xf32, #tpu.memory_space<vmem>> -> memref<1x128x64xf32, #tpu.memory_space<vmem>>
      %dma_start3A_1244 = tpu.memref_squeeze %dma_start3A_1243 : memref<1x128x64xf32, #tpu.memory_space<vmem>> -> memref<128x64xf32, #tpu.memory_space<vmem>>
      %dma_start3A_1245 = arith.constant 0 : i32
      %dma_start3A_1246 = tpu.memref_slice %arg5[%dma_start3A_1238, %dma_start3A_1239, %dma_start3A_1245] : memref<4x1x512xi32, #tpu.memory_space<vmem>> -> memref<1x1x128xi32, #tpu.memory_space<vmem>>
      %dma_start3A_1247 = tpu.memref_squeeze %dma_start3A_1246 : memref<1x1x128xi32, #tpu.memory_space<vmem>> -> memref<128xi32, #tpu.memory_space<vmem>>
      %dma_start3A_1248 = arith.constant 0 : i32
      %dma_start3A_1249 = arith.constant 0 : i32
      %dma_start3A_1250 = tpu.memref_slice %arg7[%dma_start3A_1248, %dma_start3A_1249] : memref<1000x64xf32, #tpu.memory_space<vmem_shared>> -> memref<1000x64xf32, #tpu.memory_space<vmem_shared>>
      tpu.enqueue_indirect_dma source(%dma_start3A_1250 : memref<1000x64xf32, #tpu.memory_space<vmem_shared>>) target(%dma_start3A_1244 : memref<128x64xf32, #tpu.memory_space<vmem>>) offsets(%dma_start3A_1247 : memref<128xi32, #tpu.memory_space<vmem>>) semaphore(%arg13 : memref<!tpu.dma_semaphore, #tpu.memory_space<semaphore_mem>>)
      %dma_start3A_1251 = arith.constant 1 : i32
      %dma_start3A_1252 = arith.constant 0 : i32
      %dma_start3A_1253 = arith.constant 1 : i32
      %dma_start3A_1254 = arith.constant 128 : i32
      %dma_start3A_1255 = arith.constant 0 : i32
      %dma_start3A_1256 = tpu.memref_slice %arg6[%dma_start3A_1253, %dma_start3A_1254, %dma_start3A_1255] : memref<2x512x64xf32, #tpu.memory_space<vmem>> -> memref<1x128x64xf32, #tpu.memory_space<vmem>>
      %dma_start3A_1257 = tpu.memref_squeeze %dma_start3A_1256 : memref<1x128x64xf32, #tpu.memory_space<vmem>> -> memref<128x64xf32, #tpu.memory_space<vmem>>
      %dma_start3A_1258 = arith.constant 128 : i32
      %dma_start3A_1259 = tpu.memref_slice %arg5[%dma_start3A_1251, %dma_start3A_1252, %dma_start3A_1258] : memref<4x1x512xi32, #tpu.memory_space<vmem>> -> memref<1x1x128xi32, #tpu.memory_space<vmem>>
      %dma_start3A_1260 = tpu.memref_squeeze %dma_start3A_1259 : memref<1x1x128xi32, #tpu.memory_space<vmem>> -> memref<128xi32, #tpu.memory_space<vmem>>
      %dma_start3A_1261 = arith.constant 0 : i32
      %dma_start3A_1262 = arith.constant 0 : i32
      %dma_start3A_1263 = tpu.memref_slice %arg7[%dma_start3A_1261, %dma_start3A_1262] : memref<1000x64xf32, #tpu.memory_space<vmem_shared>> -> memref<1000x64xf32, #tpu.memory_space<vmem_shared>>
      tpu.enqueue_indirect_dma source(%dma_start3A_1263 : memref<1000x64xf32, #tpu.memory_space<vmem_shared>>) target(%dma_start3A_1257 : memref<128x64xf32, #tpu.memory_space<vmem>>) offsets(%dma_start3A_1260 : memref<128xi32, #tpu.memory_space<vmem>>) semaphore(%arg13 : memref<!tpu.dma_semaphore, #tpu.memory_space<semaphore_mem>>)
      %dma_start3A_1264 = arith.constant 1 : i32
      %dma_start3A_1265 = arith.constant 0 : i32
      %dma_start3A_1266 = arith.constant 1 : i32
      %dma_start3A_1267 = arith.constant 256 : i32
      %dma_start3A_1268 = arith.constant 0 : i32
      %dma_start3A_1269 = tpu.memref_slice %arg6[%dma_start3A_1266, %dma_start3A_1267, %dma_start3A_1268] : memref<2x512x64xf32, #tpu.memory_space<vmem>> -> memref<1x128x64xf32, #tpu.memory_space<vmem>>
      %dma_start3A_1270 = tpu.memref_squeeze %dma_start3A_1269 : memref<1x128x64xf32, #tpu.memory_space<vmem>> -> memref<128x64xf32, #tpu.memory_space<vmem>>
      %dma_start3A_1271 = arith.constant 256 : i32
      %dma_start3A_1272 = tpu.memref_slice %arg5[%dma_start3A_1264, %dma_start3A_1265, %dma_start3A_1271] : memref<4x1x512xi32, #tpu.memory_space<vmem>> -> memref<1x1x128xi32, #tpu.memory_space<vmem>>
      %dma_start3A_1273 = tpu.memref_squeeze %dma_start3A_1272 : memref<1x1x128xi32, #tpu.memory_space<vmem>> -> memref<128xi32, #tpu.memory_space<vmem>>
      %dma_start3A_1274 = arith.constant 0 : i32
      %dma_start3A_1275 = arith.constant 0 : i32
      %dma_start3A_1276 = tpu.memref_slice %arg7[%dma_start3A_1274, %dma_start3A_1275] : memref<1000x64xf32, #tpu.memory_space<vmem_shared>> -> memref<1000x64xf32, #tpu.memory_space<vmem_shared>>
      tpu.enqueue_indirect_dma source(%dma_start3A_1276 : memref<1000x64xf32, #tpu.memory_space<vmem_shared>>) target(%dma_start3A_1270 : memref<128x64xf32, #tpu.memory_space<vmem>>) offsets(%dma_start3A_1273 : memref<128xi32, #tpu.memory_space<vmem>>) semaphore(%arg13 : memref<!tpu.dma_semaphore, #tpu.memory_space<semaphore_mem>>)
      %dma_start3A_1277 = arith.constant 1 : i32
      %dma_start3A_1278 = arith.constant 0 : i32
      %dma_start3A_1279 = arith.constant 1 : i32
      %dma_start3A_1280 = arith.constant 384 : i32
      %dma_start3A_1281 = arith.constant 0 : i32
      %dma_start3A_1282 = tpu.memref_slice %arg6[%dma_start3A_1279, %dma_start3A_1280, %dma_start3A_1281] : memref<2x512x64xf32, #tpu.memory_space<vmem>> -> memref<1x128x64xf32, #tpu.memory_space<vmem>>
      %dma_start3A_1283 = tpu.memref_squeeze %dma_start3A_1282 : memref<1x128x64xf32, #tpu.memory_space<vmem>> -> memref<128x64xf32, #tpu.memory_space<vmem>>
      %dma_start3A_1284 = arith.constant 384 : i32
      %dma_start3A_1285 = tpu.memref_slice %arg5[%dma_start3A_1277, %dma_start3A_1278, %dma_start3A_1284] : memref<4x1x512xi32, #tpu.memory_space<vmem>> -> memref<1x1x128xi32, #tpu.memory_space<vmem>>
      %dma_start3A_1286 = tpu.memref_squeeze %dma_start3A_1285 : memref<1x1x128xi32, #tpu.memory_space<vmem>> -> memref<128xi32, #tpu.memory_space<vmem>>
      %dma_start3A_1287 = arith.constant 0 : i32
      %dma_start3A_1288 = arith.constant 0 : i32
      %dma_start3A_1289 = tpu.memref_slice %arg7[%dma_start3A_1287, %dma_start3A_1288] : memref<1000x64xf32, #tpu.memory_space<vmem_shared>> -> memref<1000x64xf32, #tpu.memory_space<vmem_shared>>
      tpu.enqueue_indirect_dma source(%dma_start3A_1289 : memref<1000x64xf32, #tpu.memory_space<vmem_shared>>) target(%dma_start3A_1283 : memref<128x64xf32, #tpu.memory_space<vmem>>) offsets(%dma_start3A_1286 : memref<128xi32, #tpu.memory_space<vmem>>) semaphore(%arg13 : memref<!tpu.dma_semaphore, #tpu.memory_space<semaphore_mem>>)
      %add3A_1290 = arith.constant 2 : i32
      %add3A_1291 = arith.addi %add3A_1205, %add3A_1290 : i32
      %add3A_1292 = arith.addi %mul3A_4, %add3A_1291 : i32
      %dma_start3A_1293 = arith.constant 3 : i32
      %dma_start3A_1294 = arith.constant 0 : i32
      %dma_start3A_1295 = arith.constant 0 : i32
      %dma_start3A_1296 = tpu.memref_slice %arg5[%dma_start3A_1293, %dma_start3A_1294, %dma_start3A_1295] : memref<4x1x512xi32, #tpu.memory_space<vmem>> -> memref<1x1x512xi32, #tpu.memory_space<vmem>>
      %dma_start3A_1297 = tpu.memref_squeeze %dma_start3A_1296 : memref<1x1x512xi32, #tpu.memory_space<vmem>> -> memref<1x512xi32, #tpu.memory_space<vmem>>
      %dma_start3A_1298 = arith.constant 0 : i32
      %dma_start3A_1299 = tpu.memref_slice %arg2[%add3A_1292, %dma_start3A_1298] : memref<6400x512xi32, #tpu.memory_space<hbm>> -> memref<1x512xi32, #tpu.memory_space<hbm>>
      %dma_start3A_1300 = arith.constant 0 : i32
      %dma_start3A_1301 = arith.constant 0 : i32
      %dma_start3A_1302 = tpu.memref_slice %arg5[%dma_start3A_1293, %dma_start3A_1300, %dma_start3A_1301] : memref<4x1x512xi32, #tpu.memory_space<vmem>> -> memref<1x1x512xi32, #tpu.memory_space<vmem>>
      %dma_start3A_1303 = tpu.memref_squeeze %dma_start3A_1302 : memref<1x1x512xi32, #tpu.memory_space<vmem>> -> memref<1x512xi32, #tpu.memory_space<vmem>>
      %dma_start3A_1304 = arith.constant 0 : i32
      %dma_start3A_1305 = tpu.memref_slice %arg2[%add3A_1292, %dma_start3A_1304] : memref<6400x512xi32, #tpu.memory_space<hbm>> -> memref<1x512xi32, #tpu.memory_space<hbm>>
      tpu.enqueue_dma source(%dma_start3A_1305 : memref<1x512xi32, #tpu.memory_space<hbm>>) target(%dma_start3A_1303 : memref<1x512xi32, #tpu.memory_space<vmem>>) target_semaphore(%arg11 : memref<!tpu.dma_semaphore, #tpu.memory_space<semaphore_mem>>)
      %sub3A_1306 = arith.constant 1 : i32
      %sub3A_1307 = arith.subi %add3A_1205, %sub3A_1306 : i32
      %dma_wait3A_1308 = arith.constant 0 : i32
      %dma_wait3A_1309 = arith.constant 0 : i32
      %dma_wait3A_1310 = arith.constant 0 : i32
      %dma_wait3A_1311 = arith.constant 0 : i32
      %dma_wait3A_1312 = arith.constant 0 : i32
      %dma_wait3A_1313 = tpu.memref_slice %arg6[%dma_wait3A_1310, %dma_wait3A_1311, %dma_wait3A_1312] : memref<2x512x64xf32, #tpu.memory_space<vmem>> -> memref<1x128x64xf32, #tpu.memory_space<vmem>>
      %dma_wait3A_1314 = tpu.memref_squeeze %dma_wait3A_1313 : memref<1x128x64xf32, #tpu.memory_space<vmem>> -> memref<128x64xf32, #tpu.memory_space<vmem>>
      %dma_wait3A_1315 = arith.constant 0 : i32
      %dma_wait3A_1316 = tpu.memref_slice %arg5[%dma_wait3A_1308, %dma_wait3A_1309, %dma_wait3A_1315] : memref<4x1x512xi32, #tpu.memory_space<vmem>> -> memref<1x1x128xi32, #tpu.memory_space<vmem>>
      %dma_wait3A_1317 = tpu.memref_squeeze %dma_wait3A_1316 : memref<1x1x128xi32, #tpu.memory_space<vmem>> -> memref<128xi32, #tpu.memory_space<vmem>>
      %dma_wait3A_1318 = arith.constant 0 : i32
      %dma_wait3A_1319 = arith.constant 0 : i32
      %dma_wait3A_1320 = tpu.memref_slice %arg7[%dma_wait3A_1318, %dma_wait3A_1319] : memref<1000x64xf32, #tpu.memory_space<vmem_shared>> -> memref<1000x64xf32, #tpu.memory_space<vmem_shared>>
      tpu.wait_indirect_dma semaphore(%arg12 : memref<!tpu.dma_semaphore, #tpu.memory_space<semaphore_mem>>) src(%dma_wait3A_1320 : memref<1000x64xf32, #tpu.memory_space<vmem_shared>>) dst(%dma_wait3A_1314 : memref<128x64xf32, #tpu.memory_space<vmem>>)
      %dma_wait3A_1321 = arith.constant 0 : i32
      %dma_wait3A_1322 = arith.constant 0 : i32
      %dma_wait3A_1323 = arith.constant 0 : i32
      %dma_wait3A_1324 = arith.constant 128 : i32
      %dma_wait3A_1325 = arith.constant 0 : i32
      %dma_wait3A_1326 = tpu.memref_slice %arg6[%dma_wait3A_1323, %dma_wait3A_1324, %dma_wait3A_1325] : memref<2x512x64xf32, #tpu.memory_space<vmem>> -> memref<1x128x64xf32, #tpu.memory_space<vmem>>
      %dma_wait3A_1327 = tpu.memref_squeeze %dma_wait3A_1326 : memref<1x128x64xf32, #tpu.memory_space<vmem>> -> memref<128x64xf32, #tpu.memory_space<vmem>>
      %dma_wait3A_1328 = arith.constant 128 : i32
      %dma_wait3A_1329 = tpu.memref_slice %arg5[%dma_wait3A_1321, %dma_wait3A_1322, %dma_wait3A_1328] : memref<4x1x512xi32, #tpu.memory_space<vmem>> -> memref<1x1x128xi32, #tpu.memory_space<vmem>>
      %dma_wait3A_1330 = tpu.memref_squeeze %dma_wait3A_1329 : memref<1x1x128xi32, #tpu.memory_space<vmem>> -> memref<128xi32, #tpu.memory_space<vmem>>
      %dma_wait3A_1331 = arith.constant 0 : i32
      %dma_wait3A_1332 = arith.constant 0 : i32
      %dma_wait3A_1333 = tpu.memref_slice %arg7[%dma_wait3A_1331, %dma_wait3A_1332] : memref<1000x64xf32, #tpu.memory_space<vmem_shared>> -> memref<1000x64xf32, #tpu.memory_space<vmem_shared>>
      tpu.wait_indirect_dma semaphore(%arg12 : memref<!tpu.dma_semaphore, #tpu.memory_space<semaphore_mem>>) src(%dma_wait3A_1333 : memref<1000x64xf32, #tpu.memory_space<vmem_shared>>) dst(%dma_wait3A_1327 : memref<128x64xf32, #tpu.memory_space<vmem>>)
      %dma_wait3A_1334 = arith.constant 0 : i32
      %dma_wait3A_1335 = arith.constant 0 : i32
      %dma_wait3A_1336 = arith.constant 0 : i32
      %dma_wait3A_1337 = arith.constant 256 : i32
      %dma_wait3A_1338 = arith.constant 0 : i32
      %dma_wait3A_1339 = tpu.memref_slice %arg6[%dma_wait3A_1336, %dma_wait3A_1337, %dma_wait3A_1338] : memref<2x512x64xf32, #tpu.memory_space<vmem>> -> memref<1x128x64xf32, #tpu.memory_space<vmem>>
      %dma_wait3A_1340 = tpu.memref_squeeze %dma_wait3A_1339 : memref<1x128x64xf32, #tpu.memory_space<vmem>> -> memref<128x64xf32, #tpu.memory_space<vmem>>
      %dma_wait3A_1341 = arith.constant 256 : i32
      %dma_wait3A_1342 = tpu.memref_slice %arg5[%dma_wait3A_1334, %dma_wait3A_1335, %dma_wait3A_1341] : memref<4x1x512xi32, #tpu.memory_space<vmem>> -> memref<1x1x128xi32, #tpu.memory_space<vmem>>
      %dma_wait3A_1343 = tpu.memref_squeeze %dma_wait3A_1342 : memref<1x1x128xi32, #tpu.memory_space<vmem>> -> memref<128xi32, #tpu.memory_space<vmem>>
      %dma_wait3A_1344 = arith.constant 0 : i32
      %dma_wait3A_1345 = arith.constant 0 : i32
      %dma_wait3A_1346 = tpu.memref_slice %arg7[%dma_wait3A_1344, %dma_wait3A_1345] : memref<1000x64xf32, #tpu.memory_space<vmem_shared>> -> memref<1000x64xf32, #tpu.memory_space<vmem_shared>>
      tpu.wait_indirect_dma semaphore(%arg12 : memref<!tpu.dma_semaphore, #tpu.memory_space<semaphore_mem>>) src(%dma_wait3A_1346 : memref<1000x64xf32, #tpu.memory_space<vmem_shared>>) dst(%dma_wait3A_1340 : memref<128x64xf32, #tpu.memory_space<vmem>>)
      %dma_wait3A_1347 = arith.constant 0 : i32
      %dma_wait3A_1348 = arith.constant 0 : i32
      %dma_wait3A_1349 = arith.constant 0 : i32
      %dma_wait3A_1350 = arith.constant 384 : i32
      %dma_wait3A_1351 = arith.constant 0 : i32
      %dma_wait3A_1352 = tpu.memref_slice %arg6[%dma_wait3A_1349, %dma_wait3A_1350, %dma_wait3A_1351] : memref<2x512x64xf32, #tpu.memory_space<vmem>> -> memref<1x128x64xf32, #tpu.memory_space<vmem>>
      %dma_wait3A_1353 = tpu.memref_squeeze %dma_wait3A_1352 : memref<1x128x64xf32, #tpu.memory_space<vmem>> -> memref<128x64xf32, #tpu.memory_space<vmem>>
      %dma_wait3A_1354 = arith.constant 384 : i32
      %dma_wait3A_1355 = tpu.memref_slice %arg5[%dma_wait3A_1347, %dma_wait3A_1348, %dma_wait3A_1354] : memref<4x1x512xi32, #tpu.memory_space<vmem>> -> memref<1x1x128xi32, #tpu.memory_space<vmem>>
      %dma_wait3A_1356 = tpu.memref_squeeze %dma_wait3A_1355 : memref<1x1x128xi32, #tpu.memory_space<vmem>> -> memref<128xi32, #tpu.memory_space<vmem>>
      %dma_wait3A_1357 = arith.constant 0 : i32
      %dma_wait3A_1358 = arith.constant 0 : i32
      %dma_wait3A_1359 = tpu.memref_slice %arg7[%dma_wait3A_1357, %dma_wait3A_1358] : memref<1000x64xf32, #tpu.memory_space<vmem_shared>> -> memref<1000x64xf32, #tpu.memory_space<vmem_shared>>
      tpu.wait_indirect_dma semaphore(%arg12 : memref<!tpu.dma_semaphore, #tpu.memory_space<semaphore_mem>>) src(%dma_wait3A_1359 : memref<1000x64xf32, #tpu.memory_space<vmem_shared>>) dst(%dma_wait3A_1353 : memref<128x64xf32, #tpu.memory_space<vmem>>)
      %sub3A_1360 = arith.constant 1 : i32
      %sub3A_1361 = arith.subi %add3A_1205, %sub3A_1360 : i32
      %mul3A_1362 = arith.constant 512 : i32
      %mul3A_1363 = arith.muli %sub3A_1361, %mul3A_1362 : i32
      %add3A_1364 = arith.addi %mul3A_2, %mul3A_1363 : i32
      %dma_start3A_1365 = arith.constant 0 : i32
      %dma_start3A_1366 = arith.constant 0 : i32
      %dma_start3A_1367 = arith.constant 0 : i32
      %dma_start3A_1368 = tpu.memref_slice %arg6[%dma_start3A_1365, %dma_start3A_1366, %dma_start3A_1367] : memref<2x512x64xf32, #tpu.memory_space<vmem>> -> memref<1x512x64xf32, #tpu.memory_space<vmem>>
      %dma_start3A_1369 = tpu.memref_squeeze %dma_start3A_1368 : memref<1x512x64xf32, #tpu.memory_space<vmem>> -> memref<512x64xf32, #tpu.memory_space<vmem>>
      %dma_start3A_1370 = arith.constant 0 : i32
      %dma_start3A_1371 = tpu.memref_slice %arg4[%add3A_1364, %dma_start3A_1370] : memref<3276800x64xf32, #tpu.memory_space<hbm>> -> memref<512x64xf32, #tpu.memory_space<hbm>>
      %dma_start3A_1372 = arith.constant 0 : i32
      %dma_start3A_1373 = tpu.memref_slice %arg4[%add3A_1364, %dma_start3A_1372] : memref<3276800x64xf32, #tpu.memory_space<hbm>> -> memref<512x64xf32, #tpu.memory_space<hbm>>
      %dma_start3A_1374 = arith.constant 0 : i32
      %dma_start3A_1375 = arith.constant 0 : i32
      %dma_start3A_1376 = tpu.memref_slice %arg6[%dma_start3A_1365, %dma_start3A_1374, %dma_start3A_1375] : memref<2x512x64xf32, #tpu.memory_space<vmem>> -> memref<1x512x64xf32, #tpu.memory_space<vmem>>
      %dma_start3A_1377 = tpu.memref_squeeze %dma_start3A_1376 : memref<1x512x64xf32, #tpu.memory_space<vmem>> -> memref<512x64xf32, #tpu.memory_space<vmem>>
      tpu.enqueue_dma source(%dma_start3A_1377 : memref<512x64xf32, #tpu.memory_space<vmem>>) target(%dma_start3A_1373 : memref<512x64xf32, #tpu.memory_space<hbm>>) target_semaphore(%arg14 : memref<!tpu.dma_semaphore, #tpu.memory_space<semaphore_mem>>)
    }
    %scan3A_270 = arith.constant 49 : i32
    %add3A_271 = arith.constant 198 : i32
    %add3A_272 = arith.addi %mul3A_4, %add3A_271 : i32
    %dma_wait3A_273 = arith.constant 2 : i32
    %dma_wait3A_274 = arith.constant 0 : i32
    %dma_wait3A_275 = arith.constant 0 : i32
    %dma_wait3A_276 = tpu.memref_slice %arg5[%dma_wait3A_273, %dma_wait3A_274, %dma_wait3A_275] : memref<4x1x512xi32, #tpu.memory_space<vmem>> -> memref<1x1x512xi32, #tpu.memory_space<vmem>>
    %dma_wait3A_277 = tpu.memref_squeeze %dma_wait3A_276 : memref<1x1x512xi32, #tpu.memory_space<vmem>> -> memref<1x512xi32, #tpu.memory_space<vmem>>
    %dma_wait3A_278 = arith.constant 0 : i32
    %dma_wait3A_279 = tpu.memref_slice %arg2[%add3A_272, %dma_wait3A_278] : memref<6400x512xi32, #tpu.memory_space<hbm>> -> memref<1x512xi32, #tpu.memory_space<hbm>>
    %dma_wait3A_280 = arith.constant 0 : i32
    %dma_wait3A_281 = arith.constant 0 : i32
    %dma_wait3A_282 = tpu.memref_slice %arg5[%dma_wait3A_273, %dma_wait3A_280, %dma_wait3A_281] : memref<4x1x512xi32, #tpu.memory_space<vmem>> -> memref<1x1x512xi32, #tpu.memory_space<vmem>>
    %dma_wait3A_283 = tpu.memref_squeeze %dma_wait3A_282 : memref<1x1x512xi32, #tpu.memory_space<vmem>> -> memref<1x512xi32, #tpu.memory_space<vmem>>
    %dma_wait3A_284 = arith.constant 0 : i32
    %dma_wait3A_285 = tpu.memref_slice %arg2[%add3A_272, %dma_wait3A_284] : memref<6400x512xi32, #tpu.memory_space<hbm>> -> memref<1x512xi32, #tpu.memory_space<hbm>>
    tpu.wait_dma2 semaphore(%arg10 : memref<!tpu.dma_semaphore, #tpu.memory_space<semaphore_mem>>) src(%dma_wait3A_285 : memref<1x512xi32, #tpu.memory_space<hbm>>) dst(%dma_wait3A_283 : memref<1x512xi32, #tpu.memory_space<vmem>>)
    %add3A_286 = arith.constant 100352 : i32
    %add3A_287 = arith.addi %mul3A_2, %add3A_286 : i32
    %dma_wait3A_288 = arith.constant 0 : i32
    %dma_wait3A_289 = arith.constant 0 : i32
    %dma_wait3A_290 = arith.constant 0 : i32
    %dma_wait3A_291 = tpu.memref_slice %arg6[%dma_wait3A_288, %dma_wait3A_289, %dma_wait3A_290] : memref<2x512x64xf32, #tpu.memory_space<vmem>> -> memref<1x512x64xf32, #tpu.memory_space<vmem>>
    %dma_wait3A_292 = tpu.memref_squeeze %dma_wait3A_291 : memref<1x512x64xf32, #tpu.memory_space<vmem>> -> memref<512x64xf32, #tpu.memory_space<vmem>>
    %dma_wait3A_293 = arith.constant 0 : i32
    %dma_wait3A_294 = tpu.memref_slice %arg4[%add3A_287, %dma_wait3A_293] : memref<3276800x64xf32, #tpu.memory_space<hbm>> -> memref<512x64xf32, #tpu.memory_space<hbm>>
    %dma_wait3A_295 = arith.constant 0 : i32
    %dma_wait3A_296 = tpu.memref_slice %arg4[%add3A_287, %dma_wait3A_295] : memref<3276800x64xf32, #tpu.memory_space<hbm>> -> memref<512x64xf32, #tpu.memory_space<hbm>>
    %dma_wait3A_297 = arith.constant 0 : i32
    %dma_wait3A_298 = arith.constant 0 : i32
    %dma_wait3A_299 = tpu.memref_slice %arg6[%dma_wait3A_288, %dma_wait3A_297, %dma_wait3A_298] : memref<2x512x64xf32, #tpu.memory_space<vmem>> -> memref<1x512x64xf32, #tpu.memory_space<vmem>>
    %dma_wait3A_300 = tpu.memref_squeeze %dma_wait3A_299 : memref<1x512x64xf32, #tpu.memory_space<vmem>> -> memref<512x64xf32, #tpu.memory_space<vmem>>
    tpu.wait_dma2 semaphore(%arg14 : memref<!tpu.dma_semaphore, #tpu.memory_space<semaphore_mem>>) src(%dma_wait3A_300 : memref<512x64xf32, #tpu.memory_space<vmem>>) dst(%dma_wait3A_296 : memref<512x64xf32, #tpu.memory_space<hbm>>)
    %dma_start3A_301 = arith.constant 2 : i32
    %dma_start3A_302 = arith.constant 0 : i32
    %dma_start3A_303 = arith.constant 0 : i32
    %dma_start3A_304 = arith.constant 0 : i32
    %dma_start3A_305 = arith.constant 0 : i32
    %dma_start3A_306 = tpu.memref_slice %arg6[%dma_start3A_303, %dma_start3A_304, %dma_start3A_305] : memref<2x512x64xf32, #tpu.memory_space<vmem>> -> memref<1x128x64xf32, #tpu.memory_space<vmem>>
    %dma_start3A_307 = tpu.memref_squeeze %dma_start3A_306 : memref<1x128x64xf32, #tpu.memory_space<vmem>> -> memref<128x64xf32, #tpu.memory_space<vmem>>
    %dma_start3A_308 = arith.constant 0 : i32
    %dma_start3A_309 = tpu.memref_slice %arg5[%dma_start3A_301, %dma_start3A_302, %dma_start3A_308] : memref<4x1x512xi32, #tpu.memory_space<vmem>> -> memref<1x1x128xi32, #tpu.memory_space<vmem>>
    %dma_start3A_310 = tpu.memref_squeeze %dma_start3A_309 : memref<1x1x128xi32, #tpu.memory_space<vmem>> -> memref<128xi32, #tpu.memory_space<vmem>>
    %dma_start3A_311 = arith.constant 0 : i32
    %dma_start3A_312 = arith.constant 0 : i32
    %dma_start3A_313 = tpu.memref_slice %arg7[%dma_start3A_311, %dma_start3A_312] : memref<1000x64xf32, #tpu.memory_space<vmem_shared>> -> memref<1000x64xf32, #tpu.memory_space<vmem_shared>>
    tpu.enqueue_indirect_dma source(%dma_start3A_313 : memref<1000x64xf32, #tpu.memory_space<vmem_shared>>) target(%dma_start3A_307 : memref<128x64xf32, #tpu.memory_space<vmem>>) offsets(%dma_start3A_310 : memref<128xi32, #tpu.memory_space<vmem>>) semaphore(%arg12 : memref<!tpu.dma_semaphore, #tpu.memory_space<semaphore_mem>>)
    %dma_start3A_314 = arith.constant 2 : i32
    %dma_start3A_315 = arith.constant 0 : i32
    %dma_start3A_316 = arith.constant 0 : i32
    %dma_start3A_317 = arith.constant 128 : i32
    %dma_start3A_318 = arith.constant 0 : i32
    %dma_start3A_319 = tpu.memref_slice %arg6[%dma_start3A_316, %dma_start3A_317, %dma_start3A_318] : memref<2x512x64xf32, #tpu.memory_space<vmem>> -> memref<1x128x64xf32, #tpu.memory_space<vmem>>
    %dma_start3A_320 = tpu.memref_squeeze %dma_start3A_319 : memref<1x128x64xf32, #tpu.memory_space<vmem>> -> memref<128x64xf32, #tpu.memory_space<vmem>>
    %dma_start3A_321 = arith.constant 128 : i32
    %dma_start3A_322 = tpu.memref_slice %arg5[%dma_start3A_314, %dma_start3A_315, %dma_start3A_321] : memref<4x1x512xi32, #tpu.memory_space<vmem>> -> memref<1x1x128xi32, #tpu.memory_space<vmem>>
    %dma_start3A_323 = tpu.memref_squeeze %dma_start3A_322 : memref<1x1x128xi32, #tpu.memory_space<vmem>> -> memref<128xi32, #tpu.memory_space<vmem>>
    %dma_start3A_324 = arith.constant 0 : i32
    %dma_start3A_325 = arith.constant 0 : i32
    %dma_start3A_326 = tpu.memref_slice %arg7[%dma_start3A_324, %dma_start3A_325] : memref<1000x64xf32, #tpu.memory_space<vmem_shared>> -> memref<1000x64xf32, #tpu.memory_space<vmem_shared>>
    tpu.enqueue_indirect_dma source(%dma_start3A_326 : memref<1000x64xf32, #tpu.memory_space<vmem_shared>>) target(%dma_start3A_320 : memref<128x64xf32, #tpu.memory_space<vmem>>) offsets(%dma_start3A_323 : memref<128xi32, #tpu.memory_space<vmem>>) semaphore(%arg12 : memref<!tpu.dma_semaphore, #tpu.memory_space<semaphore_mem>>)
    %dma_start3A_327 = arith.constant 2 : i32
    %dma_start3A_328 = arith.constant 0 : i32
    %dma_start3A_329 = arith.constant 0 : i32
    %dma_start3A_330 = arith.constant 256 : i32
    %dma_start3A_331 = arith.constant 0 : i32
    %dma_start3A_332 = tpu.memref_slice %arg6[%dma_start3A_329, %dma_start3A_330, %dma_start3A_331] : memref<2x512x64xf32, #tpu.memory_space<vmem>> -> memref<1x128x64xf32, #tpu.memory_space<vmem>>
    %dma_start3A_333 = tpu.memref_squeeze %dma_start3A_332 : memref<1x128x64xf32, #tpu.memory_space<vmem>> -> memref<128x64xf32, #tpu.memory_space<vmem>>
    %dma_start3A_334 = arith.constant 256 : i32
    %dma_start3A_335 = tpu.memref_slice %arg5[%dma_start3A_327, %dma_start3A_328, %dma_start3A_334] : memref<4x1x512xi32, #tpu.memory_space<vmem>> -> memref<1x1x128xi32, #tpu.memory_space<vmem>>
    %dma_start3A_336 = tpu.memref_squeeze %dma_start3A_335 : memref<1x1x128xi32, #tpu.memory_space<vmem>> -> memref<128xi32, #tpu.memory_space<vmem>>
    %dma_start3A_337 = arith.constant 0 : i32
    %dma_start3A_338 = arith.constant 0 : i32
    %dma_start3A_339 = tpu.memref_slice %arg7[%dma_start3A_337, %dma_start3A_338] : memref<1000x64xf32, #tpu.memory_space<vmem_shared>> -> memref<1000x64xf32, #tpu.memory_space<vmem_shared>>
    tpu.enqueue_indirect_dma source(%dma_start3A_339 : memref<1000x64xf32, #tpu.memory_space<vmem_shared>>) target(%dma_start3A_333 : memref<128x64xf32, #tpu.memory_space<vmem>>) offsets(%dma_start3A_336 : memref<128xi32, #tpu.memory_space<vmem>>) semaphore(%arg12 : memref<!tpu.dma_semaphore, #tpu.memory_space<semaphore_mem>>)
    %dma_start3A_340 = arith.constant 2 : i32
    %dma_start3A_341 = arith.constant 0 : i32
    %dma_start3A_342 = arith.constant 0 : i32
    %dma_start3A_343 = arith.constant 384 : i32
    %dma_start3A_344 = arith.constant 0 : i32
    %dma_start3A_345 = tpu.memref_slice %arg6[%dma_start3A_342, %dma_start3A_343, %dma_start3A_344] : memref<2x512x64xf32, #tpu.memory_space<vmem>> -> memref<1x128x64xf32, #tpu.memory_space<vmem>>
    %dma_start3A_346 = tpu.memref_squeeze %dma_start3A_345 : memref<1x128x64xf32, #tpu.memory_space<vmem>> -> memref<128x64xf32, #tpu.memory_space<vmem>>
    %dma_start3A_347 = arith.constant 384 : i32
    %dma_start3A_348 = tpu.memref_slice %arg5[%dma_start3A_340, %dma_start3A_341, %dma_start3A_347] : memref<4x1x512xi32, #tpu.memory_space<vmem>> -> memref<1x1x128xi32, #tpu.memory_space<vmem>>
    %dma_start3A_349 = tpu.memref_squeeze %dma_start3A_348 : memref<1x1x128xi32, #tpu.memory_space<vmem>> -> memref<128xi32, #tpu.memory_space<vmem>>
    %dma_start3A_350 = arith.constant 0 : i32
    %dma_start3A_351 = arith.constant 0 : i32
    %dma_start3A_352 = tpu.memref_slice %arg7[%dma_start3A_350, %dma_start3A_351] : memref<1000x64xf32, #tpu.memory_space<vmem_shared>> -> memref<1000x64xf32, #tpu.memory_space<vmem_shared>>
    tpu.enqueue_indirect_dma source(%dma_start3A_352 : memref<1000x64xf32, #tpu.memory_space<vmem_shared>>) target(%dma_start3A_346 : memref<128x64xf32, #tpu.memory_space<vmem>>) offsets(%dma_start3A_349 : memref<128xi32, #tpu.memory_space<vmem>>) semaphore(%arg12 : memref<!tpu.dma_semaphore, #tpu.memory_space<semaphore_mem>>)
    %dma_wait3A_353 = arith.constant 1 : i32
    %dma_wait3A_354 = arith.constant 0 : i32
    %dma_wait3A_355 = arith.constant 1 : i32
    %dma_wait3A_356 = arith.constant 0 : i32
    %dma_wait3A_357 = arith.constant 0 : i32
    %dma_wait3A_358 = tpu.memref_slice %arg6[%dma_wait3A_355, %dma_wait3A_356, %dma_wait3A_357] : memref<2x512x64xf32, #tpu.memory_space<vmem>> -> memref<1x128x64xf32, #tpu.memory_space<vmem>>
    %dma_wait3A_359 = tpu.memref_squeeze %dma_wait3A_358 : memref<1x128x64xf32, #tpu.memory_space<vmem>> -> memref<128x64xf32, #tpu.memory_space<vmem>>
    %dma_wait3A_360 = arith.constant 0 : i32
    %dma_wait3A_361 = tpu.memref_slice %arg5[%dma_wait3A_353, %dma_wait3A_354, %dma_wait3A_360] : memref<4x1x512xi32, #tpu.memory_space<vmem>> -> memref<1x1x128xi32, #tpu.memory_space<vmem>>
    %dma_wait3A_362 = tpu.memref_squeeze %dma_wait3A_361 : memref<1x1x128xi32, #tpu.memory_space<vmem>> -> memref<128xi32, #tpu.memory_space<vmem>>
    %dma_wait3A_363 = arith.constant 0 : i32
    %dma_wait3A_364 = arith.constant 0 : i32
    %dma_wait3A_365 = tpu.memref_slice %arg7[%dma_wait3A_363, %dma_wait3A_364] : memref<1000x64xf32, #tpu.memory_space<vmem_shared>> -> memref<1000x64xf32, #tpu.memory_space<vmem_shared>>
    tpu.wait_indirect_dma semaphore(%arg13 : memref<!tpu.dma_semaphore, #tpu.memory_space<semaphore_mem>>) src(%dma_wait3A_365 : memref<1000x64xf32, #tpu.memory_space<vmem_shared>>) dst(%dma_wait3A_359 : memref<128x64xf32, #tpu.memory_space<vmem>>)
    %dma_wait3A_366 = arith.constant 1 : i32
    %dma_wait3A_367 = arith.constant 0 : i32
    %dma_wait3A_368 = arith.constant 1 : i32
    %dma_wait3A_369 = arith.constant 128 : i32
    %dma_wait3A_370 = arith.constant 0 : i32
    %dma_wait3A_371 = tpu.memref_slice %arg6[%dma_wait3A_368, %dma_wait3A_369, %dma_wait3A_370] : memref<2x512x64xf32, #tpu.memory_space<vmem>> -> memref<1x128x64xf32, #tpu.memory_space<vmem>>
    %dma_wait3A_372 = tpu.memref_squeeze %dma_wait3A_371 : memref<1x128x64xf32, #tpu.memory_space<vmem>> -> memref<128x64xf32, #tpu.memory_space<vmem>>
    %dma_wait3A_373 = arith.constant 128 : i32
    %dma_wait3A_374 = tpu.memref_slice %arg5[%dma_wait3A_366, %dma_wait3A_367, %dma_wait3A_373] : memref<4x1x512xi32, #tpu.memory_space<vmem>> -> memref<1x1x128xi32, #tpu.memory_space<vmem>>
    %dma_wait3A_375 = tpu.memref_squeeze %dma_wait3A_374 : memref<1x1x128xi32, #tpu.memory_space<vmem>> -> memref<128xi32, #tpu.memory_space<vmem>>
    %dma_wait3A_376 = arith.constant 0 : i32
    %dma_wait3A_377 = arith.constant 0 : i32
    %dma_wait3A_378 = tpu.memref_slice %arg7[%dma_wait3A_376, %dma_wait3A_377] : memref<1000x64xf32, #tpu.memory_space<vmem_shared>> -> memref<1000x64xf32, #tpu.memory_space<vmem_shared>>
    tpu.wait_indirect_dma semaphore(%arg13 : memref<!tpu.dma_semaphore, #tpu.memory_space<semaphore_mem>>) src(%dma_wait3A_378 : memref<1000x64xf32, #tpu.memory_space<vmem_shared>>) dst(%dma_wait3A_372 : memref<128x64xf32, #tpu.memory_space<vmem>>)
    %dma_wait3A_379 = arith.constant 1 : i32
    %dma_wait3A_380 = arith.constant 0 : i32
    %dma_wait3A_381 = arith.constant 1 : i32
    %dma_wait3A_382 = arith.constant 256 : i32
    %dma_wait3A_383 = arith.constant 0 : i32
    %dma_wait3A_384 = tpu.memref_slice %arg6[%dma_wait3A_381, %dma_wait3A_382, %dma_wait3A_383] : memref<2x512x64xf32, #tpu.memory_space<vmem>> -> memref<1x128x64xf32, #tpu.memory_space<vmem>>
    %dma_wait3A_385 = tpu.memref_squeeze %dma_wait3A_384 : memref<1x128x64xf32, #tpu.memory_space<vmem>> -> memref<128x64xf32, #tpu.memory_space<vmem>>
    %dma_wait3A_386 = arith.constant 256 : i32
    %dma_wait3A_387 = tpu.memref_slice %arg5[%dma_wait3A_379, %dma_wait3A_380, %dma_wait3A_386] : memref<4x1x512xi32, #tpu.memory_space<vmem>> -> memref<1x1x128xi32, #tpu.memory_space<vmem>>
    %dma_wait3A_388 = tpu.memref_squeeze %dma_wait3A_387 : memref<1x1x128xi32, #tpu.memory_space<vmem>> -> memref<128xi32, #tpu.memory_space<vmem>>
    %dma_wait3A_389 = arith.constant 0 : i32
    %dma_wait3A_390 = arith.constant 0 : i32
    %dma_wait3A_391 = tpu.memref_slice %arg7[%dma_wait3A_389, %dma_wait3A_390] : memref<1000x64xf32, #tpu.memory_space<vmem_shared>> -> memref<1000x64xf32, #tpu.memory_space<vmem_shared>>
    tpu.wait_indirect_dma semaphore(%arg13 : memref<!tpu.dma_semaphore, #tpu.memory_space<semaphore_mem>>) src(%dma_wait3A_391 : memref<1000x64xf32, #tpu.memory_space<vmem_shared>>) dst(%dma_wait3A_385 : memref<128x64xf32, #tpu.memory_space<vmem>>)
    %dma_wait3A_392 = arith.constant 1 : i32
    %dma_wait3A_393 = arith.constant 0 : i32
    %dma_wait3A_394 = arith.constant 1 : i32
    %dma_wait3A_395 = arith.constant 384 : i32
    %dma_wait3A_396 = arith.constant 0 : i32
    %dma_wait3A_397 = tpu.memref_slice %arg6[%dma_wait3A_394, %dma_wait3A_395, %dma_wait3A_396] : memref<2x512x64xf32, #tpu.memory_space<vmem>> -> memref<1x128x64xf32, #tpu.memory_space<vmem>>
    %dma_wait3A_398 = tpu.memref_squeeze %dma_wait3A_397 : memref<1x128x64xf32, #tpu.memory_space<vmem>> -> memref<128x64xf32, #tpu.memory_space<vmem>>
    %dma_wait3A_399 = arith.constant 384 : i32
    %dma_wait3A_400 = tpu.memref_slice %arg5[%dma_wait3A_392, %dma_wait3A_393, %dma_wait3A_399] : memref<4x1x512xi32, #tpu.memory_space<vmem>> -> memref<1x1x128xi32, #tpu.memory_space<vmem>>
    %dma_wait3A_401 = tpu.memref_squeeze %dma_wait3A_400 : memref<1x1x128xi32, #tpu.memory_space<vmem>> -> memref<128xi32, #tpu.memory_space<vmem>>
    %dma_wait3A_402 = arith.constant 0 : i32
    %dma_wait3A_403 = arith.constant 0 : i32
    %dma_wait3A_404 = tpu.memref_slice %arg7[%dma_wait3A_402, %dma_wait3A_403] : memref<1000x64xf32, #tpu.memory_space<vmem_shared>> -> memref<1000x64xf32, #tpu.memory_space<vmem_shared>>
    tpu.wait_indirect_dma semaphore(%arg13 : memref<!tpu.dma_semaphore, #tpu.memory_space<semaphore_mem>>) src(%dma_wait3A_404 : memref<1000x64xf32, #tpu.memory_space<vmem_shared>>) dst(%dma_wait3A_398 : memref<128x64xf32, #tpu.memory_space<vmem>>)
    %add3A_405 = arith.constant 100864 : i32
    %add3A_406 = arith.addi %mul3A_2, %add3A_405 : i32
    %dma_start3A_407 = arith.constant 1 : i32
    %dma_start3A_408 = arith.constant 0 : i32
    %dma_start3A_409 = arith.constant 0 : i32
    %dma_start3A_410 = tpu.memref_slice %arg6[%dma_start3A_407, %dma_start3A_408, %dma_start3A_409] : memref<2x512x64xf32, #tpu.memory_space<vmem>> -> memref<1x512x64xf32, #tpu.memory_space<vmem>>
    %dma_start3A_411 = tpu.memref_squeeze %dma_start3A_410 : memref<1x512x64xf32, #tpu.memory_space<vmem>> -> memref<512x64xf32, #tpu.memory_space<vmem>>
    %dma_start3A_412 = arith.constant 0 : i32
    %dma_start3A_413 = tpu.memref_slice %arg4[%add3A_406, %dma_start3A_412] : memref<3276800x64xf32, #tpu.memory_space<hbm>> -> memref<512x64xf32, #tpu.memory_space<hbm>>
    %dma_start3A_414 = arith.constant 0 : i32
    %dma_start3A_415 = tpu.memref_slice %arg4[%add3A_406, %dma_start3A_414] : memref<3276800x64xf32, #tpu.memory_space<hbm>> -> memref<512x64xf32, #tpu.memory_space<hbm>>
    %dma_start3A_416 = arith.constant 0 : i32
    %dma_start3A_417 = arith.constant 0 : i32
    %dma_start3A_418 = tpu.memref_slice %arg6[%dma_start3A_407, %dma_start3A_416, %dma_start3A_417] : memref<2x512x64xf32, #tpu.memory_space<vmem>> -> memref<1x512x64xf32, #tpu.memory_space<vmem>>
    %dma_start3A_419 = tpu.memref_squeeze %dma_start3A_418 : memref<1x512x64xf32, #tpu.memory_space<vmem>> -> memref<512x64xf32, #tpu.memory_space<vmem>>
    tpu.enqueue_dma source(%dma_start3A_419 : memref<512x64xf32, #tpu.memory_space<vmem>>) target(%dma_start3A_415 : memref<512x64xf32, #tpu.memory_space<hbm>>) target_semaphore(%arg15 : memref<!tpu.dma_semaphore, #tpu.memory_space<semaphore_mem>>)
    %add3A_420 = arith.constant 199 : i32
    %add3A_421 = arith.addi %mul3A_4, %add3A_420 : i32
    %dma_wait3A_422 = arith.constant 3 : i32
    %dma_wait3A_423 = arith.constant 0 : i32
    %dma_wait3A_424 = arith.constant 0 : i32
    %dma_wait3A_425 = tpu.memref_slice %arg5[%dma_wait3A_422, %dma_wait3A_423, %dma_wait3A_424] : memref<4x1x512xi32, #tpu.memory_space<vmem>> -> memref<1x1x512xi32, #tpu.memory_space<vmem>>
    %dma_wait3A_426 = tpu.memref_squeeze %dma_wait3A_425 : memref<1x1x512xi32, #tpu.memory_space<vmem>> -> memref<1x512xi32, #tpu.memory_space<vmem>>
    %dma_wait3A_427 = arith.constant 0 : i32
    %dma_wait3A_428 = tpu.memref_slice %arg2[%add3A_421, %dma_wait3A_427] : memref<6400x512xi32, #tpu.memory_space<hbm>> -> memref<1x512xi32, #tpu.memory_space<hbm>>
    %dma_wait3A_429 = arith.constant 0 : i32
    %dma_wait3A_430 = arith.constant 0 : i32
    %dma_wait3A_431 = tpu.memref_slice %arg5[%dma_wait3A_422, %dma_wait3A_429, %dma_wait3A_430] : memref<4x1x512xi32, #tpu.memory_space<vmem>> -> memref<1x1x512xi32, #tpu.memory_space<vmem>>
    %dma_wait3A_432 = tpu.memref_squeeze %dma_wait3A_431 : memref<1x1x512xi32, #tpu.memory_space<vmem>> -> memref<1x512xi32, #tpu.memory_space<vmem>>
    %dma_wait3A_433 = arith.constant 0 : i32
    %dma_wait3A_434 = tpu.memref_slice %arg2[%add3A_421, %dma_wait3A_433] : memref<6400x512xi32, #tpu.memory_space<hbm>> -> memref<1x512xi32, #tpu.memory_space<hbm>>
    tpu.wait_dma2 semaphore(%arg11 : memref<!tpu.dma_semaphore, #tpu.memory_space<semaphore_mem>>) src(%dma_wait3A_434 : memref<1x512xi32, #tpu.memory_space<hbm>>) dst(%dma_wait3A_432 : memref<1x512xi32, #tpu.memory_space<vmem>>)
    %add3A_435 = arith.constant 100864 : i32
    %add3A_436 = arith.addi %mul3A_2, %add3A_435 : i32
    %dma_wait3A_437 = arith.constant 1 : i32
    %dma_wait3A_438 = arith.constant 0 : i32
    %dma_wait3A_439 = arith.constant 0 : i32
    %dma_wait3A_440 = tpu.memref_slice %arg6[%dma_wait3A_437, %dma_wait3A_438, %dma_wait3A_439] : memref<2x512x64xf32, #tpu.memory_space<vmem>> -> memref<1x512x64xf32, #tpu.memory_space<vmem>>
    %dma_wait3A_441 = tpu.memref_squeeze %dma_wait3A_440 : memref<1x512x64xf32, #tpu.memory_space<vmem>> -> memref<512x64xf32, #tpu.memory_space<vmem>>
    %dma_wait3A_442 = arith.constant 0 : i32
    %dma_wait3A_443 = tpu.memref_slice %arg4[%add3A_436, %dma_wait3A_442] : memref<3276800x64xf32, #tpu.memory_space<hbm>> -> memref<512x64xf32, #tpu.memory_space<hbm>>
    %dma_wait3A_444 = arith.constant 0 : i32
    %dma_wait3A_445 = tpu.memref_slice %arg4[%add3A_436, %dma_wait3A_444] : memref<3276800x64xf32, #tpu.memory_space<hbm>> -> memref<512x64xf32, #tpu.memory_space<hbm>>
    %dma_wait3A_446 = arith.constant 0 : i32
    %dma_wait3A_447 = arith.constant 0 : i32
    %dma_wait3A_448 = tpu.memref_slice %arg6[%dma_wait3A_437, %dma_wait3A_446, %dma_wait3A_447] : memref<2x512x64xf32, #tpu.memory_space<vmem>> -> memref<1x512x64xf32, #tpu.memory_space<vmem>>
    %dma_wait3A_449 = tpu.memref_squeeze %dma_wait3A_448 : memref<1x512x64xf32, #tpu.memory_space<vmem>> -> memref<512x64xf32, #tpu.memory_space<vmem>>
    tpu.wait_dma2 semaphore(%arg15 : memref<!tpu.dma_semaphore, #tpu.memory_space<semaphore_mem>>) src(%dma_wait3A_449 : memref<512x64xf32, #tpu.memory_space<vmem>>) dst(%dma_wait3A_445 : memref<512x64xf32, #tpu.memory_space<hbm>>)
    %dma_start3A_450 = arith.constant 3 : i32
    %dma_start3A_451 = arith.constant 0 : i32
    %dma_start3A_452 = arith.constant 1 : i32
    %dma_start3A_453 = arith.constant 0 : i32
    %dma_start3A_454 = arith.constant 0 : i32
    %dma_start3A_455 = tpu.memref_slice %arg6[%dma_start3A_452, %dma_start3A_453, %dma_start3A_454] : memref<2x512x64xf32, #tpu.memory_space<vmem>> -> memref<1x128x64xf32, #tpu.memory_space<vmem>>
    %dma_start3A_456 = tpu.memref_squeeze %dma_start3A_455 : memref<1x128x64xf32, #tpu.memory_space<vmem>> -> memref<128x64xf32, #tpu.memory_space<vmem>>
    %dma_start3A_457 = arith.constant 0 : i32
    %dma_start3A_458 = tpu.memref_slice %arg5[%dma_start3A_450, %dma_start3A_451, %dma_start3A_457] : memref<4x1x512xi32, #tpu.memory_space<vmem>> -> memref<1x1x128xi32, #tpu.memory_space<vmem>>
    %dma_start3A_459 = tpu.memref_squeeze %dma_start3A_458 : memref<1x1x128xi32, #tpu.memory_space<vmem>> -> memref<128xi32, #tpu.memory_space<vmem>>
    %dma_start3A_460 = arith.constant 0 : i32
    %dma_start3A_461 = arith.constant 0 : i32
    %dma_start3A_462 = tpu.memref_slice %arg7[%dma_start3A_460, %dma_start3A_461] : memref<1000x64xf32, #tpu.memory_space<vmem_shared>> -> memref<1000x64xf32, #tpu.memory_space<vmem_shared>>
    tpu.enqueue_indirect_dma source(%dma_start3A_462 : memref<1000x64xf32, #tpu.memory_space<vmem_shared>>) target(%dma_start3A_456 : memref<128x64xf32, #tpu.memory_space<vmem>>) offsets(%dma_start3A_459 : memref<128xi32, #tpu.memory_space<vmem>>) semaphore(%arg13 : memref<!tpu.dma_semaphore, #tpu.memory_space<semaphore_mem>>)
    %dma_start3A_463 = arith.constant 3 : i32
    %dma_start3A_464 = arith.constant 0 : i32
    %dma_start3A_465 = arith.constant 1 : i32
    %dma_start3A_466 = arith.constant 128 : i32
    %dma_start3A_467 = arith.constant 0 : i32
    %dma_start3A_468 = tpu.memref_slice %arg6[%dma_start3A_465, %dma_start3A_466, %dma_start3A_467] : memref<2x512x64xf32, #tpu.memory_space<vmem>> -> memref<1x128x64xf32, #tpu.memory_space<vmem>>
    %dma_start3A_469 = tpu.memref_squeeze %dma_start3A_468 : memref<1x128x64xf32, #tpu.memory_space<vmem>> -> memref<128x64xf32, #tpu.memory_space<vmem>>
    %dma_start3A_470 = arith.constant 128 : i32
    %dma_start3A_471 = tpu.memref_slice %arg5[%dma_start3A_463, %dma_start3A_464, %dma_start3A_470] : memref<4x1x512xi32, #tpu.memory_space<vmem>> -> memref<1x1x128xi32, #tpu.memory_space<vmem>>
    %dma_start3A_472 = tpu.memref_squeeze %dma_start3A_471 : memref<1x1x128xi32, #tpu.memory_space<vmem>> -> memref<128xi32, #tpu.memory_space<vmem>>
    %dma_start3A_473 = arith.constant 0 : i32
    %dma_start3A_474 = arith.constant 0 : i32
    %dma_start3A_475 = tpu.memref_slice %arg7[%dma_start3A_473, %dma_start3A_474] : memref<1000x64xf32, #tpu.memory_space<vmem_shared>> -> memref<1000x64xf32, #tpu.memory_space<vmem_shared>>
    tpu.enqueue_indirect_dma source(%dma_start3A_475 : memref<1000x64xf32, #tpu.memory_space<vmem_shared>>) target(%dma_start3A_469 : memref<128x64xf32, #tpu.memory_space<vmem>>) offsets(%dma_start3A_472 : memref<128xi32, #tpu.memory_space<vmem>>) semaphore(%arg13 : memref<!tpu.dma_semaphore, #tpu.memory_space<semaphore_mem>>)
    %dma_start3A_476 = arith.constant 3 : i32
    %dma_start3A_477 = arith.constant 0 : i32
    %dma_start3A_478 = arith.constant 1 : i32
    %dma_start3A_479 = arith.constant 256 : i32
    %dma_start3A_480 = arith.constant 0 : i32
    %dma_start3A_481 = tpu.memref_slice %arg6[%dma_start3A_478, %dma_start3A_479, %dma_start3A_480] : memref<2x512x64xf32, #tpu.memory_space<vmem>> -> memref<1x128x64xf32, #tpu.memory_space<vmem>>
    %dma_start3A_482 = tpu.memref_squeeze %dma_start3A_481 : memref<1x128x64xf32, #tpu.memory_space<vmem>> -> memref<128x64xf32, #tpu.memory_space<vmem>>
    %dma_start3A_483 = arith.constant 256 : i32
    %dma_start3A_484 = tpu.memref_slice %arg5[%dma_start3A_476, %dma_start3A_477, %dma_start3A_483] : memref<4x1x512xi32, #tpu.memory_space<vmem>> -> memref<1x1x128xi32, #tpu.memory_space<vmem>>
    %dma_start3A_485 = tpu.memref_squeeze %dma_start3A_484 : memref<1x1x128xi32, #tpu.memory_space<vmem>> -> memref<128xi32, #tpu.memory_space<vmem>>
    %dma_start3A_486 = arith.constant 0 : i32
    %dma_start3A_487 = arith.constant 0 : i32
    %dma_start3A_488 = tpu.memref_slice %arg7[%dma_start3A_486, %dma_start3A_487] : memref<1000x64xf32, #tpu.memory_space<vmem_shared>> -> memref<1000x64xf32, #tpu.memory_space<vmem_shared>>
    tpu.enqueue_indirect_dma source(%dma_start3A_488 : memref<1000x64xf32, #tpu.memory_space<vmem_shared>>) target(%dma_start3A_482 : memref<128x64xf32, #tpu.memory_space<vmem>>) offsets(%dma_start3A_485 : memref<128xi32, #tpu.memory_space<vmem>>) semaphore(%arg13 : memref<!tpu.dma_semaphore, #tpu.memory_space<semaphore_mem>>)
    %dma_start3A_489 = arith.constant 3 : i32
    %dma_start3A_490 = arith.constant 0 : i32
    %dma_start3A_491 = arith.constant 1 : i32
    %dma_start3A_492 = arith.constant 384 : i32
    %dma_start3A_493 = arith.constant 0 : i32
    %dma_start3A_494 = tpu.memref_slice %arg6[%dma_start3A_491, %dma_start3A_492, %dma_start3A_493] : memref<2x512x64xf32, #tpu.memory_space<vmem>> -> memref<1x128x64xf32, #tpu.memory_space<vmem>>
    %dma_start3A_495 = tpu.memref_squeeze %dma_start3A_494 : memref<1x128x64xf32, #tpu.memory_space<vmem>> -> memref<128x64xf32, #tpu.memory_space<vmem>>
    %dma_start3A_496 = arith.constant 384 : i32
    %dma_start3A_497 = tpu.memref_slice %arg5[%dma_start3A_489, %dma_start3A_490, %dma_start3A_496] : memref<4x1x512xi32, #tpu.memory_space<vmem>> -> memref<1x1x128xi32, #tpu.memory_space<vmem>>
    %dma_start3A_498 = tpu.memref_squeeze %dma_start3A_497 : memref<1x1x128xi32, #tpu.memory_space<vmem>> -> memref<128xi32, #tpu.memory_space<vmem>>
    %dma_start3A_499 = arith.constant 0 : i32
    %dma_start3A_500 = arith.constant 0 : i32
    %dma_start3A_501 = tpu.memref_slice %arg7[%dma_start3A_499, %dma_start3A_500] : memref<1000x64xf32, #tpu.memory_space<vmem_shared>> -> memref<1000x64xf32, #tpu.memory_space<vmem_shared>>
    tpu.enqueue_indirect_dma source(%dma_start3A_501 : memref<1000x64xf32, #tpu.memory_space<vmem_shared>>) target(%dma_start3A_495 : memref<128x64xf32, #tpu.memory_space<vmem>>) offsets(%dma_start3A_498 : memref<128xi32, #tpu.memory_space<vmem>>) semaphore(%arg13 : memref<!tpu.dma_semaphore, #tpu.memory_space<semaphore_mem>>)
    %dma_wait3A_502 = arith.constant 2 : i32
    %dma_wait3A_503 = arith.constant 0 : i32
    %dma_wait3A_504 = arith.constant 0 : i32
    %dma_wait3A_505 = arith.constant 0 : i32
    %dma_wait3A_506 = arith.constant 0 : i32
    %dma_wait3A_507 = tpu.memref_slice %arg6[%dma_wait3A_504, %dma_wait3A_505, %dma_wait3A_506] : memref<2x512x64xf32, #tpu.memory_space<vmem>> -> memref<1x128x64xf32, #tpu.memory_space<vmem>>
    %dma_wait3A_508 = tpu.memref_squeeze %dma_wait3A_507 : memref<1x128x64xf32, #tpu.memory_space<vmem>> -> memref<128x64xf32, #tpu.memory_space<vmem>>
    %dma_wait3A_509 = arith.constant 0 : i32
    %dma_wait3A_510 = tpu.memref_slice %arg5[%dma_wait3A_502, %dma_wait3A_503, %dma_wait3A_509] : memref<4x1x512xi32, #tpu.memory_space<vmem>> -> memref<1x1x128xi32, #tpu.memory_space<vmem>>
    %dma_wait3A_511 = tpu.memref_squeeze %dma_wait3A_510 : memref<1x1x128xi32, #tpu.memory_space<vmem>> -> memref<128xi32, #tpu.memory_space<vmem>>
    %dma_wait3A_512 = arith.constant 0 : i32
    %dma_wait3A_513 = arith.constant 0 : i32
    %dma_wait3A_514 = tpu.memref_slice %arg7[%dma_wait3A_512, %dma_wait3A_513] : memref<1000x64xf32, #tpu.memory_space<vmem_shared>> -> memref<1000x64xf32, #tpu.memory_space<vmem_shared>>
    tpu.wait_indirect_dma semaphore(%arg12 : memref<!tpu.dma_semaphore, #tpu.memory_space<semaphore_mem>>) src(%dma_wait3A_514 : memref<1000x64xf32, #tpu.memory_space<vmem_shared>>) dst(%dma_wait3A_508 : memref<128x64xf32, #tpu.memory_space<vmem>>)
    %dma_wait3A_515 = arith.constant 2 : i32
    %dma_wait3A_516 = arith.constant 0 : i32
    %dma_wait3A_517 = arith.constant 0 : i32
    %dma_wait3A_518 = arith.constant 128 : i32
    %dma_wait3A_519 = arith.constant 0 : i32
    %dma_wait3A_520 = tpu.memref_slice %arg6[%dma_wait3A_517, %dma_wait3A_518, %dma_wait3A_519] : memref<2x512x64xf32, #tpu.memory_space<vmem>> -> memref<1x128x64xf32, #tpu.memory_space<vmem>>
    %dma_wait3A_521 = tpu.memref_squeeze %dma_wait3A_520 : memref<1x128x64xf32, #tpu.memory_space<vmem>> -> memref<128x64xf32, #tpu.memory_space<vmem>>
    %dma_wait3A_522 = arith.constant 128 : i32
    %dma_wait3A_523 = tpu.memref_slice %arg5[%dma_wait3A_515, %dma_wait3A_516, %dma_wait3A_522] : memref<4x1x512xi32, #tpu.memory_space<vmem>> -> memref<1x1x128xi32, #tpu.memory_space<vmem>>
    %dma_wait3A_524 = tpu.memref_squeeze %dma_wait3A_523 : memref<1x1x128xi32, #tpu.memory_space<vmem>> -> memref<128xi32, #tpu.memory_space<vmem>>
    %dma_wait3A_525 = arith.constant 0 : i32
    %dma_wait3A_526 = arith.constant 0 : i32
    %dma_wait3A_527 = tpu.memref_slice %arg7[%dma_wait3A_525, %dma_wait3A_526] : memref<1000x64xf32, #tpu.memory_space<vmem_shared>> -> memref<1000x64xf32, #tpu.memory_space<vmem_shared>>
    tpu.wait_indirect_dma semaphore(%arg12 : memref<!tpu.dma_semaphore, #tpu.memory_space<semaphore_mem>>) src(%dma_wait3A_527 : memref<1000x64xf32, #tpu.memory_space<vmem_shared>>) dst(%dma_wait3A_521 : memref<128x64xf32, #tpu.memory_space<vmem>>)
    %dma_wait3A_528 = arith.constant 2 : i32
    %dma_wait3A_529 = arith.constant 0 : i32
    %dma_wait3A_530 = arith.constant 0 : i32
    %dma_wait3A_531 = arith.constant 256 : i32
    %dma_wait3A_532 = arith.constant 0 : i32
    %dma_wait3A_533 = tpu.memref_slice %arg6[%dma_wait3A_530, %dma_wait3A_531, %dma_wait3A_532] : memref<2x512x64xf32, #tpu.memory_space<vmem>> -> memref<1x128x64xf32, #tpu.memory_space<vmem>>
    %dma_wait3A_534 = tpu.memref_squeeze %dma_wait3A_533 : memref<1x128x64xf32, #tpu.memory_space<vmem>> -> memref<128x64xf32, #tpu.memory_space<vmem>>
    %dma_wait3A_535 = arith.constant 256 : i32
    %dma_wait3A_536 = tpu.memref_slice %arg5[%dma_wait3A_528, %dma_wait3A_529, %dma_wait3A_535] : memref<4x1x512xi32, #tpu.memory_space<vmem>> -> memref<1x1x128xi32, #tpu.memory_space<vmem>>
    %dma_wait3A_537 = tpu.memref_squeeze %dma_wait3A_536 : memref<1x1x128xi32, #tpu.memory_space<vmem>> -> memref<128xi32, #tpu.memory_space<vmem>>
    %dma_wait3A_538 = arith.constant 0 : i32
    %dma_wait3A_539 = arith.constant 0 : i32
    %dma_wait3A_540 = tpu.memref_slice %arg7[%dma_wait3A_538, %dma_wait3A_539] : memref<1000x64xf32, #tpu.memory_space<vmem_shared>> -> memref<1000x64xf32, #tpu.memory_space<vmem_shared>>
    tpu.wait_indirect_dma semaphore(%arg12 : memref<!tpu.dma_semaphore, #tpu.memory_space<semaphore_mem>>) src(%dma_wait3A_540 : memref<1000x64xf32, #tpu.memory_space<vmem_shared>>) dst(%dma_wait3A_534 : memref<128x64xf32, #tpu.memory_space<vmem>>)
    %dma_wait3A_541 = arith.constant 2 : i32
    %dma_wait3A_542 = arith.constant 0 : i32
    %dma_wait3A_543 = arith.constant 0 : i32
    %dma_wait3A_544 = arith.constant 384 : i32
    %dma_wait3A_545 = arith.constant 0 : i32
    %dma_wait3A_546 = tpu.memref_slice %arg6[%dma_wait3A_543, %dma_wait3A_544, %dma_wait3A_545] : memref<2x512x64xf32, #tpu.memory_space<vmem>> -> memref<1x128x64xf32, #tpu.memory_space<vmem>>
    %dma_wait3A_547 = tpu.memref_squeeze %dma_wait3A_546 : memref<1x128x64xf32, #tpu.memory_space<vmem>> -> memref<128x64xf32, #tpu.memory_space<vmem>>
    %dma_wait3A_548 = arith.constant 384 : i32
    %dma_wait3A_549 = tpu.memref_slice %arg5[%dma_wait3A_541, %dma_wait3A_542, %dma_wait3A_548] : memref<4x1x512xi32, #tpu.memory_space<vmem>> -> memref<1x1x128xi32, #tpu.memory_space<vmem>>
    %dma_wait3A_550 = tpu.memref_squeeze %dma_wait3A_549 : memref<1x1x128xi32, #tpu.memory_space<vmem>> -> memref<128xi32, #tpu.memory_space<vmem>>
    %dma_wait3A_551 = arith.constant 0 : i32
    %dma_wait3A_552 = arith.constant 0 : i32
    %dma_wait3A_553 = tpu.memref_slice %arg7[%dma_wait3A_551, %dma_wait3A_552] : memref<1000x64xf32, #tpu.memory_space<vmem_shared>> -> memref<1000x64xf32, #tpu.memory_space<vmem_shared>>
    tpu.wait_indirect_dma semaphore(%arg12 : memref<!tpu.dma_semaphore, #tpu.memory_space<semaphore_mem>>) src(%dma_wait3A_553 : memref<1000x64xf32, #tpu.memory_space<vmem_shared>>) dst(%dma_wait3A_547 : memref<128x64xf32, #tpu.memory_space<vmem>>)
    %add3A_554 = arith.constant 101376 : i32
    %add3A_555 = arith.addi %mul3A_2, %add3A_554 : i32
    %dma_start3A_556 = arith.constant 0 : i32
    %dma_start3A_557 = arith.constant 0 : i32
    %dma_start3A_558 = arith.constant 0 : i32
    %dma_start3A_559 = tpu.memref_slice %arg6[%dma_start3A_556, %dma_start3A_557, %dma_start3A_558] : memref<2x512x64xf32, #tpu.memory_space<vmem>> -> memref<1x512x64xf32, #tpu.memory_space<vmem>>
    %dma_start3A_560 = tpu.memref_squeeze %dma_start3A_559 : memref<1x512x64xf32, #tpu.memory_space<vmem>> -> memref<512x64xf32, #tpu.memory_space<vmem>>
    %dma_start3A_561 = arith.constant 0 : i32
    %dma_start3A_562 = tpu.memref_slice %arg4[%add3A_555, %dma_start3A_561] : memref<3276800x64xf32, #tpu.memory_space<hbm>> -> memref<512x64xf32, #tpu.memory_space<hbm>>
    %dma_start3A_563 = arith.constant 0 : i32
    %dma_start3A_564 = tpu.memref_slice %arg4[%add3A_555, %dma_start3A_563] : memref<3276800x64xf32, #tpu.memory_space<hbm>> -> memref<512x64xf32, #tpu.memory_space<hbm>>
    %dma_start3A_565 = arith.constant 0 : i32
    %dma_start3A_566 = arith.constant 0 : i32
    %dma_start3A_567 = tpu.memref_slice %arg6[%dma_start3A_556, %dma_start3A_565, %dma_start3A_566] : memref<2x512x64xf32, #tpu.memory_space<vmem>> -> memref<1x512x64xf32, #tpu.memory_space<vmem>>
    %dma_start3A_568 = tpu.memref_squeeze %dma_start3A_567 : memref<1x512x64xf32, #tpu.memory_space<vmem>> -> memref<512x64xf32, #tpu.memory_space<vmem>>
    tpu.enqueue_dma source(%dma_start3A_568 : memref<512x64xf32, #tpu.memory_space<vmem>>) target(%dma_start3A_564 : memref<512x64xf32, #tpu.memory_space<hbm>>) target_semaphore(%arg14 : memref<!tpu.dma_semaphore, #tpu.memory_space<semaphore_mem>>)
    %dma_wait3A_569 = arith.constant 3 : i32
    %dma_wait3A_570 = arith.constant 0 : i32
    %dma_wait3A_571 = arith.constant 1 : i32
    %dma_wait3A_572 = arith.constant 0 : i32
    %dma_wait3A_573 = arith.constant 0 : i32
    %dma_wait3A_574 = tpu.memref_slice %arg6[%dma_wait3A_571, %dma_wait3A_572, %dma_wait3A_573] : memref<2x512x64xf32, #tpu.memory_space<vmem>> -> memref<1x128x64xf32, #tpu.memory_space<vmem>>
    %dma_wait3A_575 = tpu.memref_squeeze %dma_wait3A_574 : memref<1x128x64xf32, #tpu.memory_space<vmem>> -> memref<128x64xf32, #tpu.memory_space<vmem>>
    %dma_wait3A_576 = arith.constant 0 : i32
    %dma_wait3A_577 = tpu.memref_slice %arg5[%dma_wait3A_569, %dma_wait3A_570, %dma_wait3A_576] : memref<4x1x512xi32, #tpu.memory_space<vmem>> -> memref<1x1x128xi32, #tpu.memory_space<vmem>>
    %dma_wait3A_578 = tpu.memref_squeeze %dma_wait3A_577 : memref<1x1x128xi32, #tpu.memory_space<vmem>> -> memref<128xi32, #tpu.memory_space<vmem>>
    %dma_wait3A_579 = arith.constant 0 : i32
    %dma_wait3A_580 = arith.constant 0 : i32
    %dma_wait3A_581 = tpu.memref_slice %arg7[%dma_wait3A_579, %dma_wait3A_580] : memref<1000x64xf32, #tpu.memory_space<vmem_shared>> -> memref<1000x64xf32, #tpu.memory_space<vmem_shared>>
    tpu.wait_indirect_dma semaphore(%arg13 : memref<!tpu.dma_semaphore, #tpu.memory_space<semaphore_mem>>) src(%dma_wait3A_581 : memref<1000x64xf32, #tpu.memory_space<vmem_shared>>) dst(%dma_wait3A_575 : memref<128x64xf32, #tpu.memory_space<vmem>>)
    %dma_wait3A_582 = arith.constant 3 : i32
    %dma_wait3A_583 = arith.constant 0 : i32
    %dma_wait3A_584 = arith.constant 1 : i32
    %dma_wait3A_585 = arith.constant 128 : i32
    %dma_wait3A_586 = arith.constant 0 : i32
    %dma_wait3A_587 = tpu.memref_slice %arg6[%dma_wait3A_584, %dma_wait3A_585, %dma_wait3A_586] : memref<2x512x64xf32, #tpu.memory_space<vmem>> -> memref<1x128x64xf32, #tpu.memory_space<vmem>>
    %dma_wait3A_588 = tpu.memref_squeeze %dma_wait3A_587 : memref<1x128x64xf32, #tpu.memory_space<vmem>> -> memref<128x64xf32, #tpu.memory_space<vmem>>
    %dma_wait3A_589 = arith.constant 128 : i32
    %dma_wait3A_590 = tpu.memref_slice %arg5[%dma_wait3A_582, %dma_wait3A_583, %dma_wait3A_589] : memref<4x1x512xi32, #tpu.memory_space<vmem>> -> memref<1x1x128xi32, #tpu.memory_space<vmem>>
    %dma_wait3A_591 = tpu.memref_squeeze %dma_wait3A_590 : memref<1x1x128xi32, #tpu.memory_space<vmem>> -> memref<128xi32, #tpu.memory_space<vmem>>
    %dma_wait3A_592 = arith.constant 0 : i32
    %dma_wait3A_593 = arith.constant 0 : i32
    %dma_wait3A_594 = tpu.memref_slice %arg7[%dma_wait3A_592, %dma_wait3A_593] : memref<1000x64xf32, #tpu.memory_space<vmem_shared>> -> memref<1000x64xf32, #tpu.memory_space<vmem_shared>>
    tpu.wait_indirect_dma semaphore(%arg13 : memref<!tpu.dma_semaphore, #tpu.memory_space<semaphore_mem>>) src(%dma_wait3A_594 : memref<1000x64xf32, #tpu.memory_space<vmem_shared>>) dst(%dma_wait3A_588 : memref<128x64xf32, #tpu.memory_space<vmem>>)
    %dma_wait3A_595 = arith.constant 3 : i32
    %dma_wait3A_596 = arith.constant 0 : i32
    %dma_wait3A_597 = arith.constant 1 : i32
    %dma_wait3A_598 = arith.constant 256 : i32
    %dma_wait3A_599 = arith.constant 0 : i32
    %dma_wait3A_600 = tpu.memref_slice %arg6[%dma_wait3A_597, %dma_wait3A_598, %dma_wait3A_599] : memref<2x512x64xf32, #tpu.memory_space<vmem>> -> memref<1x128x64xf32, #tpu.memory_space<vmem>>
    %dma_wait3A_601 = tpu.memref_squeeze %dma_wait3A_600 : memref<1x128x64xf32, #tpu.memory_space<vmem>> -> memref<128x64xf32, #tpu.memory_space<vmem>>
    %dma_wait3A_602 = arith.constant 256 : i32
    %dma_wait3A_603 = tpu.memref_slice %arg5[%dma_wait3A_595, %dma_wait3A_596, %dma_wait3A_602] : memref<4x1x512xi32, #tpu.memory_space<vmem>> -> memref<1x1x128xi32, #tpu.memory_space<vmem>>
    %dma_wait3A_604 = tpu.memref_squeeze %dma_wait3A_603 : memref<1x1x128xi32, #tpu.memory_space<vmem>> -> memref<128xi32, #tpu.memory_space<vmem>>
    %dma_wait3A_605 = arith.constant 0 : i32
    %dma_wait3A_606 = arith.constant 0 : i32
    %dma_wait3A_607 = tpu.memref_slice %arg7[%dma_wait3A_605, %dma_wait3A_606] : memref<1000x64xf32, #tpu.memory_space<vmem_shared>> -> memref<1000x64xf32, #tpu.memory_space<vmem_shared>>
    tpu.wait_indirect_dma semaphore(%arg13 : memref<!tpu.dma_semaphore, #tpu.memory_space<semaphore_mem>>) src(%dma_wait3A_607 : memref<1000x64xf32, #tpu.memory_space<vmem_shared>>) dst(%dma_wait3A_601 : memref<128x64xf32, #tpu.memory_space<vmem>>)
    %dma_wait3A_608 = arith.constant 3 : i32
    %dma_wait3A_609 = arith.constant 0 : i32
    %dma_wait3A_610 = arith.constant 1 : i32
    %dma_wait3A_611 = arith.constant 384 : i32
    %dma_wait3A_612 = arith.constant 0 : i32
    %dma_wait3A_613 = tpu.memref_slice %arg6[%dma_wait3A_610, %dma_wait3A_611, %dma_wait3A_612] : memref<2x512x64xf32, #tpu.memory_space<vmem>> -> memref<1x128x64xf32, #tpu.memory_space<vmem>>
    %dma_wait3A_614 = tpu.memref_squeeze %dma_wait3A_613 : memref<1x128x64xf32, #tpu.memory_space<vmem>> -> memref<128x64xf32, #tpu.memory_space<vmem>>
    %dma_wait3A_615 = arith.constant 384 : i32
    %dma_wait3A_616 = tpu.memref_slice %arg5[%dma_wait3A_608, %dma_wait3A_609, %dma_wait3A_615] : memref<4x1x512xi32, #tpu.memory_space<vmem>> -> memref<1x1x128xi32, #tpu.memory_space<vmem>>
    %dma_wait3A_617 = tpu.memref_squeeze %dma_wait3A_616 : memref<1x1x128xi32, #tpu.memory_space<vmem>> -> memref<128xi32, #tpu.memory_space<vmem>>
    %dma_wait3A_618 = arith.constant 0 : i32
    %dma_wait3A_619 = arith.constant 0 : i32
    %dma_wait3A_620 = tpu.memref_slice %arg7[%dma_wait3A_618, %dma_wait3A_619] : memref<1000x64xf32, #tpu.memory_space<vmem_shared>> -> memref<1000x64xf32, #tpu.memory_space<vmem_shared>>
    tpu.wait_indirect_dma semaphore(%arg13 : memref<!tpu.dma_semaphore, #tpu.memory_space<semaphore_mem>>) src(%dma_wait3A_620 : memref<1000x64xf32, #tpu.memory_space<vmem_shared>>) dst(%dma_wait3A_614 : memref<128x64xf32, #tpu.memory_space<vmem>>)
    %add3A_621 = arith.constant 101888 : i32
    %add3A_622 = arith.addi %mul3A_2, %add3A_621 : i32
    %dma_start3A_623 = arith.constant 1 : i32
    %dma_start3A_624 = arith.constant 0 : i32
    %dma_start3A_625 = arith.constant 0 : i32
    %dma_start3A_626 = tpu.memref_slice %arg6[%dma_start3A_623, %dma_start3A_624, %dma_start3A_625] : memref<2x512x64xf32, #tpu.memory_space<vmem>> -> memref<1x512x64xf32, #tpu.memory_space<vmem>>
    %dma_start3A_627 = tpu.memref_squeeze %dma_start3A_626 : memref<1x512x64xf32, #tpu.memory_space<vmem>> -> memref<512x64xf32, #tpu.memory_space<vmem>>
    %dma_start3A_628 = arith.constant 0 : i32
    %dma_start3A_629 = tpu.memref_slice %arg4[%add3A_622, %dma_start3A_628] : memref<3276800x64xf32, #tpu.memory_space<hbm>> -> memref<512x64xf32, #tpu.memory_space<hbm>>
    %dma_start3A_630 = arith.constant 0 : i32
    %dma_start3A_631 = tpu.memref_slice %arg4[%add3A_622, %dma_start3A_630] : memref<3276800x64xf32, #tpu.memory_space<hbm>> -> memref<512x64xf32, #tpu.memory_space<hbm>>
    %dma_start3A_632 = arith.constant 0 : i32
    %dma_start3A_633 = arith.constant 0 : i32
    %dma_start3A_634 = tpu.memref_slice %arg6[%dma_start3A_623, %dma_start3A_632, %dma_start3A_633] : memref<2x512x64xf32, #tpu.memory_space<vmem>> -> memref<1x512x64xf32, #tpu.memory_space<vmem>>
    %dma_start3A_635 = tpu.memref_squeeze %dma_start3A_634 : memref<1x512x64xf32, #tpu.memory_space<vmem>> -> memref<512x64xf32, #tpu.memory_space<vmem>>
    tpu.enqueue_dma source(%dma_start3A_635 : memref<512x64xf32, #tpu.memory_space<vmem>>) target(%dma_start3A_631 : memref<512x64xf32, #tpu.memory_space<hbm>>) target_semaphore(%arg15 : memref<!tpu.dma_semaphore, #tpu.memory_space<semaphore_mem>>)
    %add3A_636 = arith.constant 101376 : i32
    %add3A_637 = arith.addi %mul3A_2, %add3A_636 : i32
    %dma_wait3A_638 = arith.constant 0 : i32
    %dma_wait3A_639 = arith.constant 0 : i32
    %dma_wait3A_640 = arith.constant 0 : i32
    %dma_wait3A_641 = tpu.memref_slice %arg6[%dma_wait3A_638, %dma_wait3A_639, %dma_wait3A_640] : memref<2x512x64xf32, #tpu.memory_space<vmem>> -> memref<1x512x64xf32, #tpu.memory_space<vmem>>
    %dma_wait3A_642 = tpu.memref_squeeze %dma_wait3A_641 : memref<1x512x64xf32, #tpu.memory_space<vmem>> -> memref<512x64xf32, #tpu.memory_space<vmem>>
    %dma_wait3A_643 = arith.constant 0 : i32
    %dma_wait3A_644 = tpu.memref_slice %arg4[%add3A_637, %dma_wait3A_643] : memref<3276800x64xf32, #tpu.memory_space<hbm>> -> memref<512x64xf32, #tpu.memory_space<hbm>>
    %dma_wait3A_645 = arith.constant 0 : i32
    %dma_wait3A_646 = tpu.memref_slice %arg4[%add3A_637, %dma_wait3A_645] : memref<3276800x64xf32, #tpu.memory_space<hbm>> -> memref<512x64xf32, #tpu.memory_space<hbm>>
    %dma_wait3A_647 = arith.constant 0 : i32
    %dma_wait3A_648 = arith.constant 0 : i32
    %dma_wait3A_649 = tpu.memref_slice %arg6[%dma_wait3A_638, %dma_wait3A_647, %dma_wait3A_648] : memref<2x512x64xf32, #tpu.memory_space<vmem>> -> memref<1x512x64xf32, #tpu.memory_space<vmem>>
    %dma_wait3A_650 = tpu.memref_squeeze %dma_wait3A_649 : memref<1x512x64xf32, #tpu.memory_space<vmem>> -> memref<512x64xf32, #tpu.memory_space<vmem>>
    tpu.wait_dma2 semaphore(%arg14 : memref<!tpu.dma_semaphore, #tpu.memory_space<semaphore_mem>>) src(%dma_wait3A_650 : memref<512x64xf32, #tpu.memory_space<vmem>>) dst(%dma_wait3A_646 : memref<512x64xf32, #tpu.memory_space<hbm>>)
    %add3A_651 = arith.constant 101888 : i32
    %add3A_652 = arith.addi %mul3A_2, %add3A_651 : i32
    %dma_wait3A_653 = arith.constant 1 : i32
    %dma_wait3A_654 = arith.constant 0 : i32
    %dma_wait3A_655 = arith.constant 0 : i32
    %dma_wait3A_656 = tpu.memref_slice %arg6[%dma_wait3A_653, %dma_wait3A_654, %dma_wait3A_655] : memref<2x512x64xf32, #tpu.memory_space<vmem>> -> memref<1x512x64xf32, #tpu.memory_space<vmem>>
    %dma_wait3A_657 = tpu.memref_squeeze %dma_wait3A_656 : memref<1x512x64xf32, #tpu.memory_space<vmem>> -> memref<512x64xf32, #tpu.memory_space<vmem>>
    %dma_wait3A_658 = arith.constant 0 : i32
    %dma_wait3A_659 = tpu.memref_slice %arg4[%add3A_652, %dma_wait3A_658] : memref<3276800x64xf32, #tpu.memory_space<hbm>> -> memref<512x64xf32, #tpu.memory_space<hbm>>
    %dma_wait3A_660 = arith.constant 0 : i32
    %dma_wait3A_661 = tpu.memref_slice %arg4[%add3A_652, %dma_wait3A_660] : memref<3276800x64xf32, #tpu.memory_space<hbm>> -> memref<512x64xf32, #tpu.memory_space<hbm>>
    %dma_wait3A_662 = arith.constant 0 : i32
    %dma_wait3A_663 = arith.constant 0 : i32
    %dma_wait3A_664 = tpu.memref_slice %arg6[%dma_wait3A_653, %dma_wait3A_662, %dma_wait3A_663] : memref<2x512x64xf32, #tpu.memory_space<vmem>> -> memref<1x512x64xf32, #tpu.memory_space<vmem>>
    %dma_wait3A_665 = tpu.memref_squeeze %dma_wait3A_664 : memref<1x512x64xf32, #tpu.memory_space<vmem>> -> memref<512x64xf32, #tpu.memory_space<vmem>>
    tpu.wait_dma2 semaphore(%arg15 : memref<!tpu.dma_semaphore, #tpu.memory_space<semaphore_mem>>) src(%dma_wait3A_665 : memref<512x64xf32, #tpu.memory_space<vmem>>) dst(%dma_wait3A_661 : memref<512x64xf32, #tpu.memory_space<hbm>>)
    return
  }
}

</mosaic_0001>

<sc_bundles>
// kernel: kernel.3.cloned.1.call-start
scs
__scs_entry_jumppad:
0x0: {  	(pc) =	sbr.rel $0x88, $3  }
0x1: {  	(tag) =	ssettag $0x0;
	lr =	simm.s32 $0x1  }
0x2: {  	[smem:$0x3F9F] =	sst lr;
	_ =	strace $0xD0000000  }
0x3: {  	_ = 	snop  }
0x4: {  	_ = 	snop  }
0x5: {  	_ = 	snop  }
0x6: {  	_ = 	snop  }
0x7: {  	_ = 	snop  }
__scs_overlays_trampoline_lowered:
0x8: {  	[smem:$0x3FAE] =	sst s0  }
0x9: {  	[smem:$0x3FAF] =	sst s1  }
0xa: {  	[smem:$0x3FB0] =	sst s2  }
0xb: {  	[smem:$0x3FB1] =	sst s3  }
0xc: {  	[smem:$0x3FB2] =	sst s4  }
0xd: {  	[smem:$0x3FB3] =	sst s5  }
0xe: {  	[smem:$0x3FB4] =	sst s6  }
0xf: {  	[smem:$0x3FB5] =	sst s7  }
0x10: {  	[smem:$0x3FB6] =	sst s8  }
0x11: {  	[smem:$0x3FB7] =	sst s9;
	s0 =	simm.s32 @!p0 $0x0  }
0x12: {  	s1 =	sld [smem:$0x3F9D];
	s0 =	simm.s32 @p0 $0x1  }
0x13: {  	[smem:$0x3FB8] =	sst s0;
	s0 =	simm.s32 @!p1 $0x0  }
0x14: {  	s2 =	sld [smem:$0x3F9C];
	s0 =	simm.s32 @p1 $0x1  }
0x15: {  	[smem:$0x3FB9] =	sst s0;
	s0 =	simm.s32 @!p2 $0x0  }
0x16: {  	s3 =	sld [smem:$0x3FDB];
	s0 =	simm.s32 @p2 $0x1  }
0x17: {  	s4 =	simm.s32 $0x1BF5;
	[smem:$0x3FBB] =	sst s0  }
0x18: {  	s0 =	sld [smem:$0x3F9E];
	_ =	swait.ge [sflag:s4], $0x0  }
0x19: {  	s7 =	sld [smem:$0x3F9F]  }
0x1a: {  	s8 =	sadd.s32 $0xFFFFE003, lr  }
0x1b: {  	s9 =	sadd.s32 $0xFFFFFEF7, lr;
	s5 =	simm.s32 $0xFFFFFFFF;
	p2 =	slt.u32 s8, $0xFFFFF086  }
0x1c: {  	p1 =	slt.u32 s9, $0xF7A;
	s5 =	simm.s32 @!p2 $0x0  }
0x1d: {  	s5 =	simm.s32 @p1 $0x1;
	p0 =	seq.s32 s7, s2  }
0x1e: {  	s7 =	smul.u32 @!p0 $0xF7A, s2;
	p2 =	seq.s32 @!p0 s5, $0x0  }
0x1f: {  	s9 =	smul.u32 $0xF7A, s1;
	s8 =	simm.s32 @!p0 $0x1BF5;
	p2 =	por !p2, p0  }
0x20: {  	[sflag:s8] =	ssyncset.s32 @!p0 $0xFFFFF086;
	s6 =	sadd.s32 @!p0 s3, s7;
	s7 =	simm.s32 @!p0 $0x108  }
0x21: {  	s3 =	sadd.s32 s3, s9;
	s6 =	sadd.s32 @!p0 $0x88, s6;
	s7 =	simm.s32 @p2 $0x1082  }
0x22: {  	[simem:s7], [sflag:s8] =	dma.local @!p0 [hbm:s6], $0xF7A  }
0x23: {  	s9 =	sor.u32 $0xD0000000, s2;
	s6 =	simm.s32 $0x108;
	_ =	swait.ge @!p0 [sflag:s8], $0x0  }
0x24: {  	s3 =	sadd.s32 $0x88, s3;
	s6 =	simm.s32 @!p1 $0x1082;
	[sflag:s4] =	ssyncset.s32 $0xFFFFF086  }
0x25: {  	[simem:s6], [sflag:s4] =	dma.local [hbm:s3], $0xF7A  }
0x26: {  	[smem:$0x3F9F] =	sst s1;
	(tag) =	ssettag s2;
	_ =	strace s9  }
0x27: {  	s1 =	sld [smem:$0x3FAF]  }
0x28: {  	s2 =	sld [smem:$0x3FB0]  }
0x29: {  	s4 =	sld [smem:$0x3FB2]  }
0x2a: {  	p0 =	seq.s32 s5, $0x0;
	s5 =	sld [smem:$0x3FB3]  }
0x2b: {  	s6 =	sld [smem:$0x3FB4]  }
0x2c: {  	s7 =	sld [smem:$0x3FB5]  }
0x2d: {  	s3 =	simm.s32 $0x108;
	s8 =	sld [smem:$0x3FB6]  }
0x2e: {  	s3 =	simm.s32 @!p0 $0x1082;
	s9 =	sld [smem:$0x3FB7]  }
0x2f: {  	lr =	sadd.s32 s0, s3;
	s0 =	sld [smem:$0x3FAE]  }
0x30: {  	s3 =	sld [smem:$0x3FB1]  }
0x31: {  	[smem:$0x3FBA] =	sst s10  }
0x32: {  	s10 =	sld [smem:$0x3FB8];
	_ =	sdelay $0x3  }
0x33: {  	p0 =	seq.s32 s10, $0x1;
	s10 =	sld [smem:$0x3FBA];
	_ =	sdelay $0x3  }
0x34: {  	[smem:$0x3FBA] =	sst s10  }
0x35: {  	s10 =	sld [smem:$0x3FB9];
	_ =	sdelay $0x3  }
0x36: {  	p1 =	seq.s32 s10, $0x1;
	s10 =	sld [smem:$0x3FBA];
	_ =	sdelay $0x3  }
0x37: {  	[smem:$0x3FBA] =	sst s10  }
0x38: {  	s10 =	sld [smem:$0x3FBB]  }
0x39: {  	_ = 	snop;
	(pc) =	sbr.ind lr, $3  }
0x3a: {  	_ = 	snop  }
0x3b: {  	_ = 	snop  }
0x3c: {  	p2 =	seq.s32 s10, $0x1;
	s10 =	sld [smem:$0x3FBA]  }
0x3d: {  	_ =	shalt  }
0x3e: {  	_ =	shalt  }
0x3f: {  	_ =	shalt  }
0x40: {  	_ =	shalt  }
0x41: {  	_ =	shalt  }
0x42: {  	_ =	shalt  }
0x43: {  	_ =	shalt  }
0x44: {  	_ =	shalt  }
0x45: {  	_ =	shalt  }
0x46: {  	_ =	shalt  }
0x47: {  	_ =	shalt  }
0x48: {  	_ =	shalt  }
0x49: {  	_ =	shalt  }
0x4a: {  	_ =	shalt  }
0x4b: {  	_ =	shalt  }
0x4c: {  	_ =	shalt  }
0x4d: {  	_ =	shalt  }
0x4e: {  	_ =	shalt  }
0x4f: {  	_ =	shalt  }
0x50: {  	_ =	shalt  }
0x51: {  	_ =	shalt  }
0x52: {  	_ =	shalt  }
0x53: {  	_ =	shalt  }
0x54: {  	_ =	shalt  }
0x55: {  	_ =	shalt  }
0x56: {  	_ =	shalt  }
0x57: {  	_ =	shalt  }
0x58: {  	_ =	shalt  }
0x59: {  	_ =	shalt  }
0x5a: {  	_ =	shalt  }
0x5b: {  	_ =	shalt  }
0x5c: {  	_ =	shalt  }
0x5d: {  	_ =	shalt  }
0x5e: {  	_ =	shalt  }
0x5f: {  	_ =	shalt  }
0x60: {  	_ =	shalt  }
0x61: {  	_ =	shalt  }
0x62: {  	_ =	shalt  }
0x63: {  	_ =	shalt  }
0x64: {  	_ =	shalt  }
0x65: {  	_ =	shalt  }
0x66: {  	_ =	shalt  }
0x67: {  	_ =	shalt  }
0x68: {  	_ =	shalt  }
0x69: {  	_ =	shalt  }
0x6a: {  	_ =	shalt  }
0x6b: {  	_ =	shalt  }
0x6c: {  	_ =	shalt  }
0x6d: {  	_ =	shalt  }
0x6e: {  	_ =	shalt  }
0x6f: {  	_ =	shalt  }
0x70: {  	_ =	shalt  }
0x71: {  	_ =	shalt  }
0x72: {  	_ =	shalt  }
0x73: {  	_ =	shalt  }
0x74: {  	_ =	shalt  }
0x75: {  	_ =	shalt  }
0x76: {  	_ =	shalt  }
0x77: {  	_ =	shalt  }
0x78: {  	_ =	shalt  }
0x79: {  	_ =	shalt  }
0x7a: {  	_ =	shalt  }
0x7b: {  	_ =	shalt  }
0x7c: {  	_ =	shalt  }
0x7d: {  	_ =	shalt  }
0x7e: {  	_ =	shalt  }
0x7f: {  	_ =	shalt  }
0x80: {  	_ =	shalt  }
0x81: {  	_ =	shalt  }
0x82: {  	_ =	shalt  }
0x83: {  	_ =	shalt  }
0x84: {  	_ =	shalt  }
0x85: {  	_ =	shalt  }
0x86: {  	_ =	shalt  }
0x87: {  	_ =	shalt  }
.Lfunc_end0:
.L_simem_size_0:
called_computation.1_lowered:
.L_overlay_start_0:
0x88: {  	s2 =	sld [smem:$0x3FD9]  }
0x89: {  	s3 =	sld [smem:$0x3FFE];
	_ =	sdelay $0x1  }
0x8a: {  	s1 =	srdreg.scid  }
0x8b: {  	s0 =	sand.u32 $0x1, s1  }
0x8c: {  	s17 =	sshll.u32 s0, $0xA;
	s2 =	sadd.s32 s3, s2  }
0x8d: {  	s2 =	sadd.s32 s2, s17  }
0x8e: {  	[smem:$0x3FC6] =	sst s2  }
0x8f: {  	_ = 	snop  }
0x90: {  	s2 =	sld [smem:$0x3FD0];
	(tm) =	ssettm $0x1  }
0x91: {  	s18 =	sld [smem:$0x3FFB];
	_ =	sdelay $0x3  }
0x92: {  	_ =	strace s18  }
0x93: {  	s3 =	sld [smem:$0x3FFC];
	_ =	sdelay $0x3  }
0x94: {  	_ =	strace s3  }
0x95: {  	s3 =	sld [smem:$0x3FFD];
	_ =	sdelay $0x3  }
0x96: {  	_ =	strace s3  }
0x97: {  	_ =	strace $0x8FFFFFFF  }
0x98: {  	s19 =	sld [smem:$0x3FDB];
	_ =	sdelay $0x1  }
0x99: {  	s4 =	simm.s32 $_scs_section_size  }
0x9a: {  	s5 =	simm.s32 $_size__tile_overlayer_lowered;
	s6 =	simm.s32 $_tile_overlayer_lowered  }
0x9b: {  	s22 =	simm.s32 $0x1BFF;
	s21 =	sshll.u32 s6, $0x1;
	s3 =	sadd.s32 s4, s19  }
0x9c: {  	s7 =	simm.s32 $0x0;
	s20 =	sshll.u32 s5, $0x1;
	s5 =	sadd.s32 s21, s3  }
0x9d: {  	[timem:s7], [sflag:s22] =	dma.local [hbm:s5], s20  }
0x9e: {  	_ =	swait.ge [sflag:s22], s20  }
0x9f: {  	s4 =	ssub.s32 $0x0, s20;
	[sflag:s22] =	ssyncset.done $0x0  }
0xa0: {  	[sflag:s22] =	ssyncadd.s32 s4;
	_ =	sdelay $0x1  }
0xa1: {  	s23 =	simm.s32 $0x1B8B  }
0xa2: {  	_ =	swait.ge [sflag:s23], $0x1  }
0xa3: {  	[sflag:s23] =	ssyncset.done $0x0  }
0xa4: {  	s25 =	simm.s32 $0x1B8E;
	s24 =	sld [smem:$0x3FFE];
	[sflag:s23] =	ssyncadd.s32 $0xFFFFFFFF  }
0xa5: {  	s26 =	simm.s32 $execute0_lowered;
	[smem:$0x3FD2] =	sst s25  }
0xa6: {  	s5 =	sshll.u32 s26, $0x1;
	_ =	strace $0x80000046;
	[dreg:$0x1] =	wrdreg $0xFFFFFFFF  }
0xa7: {  	s28 =	simm.s32 $_size_execute0_lowered;
	s3 =	sadd.s32 s3, s5;
	[dreg:$0x0] =	wrdreg $0x0  }
0xa8: {  	s5 =	sshll.u32 s28, $0x1;
	[dreg:$0x2] =	wrdreg s3  }
0xa9: {  	[dreg:$0x3] =	wrdreg s5  }
0xaa: {  	[dreg:$0x4] =	wrdreg $0xC0  }
0xab: {  	_ =	task [dreg:s7], $0x5FFFF  }
0xac: {  	[dreg:$0x1] =	wrdreg $0xFFFFFFFF  }
0xad: {  	[dreg:$0x0] =	wrdreg $0x60  }
0xae: {  	[dreg:$0x2] =	wrdreg s24  }
0xaf: {  	[dreg:$0x3] =	wrdreg s2  }
0xb0: {  	[dreg:$0x4] =	wrdreg $0x108000  }
0xb1: {  	[dreg:$0x5] =	wrdreg $0x9  }
0xb2: {  	_ =	task.clear_ibuf [dreg:s7], $0x6FFFF;
	_ =	strace $0x90000046  }
0xb3: {  	s29 =	simm.s32 $0x9;
	_ =	strace $0x80000048  }
0xb4: {  	_ =	swait.ge [sflag:s29], $0x1  }
0xb5: {  	[sflag:s29] =	ssyncadd.s32 $0xFFFFFFFF  }
0xb6: {  	_ =	strace $0x90000048  }
0xb7: {  	_ =	sfence  }
0xb8: {  	s30 =	sld [smem:$0x0];
	_ =	sdelay $0x2  }
0xb9: {  	s31 =	sshll.u32 s1, $0xD;
	s1 =	sshrl.u32 s1, $0x2  }
0xba: {  	s3 =	sand.u32 $0x4000, s31;
	s1 =	sadd.s32 s1, s30  }
0xbb: {  	s0 =	sor.u32 s3, s0;
	s1 =	sshll.u32 s1, $0x11  }
0xbc: {  	s0 =	sor.u32 s1, s0  }
0xbd: {  	s0 =	sadd.s32 $0x8F2B, s0  }
0xbe: {  	[sflag:s0] =	ssyncadd.remote.s32 $0x1  }
0xbf: {  	_ =	sfence.sel $0xFFFF  }
0xc0: {  	[dreg:$0x0] =	wrdreg $0xFFFFFFFF;
	(pc) =	sbr.abs _section_cstart, $3  }
0xc1: {  	[dreg:$0x1] =	wrdreg $0xFFFFFFFF  }
0xc2: {  	_ =	task.clear_ibuf [dreg:s7], $0x2FFFF;
	_ =	strace $0x9FFFFFFF  }
0xc3: {  	(tm) =	ssettm $0x7FFFFFFF  }
tec
execute0_lowered:
.L_overlay_start_1:
0x0: {  	(tag) =	ssettag $0x1  }
0x1: {  	s0 =	rddreg [dreg:$0x0]  }
0x2: {  	s3 =	rddreg [dreg:$0x1]  }
0x3: {  	s1 =	rddreg [dreg:$0x2]  }
0x4: {  	s4 =	srdreg.scid;
	s5 =	stileid.u32;
	s2 =	simm.s32 $0x0  }
0x5: {  	s28 =	simm.s32 $0x2;
	s29 =	simm.s32 $0x8800;
	s12 =	smul.u32 $0x32000, s5  }
0x6: {  	s31 =	simm.s32 $0xA800;
	s30 =	simm.s32 $0x300;
	s16 =	smul.u32 $0x190, s5  }
0x7: {  	s4 =	sand.u32 $0x1, s4;
	s6 =	sshll.u32 s5, $0x1;
	s20 =	smul.u32 $0xC80000, s5  }
0x8: {  	[smem:$0x7FF] =	sst s2;
	s8 =	sadd.s32 $0x2800, s0;
	s15 =	smul.u32 $0x19000, s4  }
0x9: {  	s0 =	sadd.s32 $0x800, s0;
	p0 =	sne.s32 s5, $0x0;
	s18 =	smul.u32 $0xC8, s4  }
0xa: {  	s6 =	sor.u32 s4, s6;
	s9 =	ssub.s32 $0x2, s4;
	s4 =	smul.u32 $0x640000, s4  }
0xb: {  	s5 =	simm.s32 $0x0;
	_ =	strace $0x80000047;
	s7 =	smul.u32 $0x3200, s6  }
0xc: {  	[dreg:$0x8] =	wrdreg s0;
	s10 =	smul.u32 $0xC8000, s6;
	s11 =	sshrl.u32 s9, $0x1  }
0xd: {  	s6 =	smul.u32 $0x640000, s6;
	s0 =	ssub.s32 s9, s11;
	s23 =	sadd.s32 s18, s16  }
0xe: {  	s4 =	sadd.s32 s4, s20;
	s18 =	simm.s32 $0x1;
	s20 =	simm.s32 $0x800  }
0xf: {  	s16 =	simm.s32 $0x180;
	s9 =	simm.s32 $0x3;
	s11 =	sadd.s32 s8, s7  }
0x10: {  	s10 =	sadd.s32 s3, s10;
	s6 =	sshrl.u32 s6, $0x3;
	s7 =	sadd.s32 s15, s12  }
0x11: {  	s0 =	smax.u32 s0, $0x1;
	s4 =	sor.u32 $0x20000, s4;
	s12 =	simm.s32 $0x380  }
0x12: {  	s15 =	simm.s32 $0x8;
	s13 =	sadd.s32 $0x40, s11;
	[dreg:$0x9] =	wrdreg s11  }
0x13: {  	s14 =	sadd.s32 $0x80, s11;
	s11 =	sadd.s32 $0xC0, s11;
	[dreg:$0xd] =	wrdreg s10  }
0x14: {  	s6 =	sadd.s32 s3, s6;
	s7 =	sshll.u32 s7, $0x3;
	[dreg:$0x11] =	wrdreg s0  }
0x15: {  	s0 =	sshll.u32 s23, $0x6;
	s4 =	sshrl.u32 s4, $0x3;
	[dreg:$0xa] =	wrdreg s13  }
0x16: {  	s23 =	simm.s32 $0x4800;
	s10 =	simm.s32 $0x7;
	[dreg:$0xb] =	wrdreg s14  }
0x17: {  	[dreg:$0xc] =	wrdreg s11;
	s17 =	sadd.s32 $0xC5000, s6;
	s19 =	sadd.s32 $0xC6000, s6  }
0x18: {  	s7 =	sadd.s32 s7, s3;
	s6 =	sadd.s32 $0xC7000, s6;
	[dreg:$0xe] =	wrdreg s17  }
0x19: {  	s0 =	sadd.s32 s0, s8;
	s3 =	sadd.s32 s4, s3;
	[dreg:$0xf] =	wrdreg s19  }
0x1a: {  	s13 =	simm.s32 $0x100;
	s8 =	simm.s32 $0x5;
	[dreg:$0x10] =	wrdreg s6  }
0x1b: {  	s4 =	simm.s32 $0x6;
	s21 =	sadd.s32 $0x3000, s7;
	[dreg:$0x7] =	wrdreg s3  }
0x1c: {  	s14 =	simm.s32 $0x4;
	s22 =	sadd.s32 $0x2000, s7;
	[dreg:$0x4] =	wrdreg s21  }
0x1d: {  	s24 =	sadd.s32 $0x1000, s7;
	s25 =	sadd.s32 $0x1C0, s0;
	[dreg:$0x5] =	wrdreg s22  }
0x1e: {  	s26 =	sadd.s32 $0x180, s0;
	s0 =	sadd.s32 $0x100, s0;
	[dreg:$0x6] =	wrdreg s24  }
0x1f: {  	s17 =	simm.s32 $0x200;
	s19 =	simm.s32 $0x80;
	[dreg:$0x12] =	wrdreg s25  }
0x20: {  	s3 =	simm.s32 $0xC800;
	s6 =	simm.s32 $0xE800;
	[dreg:$0x13] =	wrdreg s26  }
0x21: {  	s7 =	simm.s32 $0x600;
	[dreg:$0x14] =	wrdreg s0;
	s0 =	sshrl.u32 @!p0 s1, $0x3  }
0x22: {  	s21 =	simm.s32 $0x2800;
	s25 =	simm.s32 $0x6800;
	s26 =	simm.s32 $0x400  }
0x23: {  	s24 =	simm.s32 $0x280;
	s22 =	simm.s32 $0x380;
	[dreg:$0x15] =	wrdreg s0  }
.LBB2_1:
0x24: {  	[dreg:$0x16] =	wrdreg s5  }
0x25: {  	s5 =	rddreg [dreg:$0x8]  }
0x26: {  	s0 =	simm.s32 @!p0 $0x1C09;
	s11 =	rddreg [dreg:$0x15]  }
0x27: {  	[spmem:s11], [sflag:s0] =	dma.local @!p0 [hbm:s5], $0x1F40  }
0x28: {  	s0 =	simm.s32 @!p0 $0x9  }
0x29: {  	_ =	swait.ge @!p0 [sflag:s0], $0x1F40  }
0x2a: {  	[sflag:s0] =	ssyncset.done @!p0 $0x0  }
0x2b: {  	[sflag:s0] =	ssyncadd.s32 @!p0 $0xFFFFE0C0  }
0x2c: {  	[bflag:$0x0] =	sbarrier.arrive $0xFFFF  }
0x2d: {  	s11 =	rddreg [dreg:$0x9]  }
0x2e: {  	[tilespmem:s2], [sflag:$0x1] =	stream.linear.gather [hbm4b:s11+s2], $0x200, $0x38;
	[tilespmem:$0x117A0] =	vst v63  }
0x2f: {  	s5 =	rddreg [dreg:$0xa]  }
0x30: {  	[tilespmem:s17], [sflag:$0x2] =	stream.linear.gather [hbm4b:s5+s2], $0x200, $0x38;
	[tilespmem:$0x117A0] =	vst v63  }
0x31: {  	_ =	swait.ge [sflag:s18], $0x200  }
0x32: {  	[sflag:s18] =	ssyncset.done $0x0  }
0x33: {  	[sflag:s18] =	ssyncadd.s32 $0xFFFFFE00  }
0x34: {  	[tilespmem:s20], [sflag:$0x5] =	stream.indirect.gather [spmem:s1], $0x40, s2, s19, $0xb8;
	[tilespmem:$0x117A0] =	vst v63  }
0x35: {  	_ = 	snop  }
0x36: {  	[tilespmem:s21], [sflag:$0x5] =	stream.indirect.gather [spmem:s1], $0x40, s19, s19, $0xb8;
	[tilespmem:$0x117A0] =	vst v63  }
0x37: {  	_ = 	snop  }
0x38: {  	[tilespmem:s23], [sflag:$0x5] =	stream.indirect.gather [spmem:s1], $0x40, s13, s19, $0xb8;
	[tilespmem:$0x117A0] =	vst v63  }
0x39: {  	_ = 	snop  }
0x3a: {  	[tilespmem:s25], [sflag:$0x5] =	stream.indirect.gather [spmem:s1], $0x40, s16, s19, $0xb8;
	[tilespmem:$0x117A0] =	vst v63  }
0x3b: {  	s11 =	rddreg [dreg:$0xb]  }
0x3c: {  	[tilespmem:s26], [sflag:$0x3] =	stream.linear.gather [hbm4b:s11+s2], $0x200, $0x38;
	[tilespmem:$0x117A0] =	vst v63  }
0x3d: {  	_ =	swait.ge [sflag:s28], $0x200  }
0x3e: {  	[sflag:s28] =	ssyncset.done $0x0  }
0x3f: {  	[sflag:s28] =	ssyncadd.s32 $0xFFFFFE00  }
0x40: {  	[tilespmem:s29], [sflag:$0x6] =	stream.indirect.gather [spmem:s1], $0x40, s17, s19, $0xb8;
	[tilespmem:$0x117A0] =	vst v63  }
0x41: {  	_ = 	snop  }
0x42: {  	[tilespmem:s31], [sflag:$0x6] =	stream.indirect.gather [spmem:s1], $0x40, s24, s19, $0xb8;
	[tilespmem:$0x117A0] =	vst v63  }
0x43: {  	_ = 	snop  }
0x44: {  	[tilespmem:s3], [sflag:$0x6] =	stream.indirect.gather [spmem:s1], $0x40, s30, s19, $0xb8;
	[tilespmem:$0x117A0] =	vst v63  }
0x45: {  	_ = 	snop  }
0x46: {  	[tilespmem:s6], [sflag:$0x6] =	stream.indirect.gather [spmem:s1], $0x40, s12, s19, $0xb8;
	[tilespmem:$0x117A0] =	vst v63  }
0x47: {  	s12 =	rddreg [dreg:$0xc]  }
0x48: {  	[tilespmem:s7], [sflag:$0x4] =	stream.linear.gather [hbm4b:s12+s2], $0x200, $0x38;
	[tilespmem:$0x117A0] =	vst v63  }
0x49: {  	_ =	swait.ge [sflag:s8], $0x2000  }
0x4a: {  	[sflag:s8] =	ssyncset.done $0x0  }
0x4b: {  	[sflag:s8] =	ssyncadd.s32 $0xFFFFE000  }
0x4c: {  	_ =	swait.ge [sflag:s8], $0x2000  }
0x4d: {  	[sflag:s8] =	ssyncset.done $0x0  }
0x4e: {  	[sflag:s8] =	ssyncadd.s32 $0xFFFFE000  }
0x4f: {  	_ =	swait.ge [sflag:s8], $0x2000  }
0x50: {  	[sflag:s8] =	ssyncset.done $0x0  }
0x51: {  	[sflag:s8] =	ssyncadd.s32 $0xFFFFE000  }
0x52: {  	_ =	swait.ge [sflag:s8], $0x2000  }
0x53: {  	[sflag:s8] =	ssyncset.done $0x0  }
0x54: {  	s5 =	rddreg [dreg:$0xd];
	[sflag:s8] =	ssyncadd.s32 $0xFFFFE000  }
0x55: {  	[hbm4b:s5+s2] =	stream.linear.scatter [tilespmem:s20], [sflag:$0x7], $0x8000, $0x38;
	[tilespmem:$0x117A0] =	vst v63  }
0x56: {  	_ =	swait.ge [sflag:s9], $0x200  }
0x57: {  	[sflag:s9] =	ssyncset.done $0x0  }
0x58: {  	[sflag:s9] =	ssyncadd.s32 $0xFFFFFE00  }
0x59: {  	_ =	swait.ge [sflag:s10], $0x8000  }
0x5a: {  	[sflag:s10] =	ssyncset.done $0x0  }
0x5b: {  	[sflag:s10] =	ssyncadd.s32 $0xFFFF8000  }
0x5c: {  	[tilespmem:s20], [sflag:$0x5] =	stream.indirect.gather [spmem:s1], $0x40, s26, s19, $0xb8;
	[tilespmem:$0x117A0] =	vst v63  }
0x5d: {  	s11 =	simm.s32 $0x480  }
0x5e: {  	[tilespmem:s21], [sflag:$0x5] =	stream.indirect.gather [spmem:s1], $0x40, s11, s19, $0xb8;
	[tilespmem:$0x117A0] =	vst v63  }
0x5f: {  	s12 =	simm.s32 $0x500  }
0x60: {  	[tilespmem:s23], [sflag:$0x5] =	stream.indirect.gather [spmem:s1], $0x40, s12, s19, $0xb8;
	[tilespmem:$0x117A0] =	vst v63  }
0x61: {  	s5 =	simm.s32 $0x580  }
0x62: {  	[tilespmem:s25], [sflag:$0x5] =	stream.indirect.gather [spmem:s1], $0x40, s5, s19, $0xb8;
	[tilespmem:$0x117A0] =	vst v63  }
0x63: {  	s12 =	rddreg [dreg:$0x14]  }
0x64: {  	[tilespmem:s2], [sflag:$0x1] =	stream.linear.gather [hbm4b:s12+s2], $0x200, $0x38;
	[tilespmem:$0x117A0] =	vst v63  }
0x65: {  	_ =	swait.ge [sflag:s4], $0x2000  }
0x66: {  	[sflag:s4] =	ssyncset.done $0x0  }
0x67: {  	[sflag:s4] =	ssyncadd.s32 $0xFFFFE000  }
0x68: {  	_ =	swait.ge [sflag:s4], $0x2000  }
0x69: {  	[sflag:s4] =	ssyncset.done $0x0  }
0x6a: {  	[sflag:s4] =	ssyncadd.s32 $0xFFFFE000  }
0x6b: {  	_ =	swait.ge [sflag:s4], $0x2000  }
0x6c: {  	[sflag:s4] =	ssyncset.done $0x0  }
0x6d: {  	[sflag:s4] =	ssyncadd.s32 $0xFFFFE000  }
0x6e: {  	_ =	swait.ge [sflag:s4], $0x2000  }
0x6f: {  	s11 =	rddreg [dreg:$0x6];
	[sflag:s4] =	ssyncset.done $0x0  }
0x70: {  	[sflag:s4] =	ssyncadd.s32 $0xFFFFE000;
	s0 =	sadd.s32 $0x0, s11  }
0x71: {  	[hbm4b:s0+s2] =	stream.linear.scatter [tilespmem:s29], [sflag:$0x8], $0x8000, $0x38;
	[tilespmem:$0x117A0] =	vst v63  }
0x72: {  	_ =	swait.ge [sflag:s14], $0x200  }
0x73: {  	[sflag:s14] =	ssyncset.done $0x0  }
0x74: {  	[sflag:s14] =	ssyncadd.s32 $0xFFFFFE00  }
0x75: {  	_ =	swait.ge [sflag:s15], $0x8000  }
0x76: {  	[sflag:s15] =	ssyncset.done $0x0  }
0x77: {  	[sflag:s15] =	ssyncadd.s32 $0xFFFF8000  }
0x78: {  	[tilespmem:s29], [sflag:$0x6] =	stream.indirect.gather [spmem:s1], $0x40, s7, s19, $0xb8;
	[tilespmem:$0x117A0] =	vst v63  }
0x79: {  	s11 =	simm.s32 $0x680  }
0x7a: {  	[tilespmem:s31], [sflag:$0x6] =	stream.indirect.gather [spmem:s1], $0x40, s11, s19, $0xb8;
	[tilespmem:$0x117A0] =	vst v63  }
0x7b: {  	s11 =	simm.s32 $0x700  }
0x7c: {  	[tilespmem:s3], [sflag:$0x6] =	stream.indirect.gather [spmem:s1], $0x40, s11, s19, $0xb8;
	[tilespmem:$0x117A0] =	vst v63  }
0x7d: {  	s11 =	simm.s32 $0x780  }
0x7e: {  	[tilespmem:s6], [sflag:$0x6] =	stream.indirect.gather [spmem:s1], $0x40, s11, s19, $0xb8;
	[tilespmem:$0x117A0] =	vst v63  }
0x7f: {  	s11 =	rddreg [dreg:$0x12]  }
0x80: {  	s0 =	sadd.s32 $0xFFFFFF80, s11  }
0x81: {  	[tilespmem:s17], [sflag:$0x2] =	stream.linear.gather [hbm4b:s0+s2], $0x200, $0x38;
	[tilespmem:$0x117A0] =	vst v63  }
0x82: {  	_ =	swait.ge [sflag:s8], $0x2000  }
0x83: {  	[sflag:s8] =	ssyncset.done $0x0  }
0x84: {  	[sflag:s8] =	ssyncadd.s32 $0xFFFFE000  }
0x85: {  	_ =	swait.ge [sflag:s8], $0x2000  }
0x86: {  	[sflag:s8] =	ssyncset.done $0x0  }
0x87: {  	[sflag:s8] =	ssyncadd.s32 $0xFFFFE000  }
0x88: {  	_ =	swait.ge [sflag:s8], $0x2000  }
0x89: {  	[sflag:s8] =	ssyncset.done $0x0  }
0x8a: {  	[sflag:s8] =	ssyncadd.s32 $0xFFFFE000  }
0x8b: {  	_ =	swait.ge [sflag:s8], $0x2000  }
0x8c: {  	s0 =	rddreg [dreg:$0x5];
	[sflag:s8] =	ssyncset.done $0x0  }
0x8d: {  	[sflag:s8] =	ssyncadd.s32 $0xFFFFE000;
	s0 =	sadd.s32 $0x0, s0  }
0x8e: {  	[hbm4b:s0+s2] =	stream.linear.scatter [tilespmem:s20], [sflag:$0x7], $0x8000, $0x38;
	[tilespmem:$0x117A0] =	vst v63  }
0x8f: {  	_ =	swait.ge [sflag:s18], $0x200  }
0x90: {  	[sflag:s18] =	ssyncset.done $0x0  }
0x91: {  	[sflag:s18] =	ssyncadd.s32 $0xFFFFFE00  }
0x92: {  	_ =	swait.ge [sflag:s10], $0x8000  }
0x93: {  	[sflag:s10] =	ssyncset.done $0x0  }
0x94: {  	[sflag:s10] =	ssyncadd.s32 $0xFFFF8000  }
0x95: {  	[tilespmem:s20], [sflag:$0x5] =	stream.indirect.gather [spmem:s1], $0x40, s2, s19, $0xb8;
	[tilespmem:$0x117A0] =	vst v63  }
0x96: {  	_ = 	snop  }
0x97: {  	[tilespmem:s21], [sflag:$0x5] =	stream.indirect.gather [spmem:s1], $0x40, s19, s19, $0xb8;
	[tilespmem:$0x117A0] =	vst v63  }
0x98: {  	_ = 	snop  }
0x99: {  	[tilespmem:s23], [sflag:$0x5] =	stream.indirect.gather [spmem:s1], $0x40, s13, s19, $0xb8;
	[tilespmem:$0x117A0] =	vst v63  }
0x9a: {  	_ = 	snop  }
0x9b: {  	[tilespmem:s25], [sflag:$0x5] =	stream.indirect.gather [spmem:s1], $0x40, s16, s19, $0xb8;
	[tilespmem:$0x117A0] =	vst v63  }
0x9c: {  	s16 =	rddreg [dreg:$0x13]  }
0x9d: {  	[tilespmem:s26], [sflag:$0x3] =	stream.linear.gather [hbm4b:s16+s2], $0x200, $0x38;
	[tilespmem:$0x117A0] =	vst v63  }
0x9e: {  	_ =	swait.ge [sflag:s4], $0x2000  }
0x9f: {  	[sflag:s4] =	ssyncset.done $0x0  }
0xa0: {  	[sflag:s4] =	ssyncadd.s32 $0xFFFFE000  }
0xa1: {  	_ =	swait.ge [sflag:s4], $0x2000  }
0xa2: {  	[sflag:s4] =	ssyncset.done $0x0  }
0xa3: {  	[sflag:s4] =	ssyncadd.s32 $0xFFFFE000  }
0xa4: {  	_ =	swait.ge [sflag:s4], $0x2000  }
0xa5: {  	[sflag:s4] =	ssyncset.done $0x0  }
0xa6: {  	[sflag:s4] =	ssyncadd.s32 $0xFFFFE000  }
0xa7: {  	_ =	swait.ge [sflag:s4], $0x2000  }
0xa8: {  	s13 =	rddreg [dreg:$0x4];
	[sflag:s4] =	ssyncset.done $0x0  }
0xa9: {  	[sflag:s4] =	ssyncadd.s32 $0xFFFFE000;
	s0 =	sadd.s32 $0x0, s13  }
0xaa: {  	[hbm4b:s0+s2] =	stream.linear.scatter [tilespmem:s29], [sflag:$0x8], $0x8000, $0x38;
	[tilespmem:$0x117A0] =	vst v63  }
0xab: {  	_ =	swait.ge [sflag:s28], $0x200  }
0xac: {  	[sflag:s28] =	ssyncset.done $0x0  }
0xad: {  	[sflag:s28] =	ssyncadd.s32 $0xFFFFFE00  }
0xae: {  	_ =	swait.ge [sflag:s15], $0x8000  }
0xaf: {  	[sflag:s15] =	ssyncset.done $0x0  }
0xb0: {  	[sflag:s15] =	ssyncadd.s32 $0xFFFF8000  }
0xb1: {  	[tilespmem:s29], [sflag:$0x6] =	stream.indirect.gather [spmem:s1], $0x40, s17, s19, $0xb8;
	[tilespmem:$0x117A0] =	vst v63  }
0xb2: {  	_ = 	snop  }
0xb3: {  	[tilespmem:s31], [sflag:$0x6] =	stream.indirect.gather [spmem:s1], $0x40, s24, s19, $0xb8;
	[tilespmem:$0x117A0] =	vst v63  }
0xb4: {  	_ = 	snop  }
0xb5: {  	[tilespmem:s3], [sflag:$0x6] =	stream.indirect.gather [spmem:s1], $0x40, s30, s19, $0xb8;
	[tilespmem:$0x117A0] =	vst v63  }
0xb6: {  	s5 =	simm.s32 $0x380  }
0xb7: {  	[tilespmem:s6], [sflag:$0x6] =	stream.indirect.gather [spmem:s1], $0x40, s5, s19, $0xb8;
	[tilespmem:$0x117A0] =	vst v63  }
0xb8: {  	_ = 	snop  }
0xb9: {  	[tilespmem:s7], [sflag:$0x4] =	stream.linear.gather [hbm4b:s11+s2], $0x200, $0x38;
	[tilespmem:$0x117A0] =	vst v63  }
0xba: {  	_ =	swait.ge [sflag:s8], $0x2000  }
0xbb: {  	[sflag:s8] =	ssyncset.done $0x0  }
0xbc: {  	[sflag:s8] =	ssyncadd.s32 $0xFFFFE000  }
0xbd: {  	_ =	swait.ge [sflag:s8], $0x2000  }
0xbe: {  	[sflag:s8] =	ssyncset.done $0x0  }
0xbf: {  	[sflag:s8] =	ssyncadd.s32 $0xFFFFE000  }
0xc0: {  	_ =	swait.ge [sflag:s8], $0x2000  }
0xc1: {  	[sflag:s8] =	ssyncset.done $0x0  }
0xc2: {  	[sflag:s8] =	ssyncadd.s32 $0xFFFFE000  }
0xc3: {  	s13 =	simm.s32 $0x300;
	_ =	swait.ge [sflag:s8], $0x2000  }
0xc4: {  	s0 =	sadd.s32 $0x100, s12;
	s24 =	simm.s32 $0x280;
	[sflag:s8] =	ssyncset.done $0x0  }
0xc5: {  	s30 =	simm.s32 $0x4000;
	s5 =	rddreg [dreg:$0x7];
	[sflag:s8] =	ssyncadd.s32 $0xFFFFE000  }
0xc6: {  	s12 =	sadd.s32 $0x0, s5;
	s5 =	sadd.s32 $0x100, s11;
	s11 =	sadd.s32 $0x100, s16  }
.LBB2_2:
0xc7: {  	[hbm4b:s12+s2] =	stream.linear.scatter [tilespmem:s20], [sflag:$0x7], $0x8000, $0x38;
	[tilespmem:$0x117A0] =	vst v63  }
0xc8: {  	_ =	swait.ge [sflag:s9], $0x200  }
0xc9: {  	[sflag:s9] =	ssyncset.done $0x0  }
0xca: {  	[sflag:s9] =	ssyncadd.s32 $0xFFFFFE00  }
0xcb: {  	_ =	swait.ge [sflag:s10], $0x8000  }
0xcc: {  	[sflag:s10] =	ssyncset.done $0x0  }
0xcd: {  	[sflag:s10] =	ssyncadd.s32 $0xFFFF8000  }
0xce: {  	[tilespmem:s20], [sflag:$0x5] =	stream.indirect.gather [spmem:s1], $0x40, s26, s19, $0xb8;
	[tilespmem:$0x117A0] =	vst v63  }
0xcf: {  	s16 =	simm.s32 $0x480  }
0xd0: {  	[tilespmem:s21], [sflag:$0x5] =	stream.indirect.gather [spmem:s1], $0x40, s16, s19, $0xb8;
	[tilespmem:$0x117A0] =	vst v63  }
0xd1: {  	s16 =	simm.s32 $0x500  }
0xd2: {  	[tilespmem:s23], [sflag:$0x5] =	stream.indirect.gather [spmem:s1], $0x40, s16, s19, $0xb8;
	[tilespmem:$0x117A0] =	vst v63  }
0xd3: {  	s16 =	simm.s32 $0x580  }
0xd4: {  	[tilespmem:s25], [sflag:$0x5] =	stream.indirect.gather [spmem:s1], $0x40, s16, s19, $0xb8;
	[tilespmem:$0x117A0] =	vst v63  }
0xd5: {  	_ = 	snop  }
0xd6: {  	[tilespmem:s2], [sflag:$0x1] =	stream.linear.gather [hbm4b:s0+s2], $0x200, $0x38;
	[tilespmem:$0x117A0] =	vst v63  }
0xd7: {  	_ =	swait.ge [sflag:s4], $0x2000  }
0xd8: {  	[sflag:s4] =	ssyncset.done $0x0  }
0xd9: {  	[sflag:s4] =	ssyncadd.s32 $0xFFFFE000  }
0xda: {  	_ =	swait.ge [sflag:s4], $0x2000  }
0xdb: {  	[sflag:s4] =	ssyncset.done $0x0  }
0xdc: {  	[sflag:s4] =	ssyncadd.s32 $0xFFFFE000  }
0xdd: {  	_ =	swait.ge [sflag:s4], $0x2000  }
0xde: {  	[sflag:s4] =	ssyncset.done $0x0  }
0xdf: {  	[sflag:s4] =	ssyncadd.s32 $0xFFFFE000  }
0xe0: {  	_ =	swait.ge [sflag:s4], $0x2000  }
0xe1: {  	s12 =	smov.u32 s30;
	s16 =	rddreg [dreg:$0x6];
	[sflag:s4] =	ssyncset.done $0x0  }
0xe2: {  	[sflag:s4] =	ssyncadd.s32 $0xFFFFE000;
	s16 =	sadd.s32 s12, s16  }
0xe3: {  	[hbm4b:s16+s2] =	stream.linear.scatter [tilespmem:s29], [sflag:$0x8], $0x8000, $0x38;
	[tilespmem:$0x117A0] =	vst v63  }
0xe4: {  	_ =	swait.ge [sflag:s14], $0x200  }
0xe5: {  	[sflag:s14] =	ssyncset.done $0x0  }
0xe6: {  	[sflag:s14] =	ssyncadd.s32 $0xFFFFFE00  }
0xe7: {  	_ =	swait.ge [sflag:s15], $0x8000  }
0xe8: {  	[sflag:s15] =	ssyncset.done $0x0  }
0xe9: {  	[sflag:s15] =	ssyncadd.s32 $0xFFFF8000  }
0xea: {  	[tilespmem:s29], [sflag:$0x6] =	stream.indirect.gather [spmem:s1], $0x40, s7, s19, $0xb8;
	[tilespmem:$0x117A0] =	vst v63  }
0xeb: {  	s16 =	simm.s32 $0x680  }
0xec: {  	[tilespmem:s31], [sflag:$0x6] =	stream.indirect.gather [spmem:s1], $0x40, s16, s19, $0xb8;
	[tilespmem:$0x117A0] =	vst v63  }
0xed: {  	s16 =	simm.s32 $0x700  }
0xee: {  	[tilespmem:s3], [sflag:$0x6] =	stream.indirect.gather [spmem:s1], $0x40, s16, s19, $0xb8;
	[tilespmem:$0x117A0] =	vst v63  }
0xef: {  	s16 =	simm.s32 $0x780  }
0xf0: {  	[tilespmem:s6], [sflag:$0x6] =	stream.indirect.gather [spmem:s1], $0x40, s16, s19, $0xb8;
	[tilespmem:$0x117A0] =	vst v63  }
0xf1: {  	s16 =	sadd.s32 $0xFFFFFF80, s5  }
0xf2: {  	[tilespmem:s17], [sflag:$0x2] =	stream.linear.gather [hbm4b:s16+s2], $0x200, $0x38;
	[tilespmem:$0x117A0] =	vst v63  }
0xf3: {  	_ =	swait.ge [sflag:s8], $0x2000  }
0xf4: {  	[sflag:s8] =	ssyncset.done $0x0  }
0xf5: {  	[sflag:s8] =	ssyncadd.s32 $0xFFFFE000  }
0xf6: {  	_ =	swait.ge [sflag:s8], $0x2000  }
0xf7: {  	[sflag:s8] =	ssyncset.done $0x0  }
0xf8: {  	[sflag:s8] =	ssyncadd.s32 $0xFFFFE000  }
0xf9: {  	_ =	swait.ge [sflag:s8], $0x2000  }
0xfa: {  	[sflag:s8] =	ssyncset.done $0x0  }
0xfb: {  	[sflag:s8] =	ssyncadd.s32 $0xFFFFE000  }
0xfc: {  	_ =	swait.ge [sflag:s8], $0x2000  }
0xfd: {  	s16 =	rddreg [dreg:$0x5];
	[sflag:s8] =	ssyncset.done $0x0  }
0xfe: {  	[sflag:s8] =	ssyncadd.s32 $0xFFFFE000;
	s16 =	sadd.s32 s12, s16  }
0xff: {  	[hbm4b:s16+s2] =	stream.linear.scatter [tilespmem:s20], [sflag:$0x7], $0x8000, $0x38;
	[tilespmem:$0x117A0] =	vst v63  }
0x100: {  	_ =	swait.ge [sflag:s18], $0x200  }
0x101: {  	[sflag:s18] =	ssyncset.done $0x0  }
0x102: {  	[sflag:s18] =	ssyncadd.s32 $0xFFFFFE00  }
0x103: {  	_ =	swait.ge [sflag:s10], $0x8000  }
0x104: {  	[sflag:s10] =	ssyncset.done $0x0  }
0x105: {  	[sflag:s10] =	ssyncadd.s32 $0xFFFF8000  }
0x106: {  	[tilespmem:s20], [sflag:$0x5] =	stream.indirect.gather [spmem:s1], $0x40, s2, s19, $0xb8;
	[tilespmem:$0x117A0] =	vst v63  }
0x107: {  	_ = 	snop  }
0x108: {  	[tilespmem:s21], [sflag:$0x5] =	stream.indirect.gather [spmem:s1], $0x40, s19, s19, $0xb8;
	[tilespmem:$0x117A0] =	vst v63  }
0x109: {  	s16 =	simm.s32 $0x100  }
0x10a: {  	[tilespmem:s23], [sflag:$0x5] =	stream.indirect.gather [spmem:s1], $0x40, s16, s19, $0xb8;
	[tilespmem:$0x117A0] =	vst v63  }
0x10b: {  	s16 =	simm.s32 $0x180  }
0x10c: {  	[tilespmem:s25], [sflag:$0x5] =	stream.indirect.gather [spmem:s1], $0x40, s16, s19, $0xb8;
	[tilespmem:$0x117A0] =	vst v63  }
0x10d: {  	_ = 	snop  }
0x10e: {  	[tilespmem:s26], [sflag:$0x3] =	stream.linear.gather [hbm4b:s11+s2], $0x200, $0x38;
	[tilespmem:$0x117A0] =	vst v63  }
0x10f: {  	_ =	swait.ge [sflag:s4], $0x2000  }
0x110: {  	[sflag:s4] =	ssyncset.done $0x0  }
0x111: {  	[sflag:s4] =	ssyncadd.s32 $0xFFFFE000  }
0x112: {  	_ =	swait.ge [sflag:s4], $0x2000  }
0x113: {  	[sflag:s4] =	ssyncset.done $0x0  }
0x114: {  	[sflag:s4] =	ssyncadd.s32 $0xFFFFE000  }
0x115: {  	_ =	swait.ge [sflag:s4], $0x2000  }
0x116: {  	[sflag:s4] =	ssyncset.done $0x0  }
0x117: {  	[sflag:s4] =	ssyncadd.s32 $0xFFFFE000  }
0x118: {  	_ =	swait.ge [sflag:s4], $0x2000  }
0x119: {  	s16 =	rddreg [dreg:$0x4];
	[sflag:s4] =	ssyncset.done $0x0  }
0x11a: {  	[sflag:s4] =	ssyncadd.s32 $0xFFFFE000;
	s16 =	sadd.s32 s12, s16  }
0x11b: {  	[hbm4b:s16+s2] =	stream.linear.scatter [tilespmem:s29], [sflag:$0x8], $0x8000, $0x38;
	[tilespmem:$0x117A0] =	vst v63  }
0x11c: {  	_ =	swait.ge [sflag:s28], $0x200  }
0x11d: {  	[sflag:s28] =	ssyncset.done $0x0  }
0x11e: {  	[sflag:s28] =	ssyncadd.s32 $0xFFFFFE00  }
0x11f: {  	_ =	swait.ge [sflag:s15], $0x8000  }
0x120: {  	[sflag:s15] =	ssyncset.done $0x0  }
0x121: {  	[sflag:s15] =	ssyncadd.s32 $0xFFFF8000  }
0x122: {  	[tilespmem:s29], [sflag:$0x6] =	stream.indirect.gather [spmem:s1], $0x40, s17, s19, $0xb8;
	[tilespmem:$0x117A0] =	vst v63  }
0x123: {  	_ = 	snop  }
0x124: {  	[tilespmem:s31], [sflag:$0x6] =	stream.indirect.gather [spmem:s1], $0x40, s24, s19, $0xb8;
	[tilespmem:$0x117A0] =	vst v63  }
0x125: {  	_ = 	snop  }
0x126: {  	[tilespmem:s3], [sflag:$0x6] =	stream.indirect.gather [spmem:s1], $0x40, s13, s19, $0xb8;
	[tilespmem:$0x117A0] =	vst v63  }
0x127: {  	_ = 	snop  }
0x128: {  	[tilespmem:s6], [sflag:$0x6] =	stream.indirect.gather [spmem:s1], $0x40, s22, s19, $0xb8;
	[tilespmem:$0x117A0] =	vst v63  }
0x129: {  	_ = 	snop  }
0x12a: {  	[tilespmem:s7], [sflag:$0x4] =	stream.linear.gather [hbm4b:s5+s2], $0x200, $0x38;
	[tilespmem:$0x117A0] =	vst v63  }
0x12b: {  	_ =	swait.ge [sflag:s8], $0x2000  }
0x12c: {  	[sflag:s8] =	ssyncset.done $0x0  }
0x12d: {  	[sflag:s8] =	ssyncadd.s32 $0xFFFFE000  }
0x12e: {  	_ =	swait.ge [sflag:s8], $0x2000  }
0x12f: {  	[sflag:s8] =	ssyncset.done $0x0  }
0x130: {  	[sflag:s8] =	ssyncadd.s32 $0xFFFFE000  }
0x131: {  	p1 =	sne.s32 s30, $0xC0000;
	_ =	swait.ge [sflag:s8], $0x2000  }
.Ltmp0:
0x132: {  	[sflag:s8] =	ssyncset.done $0x0;
	(pc) =	sbr.rel @p1 .LBB2_2-.Ltmp0, $4  }
0x133: {  	[sflag:s8] =	ssyncadd.s32 $0xFFFFE000  }
0x134: {  	s30 =	sadd.s32 $0x4000, s30;
	s0 =	sadd.s32 $0x100, s0;
	_ =	swait.ge [sflag:s8], $0x2000  }
0x135: {  	s11 =	sadd.s32 $0x100, s11;
	[sflag:s8] =	ssyncset.done $0x0;
	s16 =	rddreg [dreg:$0x7]  }
0x136: {  	s5 =	sadd.s32 $0x100, s5;
	[sflag:s8] =	ssyncadd.s32 $0xFFFFE000;
	s12 =	sadd.s32 s12, s16  }
0x137: {  	[hbm4b:s12+s2] =	stream.linear.scatter [tilespmem:s20], [sflag:$0x7], $0x8000, $0x38;
	[tilespmem:$0x117A0] =	vst v63  }
0x138: {  	_ =	swait.ge [sflag:s9], $0x200  }
0x139: {  	[sflag:s9] =	ssyncset.done $0x0  }
0x13a: {  	[sflag:s9] =	ssyncadd.s32 $0xFFFFFE00  }
0x13b: {  	_ =	swait.ge [sflag:s10], $0x8000  }
0x13c: {  	[sflag:s10] =	ssyncset.done $0x0  }
0x13d: {  	[sflag:s10] =	ssyncadd.s32 $0xFFFF8000  }
0x13e: {  	[tilespmem:s20], [sflag:$0x5] =	stream.indirect.gather [spmem:s1], $0x40, s26, s19, $0xb8;
	[tilespmem:$0x117A0] =	vst v63  }
0x13f: {  	s0 =	simm.s32 $0x480  }
0x140: {  	[tilespmem:s21], [sflag:$0x5] =	stream.indirect.gather [spmem:s1], $0x40, s0, s19, $0xb8;
	[tilespmem:$0x117A0] =	vst v63  }
0x141: {  	s13 =	simm.s32 $0x500  }
0x142: {  	[tilespmem:s23], [sflag:$0x5] =	stream.indirect.gather [spmem:s1], $0x40, s13, s19, $0xb8;
	[tilespmem:$0x117A0] =	vst v63  }
0x143: {  	s16 =	simm.s32 $0x580  }
0x144: {  	[tilespmem:s25], [sflag:$0x5] =	stream.indirect.gather [spmem:s1], $0x40, s16, s19, $0xb8;
	[tilespmem:$0x117A0] =	vst v63  }
0x145: {  	_ =	swait.ge [sflag:s4], $0x2000  }
0x146: {  	[sflag:s4] =	ssyncset.done $0x0  }
0x147: {  	[sflag:s4] =	ssyncadd.s32 $0xFFFFE000  }
0x148: {  	_ =	swait.ge [sflag:s4], $0x2000  }
0x149: {  	[sflag:s4] =	ssyncset.done $0x0  }
0x14a: {  	[sflag:s4] =	ssyncadd.s32 $0xFFFFE000  }
0x14b: {  	_ =	swait.ge [sflag:s4], $0x2000  }
0x14c: {  	[sflag:s4] =	ssyncset.done $0x0  }
0x14d: {  	[sflag:s4] =	ssyncadd.s32 $0xFFFFE000  }
0x14e: {  	_ =	swait.ge [sflag:s4], $0x2000  }
0x14f: {  	[sflag:s4] =	ssyncset.done $0x0  }
0x150: {  	s24 =	rddreg [dreg:$0xe];
	[sflag:s4] =	ssyncadd.s32 $0xFFFFE000  }
0x151: {  	[hbm4b:s24+s2] =	stream.linear.scatter [tilespmem:s29], [sflag:$0x8], $0x8000, $0x38;
	[tilespmem:$0x117A0] =	vst v63  }
0x152: {  	_ =	swait.ge [sflag:s14], $0x200  }
0x153: {  	[sflag:s14] =	ssyncset.done $0x0  }
0x154: {  	[sflag:s14] =	ssyncadd.s32 $0xFFFFFE00  }
0x155: {  	_ =	swait.ge [sflag:s15], $0x8000  }
0x156: {  	[sflag:s15] =	ssyncset.done $0x0  }
0x157: {  	[sflag:s15] =	ssyncadd.s32 $0xFFFF8000  }
0x158: {  	[tilespmem:s29], [sflag:$0x6] =	stream.indirect.gather [spmem:s1], $0x40, s7, s19, $0xb8;
	[tilespmem:$0x117A0] =	vst v63  }
0x159: {  	s5 =	simm.s32 $0x680  }
0x15a: {  	[tilespmem:s31], [sflag:$0x6] =	stream.indirect.gather [spmem:s1], $0x40, s5, s19, $0xb8;
	[tilespmem:$0x117A0] =	vst v63  }
0x15b: {  	s11 =	simm.s32 $0x700  }
0x15c: {  	[tilespmem:s3], [sflag:$0x6] =	stream.indirect.gather [spmem:s1], $0x40, s11, s19, $0xb8;
	[tilespmem:$0x117A0] =	vst v63  }
0x15d: {  	s12 =	simm.s32 $0x780  }
0x15e: {  	[tilespmem:s6], [sflag:$0x6] =	stream.indirect.gather [spmem:s1], $0x40, s12, s19, $0xb8;
	[tilespmem:$0x117A0] =	vst v63  }
0x15f: {  	_ =	swait.ge [sflag:s8], $0x2000  }
0x160: {  	[sflag:s8] =	ssyncset.done $0x0  }
0x161: {  	[sflag:s8] =	ssyncadd.s32 $0xFFFFE000  }
0x162: {  	_ =	swait.ge [sflag:s8], $0x2000  }
0x163: {  	[sflag:s8] =	ssyncset.done $0x0  }
0x164: {  	[sflag:s8] =	ssyncadd.s32 $0xFFFFE000  }
0x165: {  	_ =	swait.ge [sflag:s8], $0x2000  }
0x166: {  	[sflag:s8] =	ssyncset.done $0x0  }
0x167: {  	[sflag:s8] =	ssyncadd.s32 $0xFFFFE000  }
0x168: {  	_ =	swait.ge [sflag:s8], $0x2000  }
0x169: {  	[sflag:s8] =	ssyncset.done $0x0  }
0x16a: {  	s13 =	rddreg [dreg:$0xf];
	[sflag:s8] =	ssyncadd.s32 $0xFFFFE000  }
0x16b: {  	[hbm4b:s13+s2] =	stream.linear.scatter [tilespmem:s20], [sflag:$0x7], $0x8000, $0x38;
	[tilespmem:$0x117A0] =	vst v63  }
0x16c: {  	_ =	swait.ge [sflag:s4], $0x2000  }
0x16d: {  	[sflag:s4] =	ssyncset.done $0x0  }
0x16e: {  	[sflag:s4] =	ssyncadd.s32 $0xFFFFE000  }
0x16f: {  	_ =	swait.ge [sflag:s4], $0x2000  }
0x170: {  	[sflag:s4] =	ssyncset.done $0x0  }
0x171: {  	[sflag:s4] =	ssyncadd.s32 $0xFFFFE000  }
0x172: {  	_ =	swait.ge [sflag:s4], $0x2000  }
0x173: {  	[sflag:s4] =	ssyncset.done $0x0  }
0x174: {  	[sflag:s4] =	ssyncadd.s32 $0xFFFFE000  }
0x175: {  	_ =	swait.ge [sflag:s4], $0x2000  }
0x176: {  	[sflag:s4] =	ssyncset.done $0x0  }
0x177: {  	s16 =	rddreg [dreg:$0x10];
	[sflag:s4] =	ssyncadd.s32 $0xFFFFE000  }
0x178: {  	[hbm4b:s16+s2] =	stream.linear.scatter [tilespmem:s29], [sflag:$0x8], $0x8000, $0x38;
	[tilespmem:$0x117A0] =	vst v63  }
0x179: {  	_ =	swait.ge [sflag:s10], $0x8000  }
0x17a: {  	[sflag:s10] =	ssyncset.done $0x0  }
0x17b: {  	[sflag:s10] =	ssyncadd.s32 $0xFFFF8000  }
0x17c: {  	_ =	swait.ge [sflag:s15], $0x8000  }
0x17d: {  	s5 =	rddreg [dreg:$0x16]  }
0x17e: {  	s24 =	rddreg [dreg:$0x11];
	s5 =	sadd.s32 $0x1, s5  }
0x17f: {  	p1 =	sne.s32 s5, s24  }
.Ltmp1:
0x180: {  	_ = 	snop;
	(pc) =	sbr.rel @p1 .LBB2_1-.Ltmp1, $4  }
0x181: {  	_ = 	snop  }
0x182: {  	s30 =	simm.s32 $0x300  }
0x183: {  	s12 =	simm.s32 $0x380;
	s13 =	simm.s32 $0x100;
	[sflag:s15] =	ssyncset.done $0x0  }
0x184: {  	s16 =	simm.s32 $0x180;
	[sflag:s15] =	ssyncadd.s32 $0xFFFF8000;
	s24 =	simm.s32 $0x280  }
0x185: {  	_ =	sfence.sel $0x180000  }
0x186: {  	[bflag:$0x0] =	sbarrier.arrive $0xFFFF  }
0x187: {  	_ =	strace $0x90000047  }
0x188: {  	[bflag:$0x2] =	sbarrier.arrive $0xFFFF  }
0x189: {  	s0 =	rddreg [dreg:$0x3]  }
0x18a: {  	s0 =	sadd.s32 @!p0 $0x100000, s0  }
0x18b: {  	[sflag:s0] =	ssyncadd.tile.s32 @!p0 $0x1;
	_ =	shalt  }
.Lfunc_end2:
_tile_overlayer_lowered:
.L_overlay_start_2:
0x18c: {  	(tag) =	ssettag $0x2  }
0x18d: {  	s0 =	rddreg [dreg:$0x0];
	s2 =	stileid.u32  }
0x18e: {  	s1 =	rddreg [dreg:$0x1];
	p0 =	sne.s32 s2, $0x0  }
0x18f: {  	s3 =	rddreg [dreg:$0x2];
	[bflag:$0x3] =	sbarrier.arrive $0xFFFF;
	s2 =	simm.s32 @!p0 $0x1C09  }
0x190: {  	[timem:s3], [sflag:s2] =	dma.local @!p0 [hbm:s0], s1  }
0x191: {  	s0 =	simm.s32 @!p0 $0x9  }
0x192: {  	_ =	swait.ge @!p0 [sflag:s0], s1  }
0x193: {  	s1 =	ssub.s32 @!p0 $0x0, s1;
	[sflag:s0] =	ssyncset.done @!p0 $0x0  }
0x194: {  	[sflag:s0] =	ssyncadd.s32 @!p0 s1  }
0x195: {  	[bflag:$0x3] =	sbarrier.arrive $0xFFFF  }
0x196: {  	_ =	shalt  }

// kernel: sparse-core-data-format-call.cloned.1.call-start
scs
called_computation_lowered:
.L_overlay_start_0:
0x0: {  	s2 =	sld [smem:$0x3FD9]  }
0x1: {  	s3 =	sld [smem:$0x3FFE];
	_ =	sdelay $0x1  }
0x2: {  	s1 =	srdreg.scid  }
0x3: {  	s0 =	sand.u32 $0x1, s1  }
0x4: {  	s18 =	sshll.u32 s0, $0xA;
	s2 =	sadd.s32 s3, s2  }
0x5: {  	s2 =	sadd.s32 s2, s18  }
0x6: {  	[smem:$0x3FC6] =	sst s2  }
0x7: {  	_ = 	snop  }
0x8: {  	s2 =	sld [smem:$0x3FD0];
	(tm) =	ssettm $0x1  }
0x9: {  	s19 =	sld [smem:$0x3FFB];
	_ =	sdelay $0x3  }
0xa: {  	_ =	strace s19  }
0xb: {  	s3 =	sld [smem:$0x3FFC];
	_ =	sdelay $0x3  }
0xc: {  	_ =	strace s3  }
0xd: {  	s3 =	sld [smem:$0x3FFD];
	_ =	sdelay $0x3  }
0xe: {  	_ =	strace s3  }
0xf: {  	_ =	strace $0x8FFFFFFF  }
0x10: {  	s20 =	sld [smem:$0x3FDB];
	_ =	sdelay $0x1  }
0x11: {  	s4 =	simm.s32 $_scs_section_size  }
0x12: {  	s5 =	simm.s32 $_size__tile_overlayer_lowered;
	s6 =	simm.s32 $_tile_overlayer_lowered  }
0x13: {  	s23 =	simm.s32 $0x1BFF;
	s22 =	sshll.u32 s6, $0x1;
	s3 =	sadd.s32 s4, s20  }
0x14: {  	s7 =	simm.s32 $0x0;
	s21 =	sshll.u32 s5, $0x1;
	s5 =	sadd.s32 s22, s3  }
0x15: {  	[timem:s7], [sflag:s23] =	dma.local [hbm:s5], s21  }
0x16: {  	_ =	swait.ge [sflag:s23], s21  }
0x17: {  	s4 =	ssub.s32 $0x0, s21;
	[sflag:s23] =	ssyncset.done $0x0  }
0x18: {  	[sflag:s23] =	ssyncadd.s32 s4;
	_ =	sdelay $0x1  }
0x19: {  	s24 =	simm.s32 $0x1B8B  }
0x1a: {  	_ =	swait.ge [sflag:s24], $0x1  }
0x1b: {  	[sflag:s24] =	ssyncset.done $0x0  }
0x1c: {  	s26 =	simm.s32 $0x1B8E;
	s25 =	sld [smem:$0x3FFE];
	[sflag:s24] =	ssyncadd.s32 $0xFFFFFFFF  }
0x1d: {  	s27 =	simm.s32 $execute0_lowered;
	[smem:$0x3FD2] =	sst s26  }
0x1e: {  	s5 =	sshll.u32 s27, $0x1;
	_ =	strace $0x80000049;
	[dreg:$0x1] =	wrdreg $0xFFFFFFFF  }
0x1f: {  	s28 =	simm.s32 $_size_execute0_lowered;
	s3 =	sadd.s32 s3, s5;
	[dreg:$0x0] =	wrdreg $0x0  }
0x20: {  	s5 =	sshll.u32 s28, $0x1;
	[dreg:$0x2] =	wrdreg s3  }
0x21: {  	[dreg:$0x3] =	wrdreg s5  }
0x22: {  	[dreg:$0x4] =	wrdreg $0xC0  }
0x23: {  	_ =	task [dreg:s7], $0x5FFFF  }
0x24: {  	[dreg:$0x1] =	wrdreg $0xFFFFFFFF  }
0x25: {  	[dreg:$0x0] =	wrdreg $0x60  }
0x26: {  	[dreg:$0x2] =	wrdreg s25  }
0x27: {  	[dreg:$0x3] =	wrdreg s2  }
0x28: {  	[dreg:$0x4] =	wrdreg $0x9  }
0x29: {  	_ =	task.clear_ibuf [dreg:s7], $0x5FFFF;
	_ =	strace $0x90000049  }
0x2a: {  	s29 =	simm.s32 $0x9;
	_ =	strace $0x8000004B  }
0x2b: {  	_ =	swait.ge [sflag:s29], $0x1  }
0x2c: {  	[sflag:s29] =	ssyncadd.s32 $0xFFFFFFFF  }
0x2d: {  	_ =	strace $0x9000004B  }
0x2e: {  	_ =	sfence  }
0x2f: {  	s30 =	sld [smem:$0x0];
	_ =	sdelay $0x2  }
0x30: {  	s31 =	sshll.u32 s1, $0xD;
	s1 =	sshrl.u32 s1, $0x2  }
0x31: {  	s3 =	sand.u32 $0x4000, s31;
	s1 =	sadd.s32 s1, s30  }
0x32: {  	s0 =	sor.u32 s3, s0;
	s1 =	sshll.u32 s1, $0x11  }
0x33: {  	s0 =	sor.u32 s1, s0  }
0x34: {  	s0 =	sadd.s32 $0x8F2B, s0  }
0x35: {  	[sflag:s0] =	ssyncadd.remote.s32 $0x1  }
0x36: {  	_ =	sfence.sel $0xFFFF  }
0x37: {  	[dreg:$0x0] =	wrdreg $0xFFFFFFFF;
	(pc) =	sbr.abs _section_cstart, $3  }
0x38: {  	[dreg:$0x1] =	wrdreg $0xFFFFFFFF  }
0x39: {  	_ =	task.clear_ibuf [dreg:s7], $0x2FFFF;
	_ =	strace $0x9FFFFFFF  }
0x3a: {  	(tm) =	ssettm $0x7FFFFFFF  }
0x3b: {  	_ =	shalt  }
tec
execute0_lowered:
.L_overlay_start_1:
0x0: {  	(tag) =	ssettag $0x1  }
0x1: {  	s0 =	srdreg.scid  }
0x2: {  	s1 =	sshll.u32 s0, $0x4  }
0x3: {  	s0 =	stileid.u32;
	s1 =	sand.u32 $0x10, s1  }
0x4: {  	s1 =	sor.u32 s0, s1  }
0x5: {  	s6 =	rddreg [dreg:$0x0];
	s4 =	simm.s32 $0x1;
	s2 =	sshll.u32 s1, $0x7  }
0x6: {  	s7 =	simm.s32 $0x2;
	s12 =	simm.s32 $0x0;
	s1 =	ssub.s32 $0x4000, s2  }
0x7: {  	s8 =	simm.s32 $0x20000;
	s13 =	simm.s32 $0x0;
	s3 =	sand.u32 $0xF80, s1  }
0x8: {  	s9 =	simm.s32 $0x0;
	s5 =	sshrl.u32 s1, $0xC;
	p0 =	sne.s32 s3, $0x0  }
.Ltmp0:
0x9: {  	s1 =	rddreg [dreg:$0x2];
	s4 =	simm.s32 @!p0 $0x0;
	(pc) =	sbr.rel .LBB1_1-.Ltmp0, $4  }
0xa: {  	s11 =	simm.s32 $0x0;
	s3 =	rddreg [dreg:$0x1];
	s5 =	sadd.s32 s4, s5  }
0xb: {  	_ =	strace $0x8000004A;
	s4 =	simm.s32 $0x1;
	s5 =	smul.u32 $0xC8, s5  }
0xc: {  	s6 =	sadd.s32 $0x800, s6;
	s10 =	smov.u32 s2;
	[sflag:s4] =	ssyncpa.u1 $0x0  }
0xd: {  	p0 =	por $0x0, $0x0;
	[sflag:s7] =	ssyncpa.u1 $0x0;
	s7 =	sor.u32 $0x1, s5  }
.LBB1_4:
0xe: {  	s16 =	sshll.u32 s13, $0x3;
	s17 =	sand.u32 $0x78, s13  }
0xf: {  	s30 =	sand.u32 $0x1F800, s13;
	s12 =	sshll.u32 s12, $0x11;
	s16 =	sand.u32 $0x3C00, s16  }
0x10: {  	[tilespmem:s15+$0x810 ss:$0x81] =	vst.msk $0xffff, v2;
	s31 =	sand.u32 $0x7, s13;
	s16 =	sor.u32 s17, s16;
	s17 =	sadd.s32 s3, s30  }
0x11: {  	[tilespmem:s15+$0x1020 ss:$0x81] =	vst.msk $0xffff, v0;
	s13 =	sshll.u32 s31, $0x12;
	s12 =	sadd.s32 s12, s17;
	s16 =	sshrl.u32 s16, $0x3  }
0x12: {  	[tilespmem:s15+$0x0 ss:$0x81] =	vst.msk $0xffff, v1;
	s13 =	sor.u32 $0x400, s13;
	s12 =	sadd.s32 s16, s12  }
0x13: {  	[hbm4b:s12+s13] =	stream.strided.scatter [tilespmem:s14], [sflag:$0x2], $0x2000, s8, s13, $0x20;
	[tilespmem:$0x8080] =	vst v63  }
.LBB1_5:
0x14: {  	s14 =	sadd.s32 $0x1, s9  }
0x15: {  	s12 =	sadd.s32 $0x1000, s10;
	s16 =	smov.u32 s10;
	p2 =	sgt.s32 s14, $0xC7  }
0x16: {  	s16 =	smov.u32 @p2 s12  }
0x17: {  	s14 =	simm.s32 @p2 $0x0;
	p2 =	sgt.s32 s16, $0x3FFF  }
0x18: {  	s16 =	smov.u32 @p2 s2;
	p2 =	sne.s32 s11, s7  }
.Ltmp1:
0x19: {  	p1 =	slt.u32 s11, $0x2;
	(pc) =	sbr.rel @!p2 .LBB1_6-.Ltmp1, $4  }
0x1a: {  	s15 =	simm.s32 @!p1 $0x2  }
0x1b: {  	s13 =	smov.u32 s10;
	p0 =	por !p0, !p0;
	_ =	swait.ge @!p1 [sflag:s15], $0x2000  }
0x1c: {  	s12 =	smov.u32 s9;
	[sflag:s15] =	ssyncset.done @!p1 $0x0;
	s9 =	smov.u32 s14  }
0x1d: {  	s11 =	sadd.s32 $0x1, s11;
	[sflag:s15] =	ssyncadd.s32 @!p1 $0xFFFFE000;
	s10 =	smov.u32 s16  }
.LBB1_1:
0x1e: {  	p1 =	sge.u32 s11, s5  }
0x1f: {  	s14 =	sand.u32 @!p1 $0x1FFFFFF, s9  }
0x20: {  	s15 =	smulhi.u32 @!p1 $0x147AE15, s14;
	_ =	sdelay $0x1  }
0x21: {  	s15 =	smul.u32 @!p1 $0xC8, s15  }
0x22: {  	s16 =	sxor.u32 @!p1 $0xFFFFFFFF, s11;
	s17 =	smul.u32 @!p1 $0xC80, s10  }
0x23: {  	s31 =	sadd.s32 $0xFFFFFFFF, s11;
	s16 =	sshll.u32 @!p1 s16, $0xD;
	s14 =	ssub.s32 @!p1 s14, s15  }
0x24: {  	s15 =	sand.u32 @!p1 $0x2000, s16;
	s16 =	sadd.s32 @!p1 s6, s17;
	s14 =	sshll.u32 @!p1 s14, $0x4  }
0x25: {  	s17 =	simm.s32 @!p1 $0x6400;
	s14 =	sadd.s32 @!p1 s14, s16;
	s16 =	simm.s32 @!p1 $0x40  }
0x26: {  	[tilespmem:s15], [sflag:$0x1] =	stream.strided.gather @!p1 [hbm4b:s14+s16], $0x2000, s17, s16, $0x38;
	[tilespmem:$0x8080] =	vst v63  }
0x27: {  	p1 =	sge.u32 s31, s5  }
.Ltmp2:
0x28: {  	_ = 	snop;
	(pc) =	sbr.rel @p1 .LBB1_5-.Ltmp2, $1  }
0x29: {  	_ =	sdelay $0x3  }
0x2a: {  	s14 =	simm.s32 $0x1  }
0x2b: {  	_ =	swait.ge [sflag:s4], $0x2000;
	s14 =	simm.s32 @!p0 $0x0  }
0x2c: {  	[sflag:s4] =	ssyncset.done $0x0;
	s15 =	sshll.u32 s14, $0xD  }
0x2d: {  	[sflag:s4] =	ssyncadd.s32 $0xFFFFE000;
	s18 =	sor.u32 $0x20, s15  }
0x2e: {  	s14 =	smul.u32 $0x8100, s14;
	v3 =	vld [tilespmem:s18+$0x10]  }
0x2f: {  	s30 =	sand.u32 $0x1, s11;
	v2 =	vld [tilespmem:s18+$0xFFFFFFF0]  }
0x30: {  	s15 =	smul.u32 $0x8100, s30;
	s14 =	sshrl.u32 s14, $0x2;
	v0 =	vld [tilespmem:s18+$0x0]  }
0x31: {  	v1 =	vld [tilespmem:s18+$0xFFFFFFE0];
	s16 =	sor.u32 $0x4000, s14  }
0x32: {  	s31 =	sshrl.u32 s15, $0x2;
	s15 =	sadd.s32 $0x0, s16  }
0x33: {  	s17 =	simm.s32 $0x4;
	s18 =	sadd.s32 $0x40, s18;
	s14 =	sor.u32 $0x4000, s31;
	[tilespmem:s15+$0x1830 ss:$0x81] =	vst.msk $0xffff, v3  }
.LBB1_3:
0x34: {  	v3 =	vld [tilespmem:s18+$0x10];
	p1 =	sne.s32 s17, $0x1FC;
	[tilespmem:s15+$0x810 ss:$0x81] =	vst.msk $0xffff, v2;
	s19 =	smov.u32 s17;
	s17 =	sadd.s32 $0x4, s17  }
.Ltmp3:
0x35: {  	v2 =	vld [tilespmem:s18+$0xFFFFFFF0];
	[tilespmem:s15+$0x1020 ss:$0x81] =	vst.msk $0xffff, v0;
	(pc) =	sbr.rel @p1 .LBB1_3-.Ltmp3, $4  }
0x36: {  	v0 =	vld [tilespmem:s18+$0x0];
	[tilespmem:s15+$0x0 ss:$0x81] =	vst.msk $0xffff, v1  }
0x37: {  	s15 =	sshra.s32 s19, $0x2;
	v1 =	vld [tilespmem:s18+$0xFFFFFFE0]  }
0x38: {  	s15 =	sadd.s32 s15, s16  }
0x39: {  	s18 =	sadd.s32 $0x40, s18;
	[tilespmem:s15+$0x1830 ss:$0x81] =	vst.msk $0xffff, v3  }
.Ltmp4:
0x3a: {  	_ = 	snop;
	(pc) =	sbr.rel .LBB1_4-.Ltmp4, $1  }
0x3b: {  	_ =	sdelay $0x3  }
.LBB1_6:
0x3c: {  	_ =	sfence.sel $0x180000  }
0x3d: {  	s2 =	simm.s32 $0x1;
	[bflag:$0x0] =	sbarrier.arrive $0xFFFF  }
0x3e: {  	s31 =	simm.s32 $0x2;
	[sflag:s2] =	ssyncpa.u1 $0x1  }
0x3f: {  	[sflag:s31] =	ssyncpa.u1 $0x1  }
0x40: {  	p0 =	sne.s32 s0, $0x0;
	_ =	strace $0x9000004A  }
0x41: {  	s0 =	sadd.s32 @!p0 $0x100000, s1;
	[bflag:$0x2] =	sbarrier.arrive $0xFFFF  }
0x42: {  	[sflag:s0] =	ssyncadd.tile.s32 @!p0 $0x1;
	_ =	shalt  }
.Lfunc_end1:
_tile_overlayer_lowered:
.L_overlay_start_2:
0x43: {  	(tag) =	ssettag $0x2  }
0x44: {  	s0 =	rddreg [dreg:$0x0];
	s2 =	stileid.u32  }
0x45: {  	s1 =	rddreg [dreg:$0x1];
	p0 =	sne.s32 s2, $0x0  }
0x46: {  	s3 =	rddreg [dreg:$0x2];
	[bflag:$0x3] =	sbarrier.arrive $0xFFFF;
	s2 =	simm.s32 @!p0 $0x1C01  }
0x47: {  	[timem:s3], [sflag:s2] =	dma.local @!p0 [hbm:s0], s1  }
0x48: {  	s0 =	simm.s32 @!p0 $0x1  }
0x49: {  	_ =	swait.ge @!p0 [sflag:s0], s1  }
0x4a: {  	s1 =	ssub.s32 @!p0 $0x0, s1;
	[sflag:s0] =	ssyncset.done @!p0 $0x0  }
0x4b: {  	[sflag:s0] =	ssyncadd.s32 @!p0 s1  }
0x4c: {  	[bflag:$0x3] =	sbarrier.arrive $0xFFFF  }
0x4d: {  	_ =	shalt  }

</sc_bundles>
